<compile_context>
chip_gen: v7x
topology: tpu7x:2x2x1
jax: 0.10.2.dev20260603
libtpu: 0.0.44.dev20260713+nightly
codegen_flags: <defaults>
</compile_context>

<pallas_src>
import functools

import jax
import jax.numpy as jnp
from jax import lax
from jax.experimental import pallas as pl
from jax.experimental.pallas import tpu as pltpu
from jax.experimental.pallas import tpu_sc as plsc

N = 10000
E = 320000
D = 128
DE = 16
L = 3

NC = 2
NS = 16
NW = NC * NS
CHUNK = 128
EPT = E // NW
NCH = 80
EPT_PAD = NCH * CHUNK
ACC_ROWS = EPT_PAD
PAD_DST = N
INIT_ROWS = ACC_ROWS // NS
FULL = EPT // CHUNK
TAIL = EPT - FULL * CHUNK


@functools.cache
def _mesh():
    return plsc.VectorSubcoreMesh(core_axis_name="c", subcore_axis_name="s",
                                  num_cores=NC, num_subcores=NS)


HALF = NCH // 2


def _spmv_body(x_hbm, srcs_hbm, dsts_hbm, zz_hbm, part_hbm,
               rows_a, rows_b, src_v, dst_v, acc, sem_a, sem_b):
    c = lax.axis_index("c")
    s = lax.axis_index("s")
    wid = c * NS + s

    pltpu.sync_copy(zz_hbm.at[pl.ds(s * INIT_ROWS, INIT_ROWS)],
                    acc.at[pl.ds(s * INIT_ROWS, INIT_ROWS)])
    plsc.subcore_barrier()

    for p in range(2):
        pltpu.sync_copy(srcs_hbm.at[wid, pl.ds(p * HALF, HALF)], src_v)
        pltpu.sync_copy(dsts_hbm.at[wid, pl.ds(p * HALF, HALF)], dst_v)
        pltpu.async_copy(x_hbm.at[src_v.at[0]], rows_a, sem_a)

        def pair(k, carry):
            j0 = 2 * k
            pltpu.make_async_copy(x_hbm.at[src_v.at[j0]], rows_a, sem_a).wait()
            pltpu.async_copy(x_hbm.at[src_v.at[j0 + 1]], rows_b, sem_b)
            pltpu.sync_copy(rows_a, acc.at[dst_v.at[j0]], add=True)
            pltpu.make_async_copy(x_hbm.at[src_v.at[j0 + 1]], rows_b,
                                  sem_b).wait()

            @pl.when(j0 + 2 < HALF)
            def _():
                pltpu.async_copy(x_hbm.at[src_v.at[j0 + 2]], rows_a, sem_a)

            pltpu.sync_copy(rows_b, acc.at[dst_v.at[j0 + 1]], add=True)
            return carry

        lax.fori_loop(0, HALF // 2, pair, 0)
    plsc.subcore_barrier()

    pltpu.sync_copy(acc.at[pl.ds(s * INIT_ROWS, INIT_ROWS)],
                    part_hbm.at[c, pl.ds(s * INIT_ROWS, INIT_ROWS)])


@functools.cache
def _sc_spmv():
    return pl.kernel(
        _spmv_body,
        out_type=jax.ShapeDtypeStruct((NC, ACC_ROWS, D), jnp.float32),
        mesh=_mesh(),
        scratch_types=[
            pltpu.VMEM((CHUNK, D), jnp.float32),
            pltpu.VMEM((CHUNK, D), jnp.float32),
            pltpu.VMEM((HALF, CHUNK), jnp.int32),
            pltpu.VMEM((HALF, CHUNK), jnp.int32),
            pltpu.VMEM_SHARED((ACC_ROWS, D), jnp.float32),
            pltpu.SemaphoreType.DMA,
            pltpu.SemaphoreType.DMA,
        ],
    )


def _eagg_body(ea_hbm, dsts_hbm, zz2_hbm, eagg_hbm,
               ea_a, ea_b, dst_v, acc2, sem_a, sem_b):
    c = lax.axis_index("c")
    s = lax.axis_index("s")
    wid = c * NS + s
    base = wid * EPT

    pltpu.sync_copy(zz2_hbm.at[pl.ds(s * INIT_ROWS, INIT_ROWS)],
                    acc2.at[pl.ds(s * INIT_ROWS, INIT_ROWS)])
    pltpu.sync_copy(dsts_hbm.at[wid], dst_v)
    plsc.subcore_barrier()

    pltpu.async_copy(ea_hbm.at[pl.ds(base, CHUNK)], ea_a, sem_a)

    def pair(k, carry):
        j0 = 2 * k
        pltpu.make_async_copy(ea_hbm.at[pl.ds(base, CHUNK)], ea_a, sem_a).wait()
        pltpu.async_copy(ea_hbm.at[pl.ds(base + (j0 + 1) * CHUNK, CHUNK)],
                         ea_b, sem_b)
        pltpu.sync_copy(ea_a, acc2.at[dst_v.at[j0]], add=True)
        pltpu.make_async_copy(ea_hbm.at[pl.ds(base, CHUNK)], ea_b, sem_b).wait()

        @pl.when(j0 + 2 < FULL)
        def _():
            pltpu.async_copy(ea_hbm.at[pl.ds(base + (j0 + 2) * CHUNK, CHUNK)],
                             ea_a, sem_a)

        pltpu.sync_copy(ea_b, acc2.at[dst_v.at[j0 + 1]], add=True)
        return carry

    lax.fori_loop(0, FULL // 2, pair, 0)

    pltpu.sync_copy(ea_hbm.at[pl.ds(base + FULL * CHUNK, TAIL)],
                    ea_a.at[pl.ds(0, TAIL)])
    pltpu.sync_copy(ea_a, acc2.at[dst_v.at[FULL]], add=True)
    plsc.subcore_barrier()

    pltpu.sync_copy(acc2.at[pl.ds(s * INIT_ROWS, INIT_ROWS)],
                    eagg_hbm.at[c, pl.ds(s * INIT_ROWS, INIT_ROWS)])


@functools.cache
def _sc_eagg():
    return pl.kernel(
        _eagg_body,
        out_type=jax.ShapeDtypeStruct((NC, ACC_ROWS, DE), jnp.float32),
        mesh=_mesh(),
        scratch_types=[
            pltpu.VMEM((CHUNK, DE), jnp.float32),
            pltpu.VMEM((CHUNK, DE), jnp.float32),
            pltpu.VMEM((NCH, CHUNK), jnp.int32),
            pltpu.VMEM_SHARED((ACC_ROWS, DE), jnp.float32),
            pltpu.SemaphoreType.DMA,
            pltpu.SemaphoreType.DMA,
        ],
        compiler_params=pltpu.CompilerParams(use_tc_tiling_on_sc=False),
    )


def _tc_layer(part_ref, eaggp_ref, wes_ref, w_ref, b_ref, g_ref, be_ref,
              out_ref):
    s = part_ref[0, :N] + part_ref[1, :N]
    eagg = eaggp_ref[0, :N] + eaggp_ref[1, :N]
    agg = s + jnp.dot(eagg, wes_ref[...], preferred_element_type=jnp.float32)
    h = jnp.dot(agg, w_ref[...], preferred_element_type=jnp.float32)
    h = h + b_ref[...]
    mean = jnp.mean(h, axis=0, keepdims=True)
    var = jnp.mean((h - mean) ** 2, axis=0, keepdims=True)
    h = (h - mean) * jax.lax.rsqrt(var + 1e-5) * g_ref[...] + be_ref[...]
    out_ref[...] = jnp.maximum(h, 0.0)


_tc_call = pl.pallas_call(
    _tc_layer,
    out_shape=jax.ShapeDtypeStruct((N, D), jnp.float32),
)


def kernel(x, edge_index, edge_attr, batch, Ws, bs, Wes, gammas, betas):
    del batch
    src = edge_index[0].astype(jnp.int32)
    dst = edge_index[1].astype(jnp.int32)

    srcs = jnp.pad(src.reshape(NW, EPT), ((0, 0), (0, EPT_PAD - EPT)))
    srcs = srcs.reshape(NW, NCH, CHUNK)
    dsts = jnp.pad(dst.reshape(NW, EPT), ((0, 0), (0, EPT_PAD - EPT)),
                   constant_values=PAD_DST).reshape(NW, NCH, CHUNK)
    zz = jnp.zeros((ACC_ROWS, D), jnp.float32)
    zz2 = jnp.zeros((ACC_ROWS, DE), jnp.float32)

    x = x.astype(jnp.float32)
    eaggp = _sc_eagg()(edge_attr.astype(jnp.float32), dsts, zz2)
    for l in range(L):
        part = _sc_spmv()(x, srcs, dsts, zz)
        x = _tc_call(part, eaggp, Wes[l], Ws[l], bs[l].reshape(1, D),
                     gammas[l].reshape(1, D), betas[l].reshape(1, D))
    return (x, L)

# --- scband reference (transcript-rebuilt; emitter-appended) ---
"""Pipeline reference for scband-deep-gnn-66142496358703 (READ-ONLY COPY).

The authoritative reference and input builder live on the scoring server;
editing this copy changes nothing except your own understanding.
"""

import jax, jax.numpy as jnp
import numpy as np

N_NODES = 10000
N_EDGES = 320000
D = 128
D_EDGE = 16
L = 3
NUM_GRAPHS = 64

def setup_inputs(seed: int = 0) -> dict:
    key = jax.random.key(seed)
    ks = jax.random.split(key, 10)
    x = jax.random.normal(ks[0], (N_NODES, D), dtype=jnp.float32)
    edge_index = jax.random.randint(ks[1], (2, N_EDGES), 0, N_NODES, dtype=jnp.int64)
    edge_attr = jax.random.normal(ks[2], (N_EDGES, D_EDGE), dtype=jnp.float32)
    batch = jnp.sort(jax.random.randint(ks[3], (N_NODES,), 0, NUM_GRAPHS, dtype=jnp.int64))
    Ws = jax.random.normal(ks[4], (L, D, D), dtype=jnp.float32) * (1.0 / np.sqrt(D))
    bs = jnp.zeros((L, D), dtype=jnp.float32)
    Wes = jax.random.normal(ks[5], (L, D_EDGE, D), dtype=jnp.float32) * (1.0 / np.sqrt(D_EDGE))
    gammas = jnp.ones((L, D), dtype=jnp.float32)
    betas = jnp.zeros((L, D), dtype=jnp.float32)
    return {"x": x, "edge_index": edge_index, "edge_attr": edge_attr, "batch": batch,
            "Ws": Ws, "bs": bs, "Wes": Wes, "gammas": gammas, "betas": betas}

def _readout(h, batch):
    s = jax.ops.segment_sum(h, batch, num_segments=NUM_GRAPHS)
    cnt = jax.ops.segment_sum(jnp.ones((h.shape[0], 1), dtype=h.dtype), batch, num_segments=NUM_GRAPHS)
    return s / jnp.maximum(cnt, 1.0)

def reference(x, edge_index, edge_attr, batch, Ws, bs, Wes, gammas, betas):
    src = edge_index[0]
    dst = edge_index[1]
    xs = [_readout(x, batch)]
    for l in range(L):
        # GINE-style message passing layer: msg = x[src] + edge_proj(edge_attr)
        msg = jnp.take(x, src, axis=0) + edge_attr @ Wes[l]
        agg = jax.ops.segment_sum(msg, dst, num_segments=N_NODES)
        h = agg @ Ws[l] + bs[l]
        # BatchNorm1d (training mode, batch statistics over nodes)
        mean = jnp.mean(h, axis=0)
        var = jnp.var(h, axis=0)
        h = (h - mean) / jnp.sqrt(var + 1e-5) * gammas[l] + betas[l]
        x = jax.nn.relu(h)
        xs.append(_readout(x, batch))
    # jk is None -> readouts in xs are computed but unused; module returns (x, num_layers)
    return (x, L)

if __name__ == "__main__":
    import jax
    _d = setup_inputs()
    print(jax.jit(kernel)(*tuple(_d.values())))

</pallas_src>

<mosaic_0001>
#map = affine_map<(d0, d1) -> (0, 0)>
#map1 = affine_map<(d0, d1) -> (0, 0, 0)>
module attributes {stable_mosaic.version = 14 : i64} {
  func.func @_spmv_body(%arg0: i32, %arg1: i32, %arg2: memref<10000x128xf32, #tpu.memory_space<hbm>>, %arg3: memref<32x80x128xi32, #tpu.memory_space<hbm>>, %arg4: memref<32x80x128xi32, #tpu.memory_space<hbm>>, %arg5: memref<10240x128xf32, #tpu.memory_space<hbm>>, %arg6: memref<2x10240x128xf32, #tpu.memory_space<hbm>>, %arg7: memref<128x128xf32, #tpu.memory_space<vmem>>, %arg8: memref<128x128xf32, #tpu.memory_space<vmem>>, %arg9: memref<40x128xi32, #tpu.memory_space<vmem>>, %arg10: memref<40x128xi32, #tpu.memory_space<vmem>>, %arg11: memref<10240x128xf32, #tpu.memory_space<vmem_shared>>, %arg12: memref<!tpu.dma_semaphore, #tpu.memory_space<semaphore_mem>>, %arg13: memref<!tpu.dma_semaphore, #tpu.memory_space<semaphore_mem>>) attributes {dimension_semantics = [#tpu.dimension_semantics<core_parallel>, #tpu.dimension_semantics<subcore_parallel>], iteration_bounds = array<i64: 2, 16>, scalar_prefetch = 0 : i64, scratch_operands = 7 : i64, tpu.core_type = #tpu.core_type<sc_vector_subcore>, window_params = [{transform_indices = #map}, {transform_indices = #map1}, {transform_indices = #map1}, {transform_indices = #map}, {transform_indices = #map1}]} {
    %mul3A = arith.constant 16 : i32
    %mul3A_0 = arith.muli %arg0, %mul3A : i32
    %add3A = arith.addi %mul3A_0, %arg1 : i32
    %mul3A_1 = arith.constant 640 : i32
    %mul3A_2 = arith.muli %arg1, %mul3A_1 : i32
    %mul3A_3 = arith.constant 640 : i32
    %mul3A_4 = arith.muli %arg1, %mul3A_3 : i32
    "tpu.region"() ({
      %run_scoped3A = tpu.sem_alloc : memref<!tpu.dma_semaphore, #tpu.memory_space<semaphore_mem>>
      %dma_start3A_34 = arith.constant 0 : i32
      %dma_start3A_35 = tpu.memref_slice %arg11[%mul3A_4, %dma_start3A_34] : memref<10240x128xf32, #tpu.memory_space<vmem_shared>> -> memref<640x128xf32, #tpu.memory_space<vmem_shared>>
      %dma_start3A_36 = arith.constant 0 : i32
      %dma_start3A_37 = tpu.memref_slice %arg5[%mul3A_2, %dma_start3A_36] : memref<10240x128xf32, #tpu.memory_space<hbm>> -> memref<640x128xf32, #tpu.memory_space<hbm>>
      tpu.enqueue_dma source(%dma_start3A_37 : memref<640x128xf32, #tpu.memory_space<hbm>>) target(%dma_start3A_35 : memref<640x128xf32, #tpu.memory_space<vmem_shared>>) target_semaphore(%run_scoped3A : memref<!tpu.dma_semaphore, #tpu.memory_space<semaphore_mem>>)
      %dma_wait3A = arith.constant 0 : i32
      %dma_wait3A_38 = tpu.memref_slice %arg11[%mul3A_4, %dma_wait3A] : memref<10240x128xf32, #tpu.memory_space<vmem_shared>> -> memref<640x128xf32, #tpu.memory_space<vmem_shared>>
      %dma_wait3A_39 = arith.constant 0 : i32
      %dma_wait3A_40 = tpu.memref_slice %arg5[%mul3A_2, %dma_wait3A_39] : memref<10240x128xf32, #tpu.memory_space<hbm>> -> memref<640x128xf32, #tpu.memory_space<hbm>>
      tpu.wait_dma2 semaphore(%run_scoped3A : memref<!tpu.dma_semaphore, #tpu.memory_space<semaphore_mem>>) src(%dma_wait3A_40 : memref<640x128xf32, #tpu.memory_space<hbm>>) dst(%dma_wait3A_38 : memref<640x128xf32, #tpu.memory_space<vmem_shared>>)
      tpu.yield
    }) : () -> ()
    %barrier3A = arith.constant 0 : index
    tpu.barrier barrier_id(%barrier3A)
    "tpu.region"() ({
      %run_scoped3A = tpu.sem_alloc : memref<!tpu.dma_semaphore, #tpu.memory_space<semaphore_mem>>
      %dma_start3A_34 = arith.constant 0 : i32
      %dma_start3A_35 = arith.constant 0 : i32
      %dma_start3A_36 = tpu.memref_slice %arg3[%add3A, %dma_start3A_34, %dma_start3A_35] : memref<32x80x128xi32, #tpu.memory_space<hbm>> -> memref<1x40x128xi32, #tpu.memory_space<hbm>>
      %dma_start3A_37 = tpu.memref_squeeze %dma_start3A_36 : memref<1x40x128xi32, #tpu.memory_space<hbm>> -> memref<40x128xi32, #tpu.memory_space<hbm>>
      %dma_start3A_38 = arith.constant 0 : i32
      %dma_start3A_39 = arith.constant 0 : i32
      %dma_start3A_40 = tpu.memref_slice %arg3[%add3A, %dma_start3A_38, %dma_start3A_39] : memref<32x80x128xi32, #tpu.memory_space<hbm>> -> memref<1x40x128xi32, #tpu.memory_space<hbm>>
      %dma_start3A_41 = tpu.memref_squeeze %dma_start3A_40 : memref<1x40x128xi32, #tpu.memory_space<hbm>> -> memref<40x128xi32, #tpu.memory_space<hbm>>
      tpu.enqueue_dma source(%dma_start3A_41 : memref<40x128xi32, #tpu.memory_space<hbm>>) target(%arg9 : memref<40x128xi32, #tpu.memory_space<vmem>>) target_semaphore(%run_scoped3A : memref<!tpu.dma_semaphore, #tpu.memory_space<semaphore_mem>>)
      %dma_wait3A = arith.constant 0 : i32
      %dma_wait3A_42 = arith.constant 0 : i32
      %dma_wait3A_43 = tpu.memref_slice %arg3[%add3A, %dma_wait3A, %dma_wait3A_42] : memref<32x80x128xi32, #tpu.memory_space<hbm>> -> memref<1x40x128xi32, #tpu.memory_space<hbm>>
      %dma_wait3A_44 = tpu.memref_squeeze %dma_wait3A_43 : memref<1x40x128xi32, #tpu.memory_space<hbm>> -> memref<40x128xi32, #tpu.memory_space<hbm>>
      %dma_wait3A_45 = arith.constant 0 : i32
      %dma_wait3A_46 = arith.constant 0 : i32
      %dma_wait3A_47 = tpu.memref_slice %arg3[%add3A, %dma_wait3A_45, %dma_wait3A_46] : memref<32x80x128xi32, #tpu.memory_space<hbm>> -> memref<1x40x128xi32, #tpu.memory_space<hbm>>
      %dma_wait3A_48 = tpu.memref_squeeze %dma_wait3A_47 : memref<1x40x128xi32, #tpu.memory_space<hbm>> -> memref<40x128xi32, #tpu.memory_space<hbm>>
      tpu.wait_dma2 semaphore(%run_scoped3A : memref<!tpu.dma_semaphore, #tpu.memory_space<semaphore_mem>>) src(%dma_wait3A_48 : memref<40x128xi32, #tpu.memory_space<hbm>>) dst(%arg9 : memref<40x128xi32, #tpu.memory_space<vmem>>)
      tpu.yield
    }) : () -> ()
    "tpu.region"() ({
      %run_scoped3A = tpu.sem_alloc : memref<!tpu.dma_semaphore, #tpu.memory_space<semaphore_mem>>
      %dma_start3A_34 = arith.constant 0 : i32
      %dma_start3A_35 = arith.constant 0 : i32
      %dma_start3A_36 = tpu.memref_slice %arg4[%add3A, %dma_start3A_34, %dma_start3A_35] : memref<32x80x128xi32, #tpu.memory_space<hbm>> -> memref<1x40x128xi32, #tpu.memory_space<hbm>>
      %dma_start3A_37 = tpu.memref_squeeze %dma_start3A_36 : memref<1x40x128xi32, #tpu.memory_space<hbm>> -> memref<40x128xi32, #tpu.memory_space<hbm>>
      %dma_start3A_38 = arith.constant 0 : i32
      %dma_start3A_39 = arith.constant 0 : i32
      %dma_start3A_40 = tpu.memref_slice %arg4[%add3A, %dma_start3A_38, %dma_start3A_39] : memref<32x80x128xi32, #tpu.memory_space<hbm>> -> memref<1x40x128xi32, #tpu.memory_space<hbm>>
      %dma_start3A_41 = tpu.memref_squeeze %dma_start3A_40 : memref<1x40x128xi32, #tpu.memory_space<hbm>> -> memref<40x128xi32, #tpu.memory_space<hbm>>
      tpu.enqueue_dma source(%dma_start3A_41 : memref<40x128xi32, #tpu.memory_space<hbm>>) target(%arg10 : memref<40x128xi32, #tpu.memory_space<vmem>>) target_semaphore(%run_scoped3A : memref<!tpu.dma_semaphore, #tpu.memory_space<semaphore_mem>>)
      %dma_wait3A = arith.constant 0 : i32
      %dma_wait3A_42 = arith.constant 0 : i32
      %dma_wait3A_43 = tpu.memref_slice %arg4[%add3A, %dma_wait3A, %dma_wait3A_42] : memref<32x80x128xi32, #tpu.memory_space<hbm>> -> memref<1x40x128xi32, #tpu.memory_space<hbm>>
      %dma_wait3A_44 = tpu.memref_squeeze %dma_wait3A_43 : memref<1x40x128xi32, #tpu.memory_space<hbm>> -> memref<40x128xi32, #tpu.memory_space<hbm>>
      %dma_wait3A_45 = arith.constant 0 : i32
      %dma_wait3A_46 = arith.constant 0 : i32
      %dma_wait3A_47 = tpu.memref_slice %arg4[%add3A, %dma_wait3A_45, %dma_wait3A_46] : memref<32x80x128xi32, #tpu.memory_space<hbm>> -> memref<1x40x128xi32, #tpu.memory_space<hbm>>
      %dma_wait3A_48 = tpu.memref_squeeze %dma_wait3A_47 : memref<1x40x128xi32, #tpu.memory_space<hbm>> -> memref<40x128xi32, #tpu.memory_space<hbm>>
      tpu.wait_dma2 semaphore(%run_scoped3A : memref<!tpu.dma_semaphore, #tpu.memory_space<semaphore_mem>>) src(%dma_wait3A_48 : memref<40x128xi32, #tpu.memory_space<hbm>>) dst(%arg10 : memref<40x128xi32, #tpu.memory_space<vmem>>)
      tpu.yield
    }) : () -> ()
    %dma_start3A = arith.constant 0 : i32
    %dma_start3A_5 = arith.constant 0 : i32
    %dma_start3A_6 = tpu.memref_slice %arg9[%dma_start3A, %dma_start3A_5] : memref<40x128xi32, #tpu.memory_space<vmem>> -> memref<1x128xi32, #tpu.memory_space<vmem>>
    %dma_start3A_7 = tpu.memref_squeeze %dma_start3A_6 : memref<1x128xi32, #tpu.memory_space<vmem>> -> memref<128xi32, #tpu.memory_space<vmem>>
    %dma_start3A_8 = arith.constant 0 : i32
    %dma_start3A_9 = arith.constant 0 : i32
    %dma_start3A_10 = tpu.memref_slice %arg2[%dma_start3A_8, %dma_start3A_9] : memref<10000x128xf32, #tpu.memory_space<hbm>> -> memref<10000x128xf32, #tpu.memory_space<hbm>>
    tpu.enqueue_indirect_dma source(%dma_start3A_10 : memref<10000x128xf32, #tpu.memory_space<hbm>>) target(%arg7 : memref<128x128xf32, #tpu.memory_space<vmem>>) offsets(%dma_start3A_7 : memref<128xi32, #tpu.memory_space<vmem>>) semaphore(%arg12 : memref<!tpu.dma_semaphore, #tpu.memory_space<semaphore_mem>>)
    %scan3A = arith.constant 0 : i32
    %scan3A_11 = arith.constant 0 : i32
    %scan3A_12 = arith.constant 20 : i32
    %scan3A_13 = arith.addi %scan3A_11, %scan3A_12 : i32
    %scan3A_14 = arith.constant 1 : i32
    scf.for %scan3A_34 = %scan3A_11 to %scan3A_13 step %scan3A_14  : i32 {
      %mul3A_35 = arith.constant 2 : i32
      %mul3A_36 = arith.muli %mul3A_35, %scan3A_34 : i32
      %dma_wait3A = arith.constant 0 : i32
      %dma_wait3A_37 = tpu.memref_slice %arg9[%mul3A_36, %dma_wait3A] : memref<40x128xi32, #tpu.memory_space<vmem>> -> memref<1x128xi32, #tpu.memory_space<vmem>>
      %dma_wait3A_38 = tpu.memref_squeeze %dma_wait3A_37 : memref<1x128xi32, #tpu.memory_space<vmem>> -> memref<128xi32, #tpu.memory_space<vmem>>
      %dma_wait3A_39 = arith.constant 0 : i32
      %dma_wait3A_40 = arith.constant 0 : i32
      %dma_wait3A_41 = tpu.memref_slice %arg2[%dma_wait3A_39, %dma_wait3A_40] : memref<10000x128xf32, #tpu.memory_space<hbm>> -> memref<10000x128xf32, #tpu.memory_space<hbm>>
      tpu.wait_indirect_dma semaphore(%arg12 : memref<!tpu.dma_semaphore, #tpu.memory_space<semaphore_mem>>) src(%dma_wait3A_41 : memref<10000x128xf32, #tpu.memory_space<hbm>>) dst(%arg7 : memref<128x128xf32, #tpu.memory_space<vmem>>)
      %add3A_42 = arith.constant 1 : i32
      %add3A_43 = arith.addi %mul3A_36, %add3A_42 : i32
      %dma_start3A_44 = arith.constant 0 : i32
      %dma_start3A_45 = tpu.memref_slice %arg9[%add3A_43, %dma_start3A_44] : memref<40x128xi32, #tpu.memory_space<vmem>> -> memref<1x128xi32, #tpu.memory_space<vmem>>
      %dma_start3A_46 = tpu.memref_squeeze %dma_start3A_45 : memref<1x128xi32, #tpu.memory_space<vmem>> -> memref<128xi32, #tpu.memory_space<vmem>>
      %dma_start3A_47 = arith.constant 0 : i32
      %dma_start3A_48 = arith.constant 0 : i32
      %dma_start3A_49 = tpu.memref_slice %arg2[%dma_start3A_47, %dma_start3A_48] : memref<10000x128xf32, #tpu.memory_space<hbm>> -> memref<10000x128xf32, #tpu.memory_space<hbm>>
      tpu.enqueue_indirect_dma source(%dma_start3A_49 : memref<10000x128xf32, #tpu.memory_space<hbm>>) target(%arg8 : memref<128x128xf32, #tpu.memory_space<vmem>>) offsets(%dma_start3A_46 : memref<128xi32, #tpu.memory_space<vmem>>) semaphore(%arg13 : memref<!tpu.dma_semaphore, #tpu.memory_space<semaphore_mem>>)
      "tpu.region"() ({
        %run_scoped3A = tpu.sem_alloc : memref<!tpu.dma_semaphore, #tpu.memory_space<semaphore_mem>>
        %dma_start3A_64 = arith.constant 0 : i32
        %dma_start3A_65 = tpu.memref_slice %arg10[%mul3A_36, %dma_start3A_64] : memref<40x128xi32, #tpu.memory_space<vmem>> -> memref<1x128xi32, #tpu.memory_space<vmem>>
        %dma_start3A_66 = tpu.memref_squeeze %dma_start3A_65 : memref<1x128xi32, #tpu.memory_space<vmem>> -> memref<128xi32, #tpu.memory_space<vmem>>
        %dma_start3A_67 = arith.constant 0 : i32
        %dma_start3A_68 = arith.constant 0 : i32
        %dma_start3A_69 = tpu.memref_slice %arg11[%dma_start3A_67, %dma_start3A_68] : memref<10240x128xf32, #tpu.memory_space<vmem_shared>> -> memref<10240x128xf32, #tpu.memory_space<vmem_shared>>
        tpu.enqueue_indirect_dma source(%arg7 : memref<128x128xf32, #tpu.memory_space<vmem>>) target(%dma_start3A_69 : memref<10240x128xf32, #tpu.memory_space<vmem_shared>>) offsets(%dma_start3A_66 : memref<128xi32, #tpu.memory_space<vmem>>) semaphore(%run_scoped3A : memref<!tpu.dma_semaphore, #tpu.memory_space<semaphore_mem>>) {add = true}
        %dma_wait3A_70 = arith.constant 0 : i32
        %dma_wait3A_71 = tpu.memref_slice %arg10[%mul3A_36, %dma_wait3A_70] : memref<40x128xi32, #tpu.memory_space<vmem>> -> memref<1x128xi32, #tpu.memory_space<vmem>>
        %dma_wait3A_72 = tpu.memref_squeeze %dma_wait3A_71 : memref<1x128xi32, #tpu.memory_space<vmem>> -> memref<128xi32, #tpu.memory_space<vmem>>
        %dma_wait3A_73 = arith.constant 0 : i32
        %dma_wait3A_74 = arith.constant 0 : i32
        %dma_wait3A_75 = tpu.memref_slice %arg11[%dma_wait3A_73, %dma_wait3A_74] : memref<10240x128xf32, #tpu.memory_space<vmem_shared>> -> memref<10240x128xf32, #tpu.memory_space<vmem_shared>>
        tpu.wait_indirect_dma semaphore(%run_scoped3A : memref<!tpu.dma_semaphore, #tpu.memory_space<semaphore_mem>>) src(%arg7 : memref<128x128xf32, #tpu.memory_space<vmem>>) dst(%dma_wait3A_75 : memref<10240x128xf32, #tpu.memory_space<vmem_shared>>)
        tpu.yield
      }) : () -> ()
      %add3A_50 = arith.constant 1 : i32
      %add3A_51 = arith.addi %mul3A_36, %add3A_50 : i32
      %dma_wait3A_52 = arith.constant 0 : i32
      %dma_wait3A_53 = tpu.memref_slice %arg9[%add3A_51, %dma_wait3A_52] : memref<40x128xi32, #tpu.memory_space<vmem>> -> memref<1x128xi32, #tpu.memory_space<vmem>>
      %dma_wait3A_54 = tpu.memref_squeeze %dma_wait3A_53 : memref<1x128xi32, #tpu.memory_space<vmem>> -> memref<128xi32, #tpu.memory_space<vmem>>
      %dma_wait3A_55 = arith.constant 0 : i32
      %dma_wait3A_56 = arith.constant 0 : i32
      %dma_wait3A_57 = tpu.memref_slice %arg2[%dma_wait3A_55, %dma_wait3A_56] : memref<10000x128xf32, #tpu.memory_space<hbm>> -> memref<10000x128xf32, #tpu.memory_space<hbm>>
      tpu.wait_indirect_dma semaphore(%arg13 : memref<!tpu.dma_semaphore, #tpu.memory_space<semaphore_mem>>) src(%dma_wait3A_57 : memref<10000x128xf32, #tpu.memory_space<hbm>>) dst(%arg8 : memref<128x128xf32, #tpu.memory_space<vmem>>)
      %add3A_58 = arith.constant 2 : i32
      %add3A_59 = arith.addi %mul3A_36, %add3A_58 : i32
      %lt3A = arith.constant 40 : i32
      %lt3A_60 = arith.cmpi slt, %add3A_59, %lt3A : i32
      %convert_element_type3A = arith.extui %lt3A_60 : i1 to i32
      %cond3A = arith.constant 0 : i32
      %cond3A_61 = arith.cmpi ne, %convert_element_type3A, %cond3A : i32
      scf.if %cond3A_61 {
        %add3A_64 = arith.constant 2 : i32
        %add3A_65 = arith.addi %mul3A_36, %add3A_64 : i32
        %dma_start3A_66 = arith.constant 0 : i32
        %dma_start3A_67 = tpu.memref_slice %arg9[%add3A_65, %dma_start3A_66] : memref<40x128xi32, #tpu.memory_space<vmem>> -> memref<1x128xi32, #tpu.memory_space<vmem>>
        %dma_start3A_68 = tpu.memref_squeeze %dma_start3A_67 : memref<1x128xi32, #tpu.memory_space<vmem>> -> memref<128xi32, #tpu.memory_space<vmem>>
        %dma_start3A_69 = arith.constant 0 : i32
        %dma_start3A_70 = arith.constant 0 : i32
        %dma_start3A_71 = tpu.memref_slice %arg2[%dma_start3A_69, %dma_start3A_70] : memref<10000x128xf32, #tpu.memory_space<hbm>> -> memref<10000x128xf32, #tpu.memory_space<hbm>>
        tpu.enqueue_indirect_dma source(%dma_start3A_71 : memref<10000x128xf32, #tpu.memory_space<hbm>>) target(%arg7 : memref<128x128xf32, #tpu.memory_space<vmem>>) offsets(%dma_start3A_68 : memref<128xi32, #tpu.memory_space<vmem>>) semaphore(%arg12 : memref<!tpu.dma_semaphore, #tpu.memory_space<semaphore_mem>>)
      } else {
      }
      %add3A_62 = arith.constant 1 : i32
      %add3A_63 = arith.addi %mul3A_36, %add3A_62 : i32
      "tpu.region"() ({
        %run_scoped3A = tpu.sem_alloc : memref<!tpu.dma_semaphore, #tpu.memory_space<semaphore_mem>>
        %dma_start3A_64 = arith.constant 0 : i32
        %dma_start3A_65 = tpu.memref_slice %arg10[%add3A_63, %dma_start3A_64] : memref<40x128xi32, #tpu.memory_space<vmem>> -> memref<1x128xi32, #tpu.memory_space<vmem>>
        %dma_start3A_66 = tpu.memref_squeeze %dma_start3A_65 : memref<1x128xi32, #tpu.memory_space<vmem>> -> memref<128xi32, #tpu.memory_space<vmem>>
        %dma_start3A_67 = arith.constant 0 : i32
        %dma_start3A_68 = arith.constant 0 : i32
        %dma_start3A_69 = tpu.memref_slice %arg11[%dma_start3A_67, %dma_start3A_68] : memref<10240x128xf32, #tpu.memory_space<vmem_shared>> -> memref<10240x128xf32, #tpu.memory_space<vmem_shared>>
        tpu.enqueue_indirect_dma source(%arg8 : memref<128x128xf32, #tpu.memory_space<vmem>>) target(%dma_start3A_69 : memref<10240x128xf32, #tpu.memory_space<vmem_shared>>) offsets(%dma_start3A_66 : memref<128xi32, #tpu.memory_space<vmem>>) semaphore(%run_scoped3A : memref<!tpu.dma_semaphore, #tpu.memory_space<semaphore_mem>>) {add = true}
        %dma_wait3A_70 = arith.constant 0 : i32
        %dma_wait3A_71 = tpu.memref_slice %arg10[%add3A_63, %dma_wait3A_70] : memref<40x128xi32, #tpu.memory_space<vmem>> -> memref<1x128xi32, #tpu.memory_space<vmem>>
        %dma_wait3A_72 = tpu.memref_squeeze %dma_wait3A_71 : memref<1x128xi32, #tpu.memory_space<vmem>> -> memref<128xi32, #tpu.memory_space<vmem>>
        %dma_wait3A_73 = arith.constant 0 : i32
        %dma_wait3A_74 = arith.constant 0 : i32
        %dma_wait3A_75 = tpu.memref_slice %arg11[%dma_wait3A_73, %dma_wait3A_74] : memref<10240x128xf32, #tpu.memory_space<vmem_shared>> -> memref<10240x128xf32, #tpu.memory_space<vmem_shared>>
        tpu.wait_indirect_dma semaphore(%run_scoped3A : memref<!tpu.dma_semaphore, #tpu.memory_space<semaphore_mem>>) src(%arg8 : memref<128x128xf32, #tpu.memory_space<vmem>>) dst(%dma_wait3A_75 : memref<10240x128xf32, #tpu.memory_space<vmem_shared>>)
        tpu.yield
      }) : () -> ()
    }
    %scan3A_15 = arith.constant 20 : i32
    "tpu.region"() ({
      %run_scoped3A = tpu.sem_alloc : memref<!tpu.dma_semaphore, #tpu.memory_space<semaphore_mem>>
      %dma_start3A_34 = arith.constant 40 : i32
      %dma_start3A_35 = arith.constant 0 : i32
      %dma_start3A_36 = tpu.memref_slice %arg3[%add3A, %dma_start3A_34, %dma_start3A_35] : memref<32x80x128xi32, #tpu.memory_space<hbm>> -> memref<1x40x128xi32, #tpu.memory_space<hbm>>
      %dma_start3A_37 = tpu.memref_squeeze %dma_start3A_36 : memref<1x40x128xi32, #tpu.memory_space<hbm>> -> memref<40x128xi32, #tpu.memory_space<hbm>>
      %dma_start3A_38 = arith.constant 40 : i32
      %dma_start3A_39 = arith.constant 0 : i32
      %dma_start3A_40 = tpu.memref_slice %arg3[%add3A, %dma_start3A_38, %dma_start3A_39] : memref<32x80x128xi32, #tpu.memory_space<hbm>> -> memref<1x40x128xi32, #tpu.memory_space<hbm>>
      %dma_start3A_41 = tpu.memref_squeeze %dma_start3A_40 : memref<1x40x128xi32, #tpu.memory_space<hbm>> -> memref<40x128xi32, #tpu.memory_space<hbm>>
      tpu.enqueue_dma source(%dma_start3A_41 : memref<40x128xi32, #tpu.memory_space<hbm>>) target(%arg9 : memref<40x128xi32, #tpu.memory_space<vmem>>) target_semaphore(%run_scoped3A : memref<!tpu.dma_semaphore, #tpu.memory_space<semaphore_mem>>)
      %dma_wait3A = arith.constant 40 : i32
      %dma_wait3A_42 = arith.constant 0 : i32
      %dma_wait3A_43 = tpu.memref_slice %arg3[%add3A, %dma_wait3A, %dma_wait3A_42] : memref<32x80x128xi32, #tpu.memory_space<hbm>> -> memref<1x40x128xi32, #tpu.memory_space<hbm>>
      %dma_wait3A_44 = tpu.memref_squeeze %dma_wait3A_43 : memref<1x40x128xi32, #tpu.memory_space<hbm>> -> memref<40x128xi32, #tpu.memory_space<hbm>>
      %dma_wait3A_45 = arith.constant 40 : i32
      %dma_wait3A_46 = arith.constant 0 : i32
      %dma_wait3A_47 = tpu.memref_slice %arg3[%add3A, %dma_wait3A_45, %dma_wait3A_46] : memref<32x80x128xi32, #tpu.memory_space<hbm>> -> memref<1x40x128xi32, #tpu.memory_space<hbm>>
      %dma_wait3A_48 = tpu.memref_squeeze %dma_wait3A_47 : memref<1x40x128xi32, #tpu.memory_space<hbm>> -> memref<40x128xi32, #tpu.memory_space<hbm>>
      tpu.wait_dma2 semaphore(%run_scoped3A : memref<!tpu.dma_semaphore, #tpu.memory_space<semaphore_mem>>) src(%dma_wait3A_48 : memref<40x128xi32, #tpu.memory_space<hbm>>) dst(%arg9 : memref<40x128xi32, #tpu.memory_space<vmem>>)
      tpu.yield
    }) : () -> ()
    "tpu.region"() ({
      %run_scoped3A = tpu.sem_alloc : memref<!tpu.dma_semaphore, #tpu.memory_space<semaphore_mem>>
      %dma_start3A_34 = arith.constant 40 : i32
      %dma_start3A_35 = arith.constant 0 : i32
      %dma_start3A_36 = tpu.memref_slice %arg4[%add3A, %dma_start3A_34, %dma_start3A_35] : memref<32x80x128xi32, #tpu.memory_space<hbm>> -> memref<1x40x128xi32, #tpu.memory_space<hbm>>
      %dma_start3A_37 = tpu.memref_squeeze %dma_start3A_36 : memref<1x40x128xi32, #tpu.memory_space<hbm>> -> memref<40x128xi32, #tpu.memory_space<hbm>>
      %dma_start3A_38 = arith.constant 40 : i32
      %dma_start3A_39 = arith.constant 0 : i32
      %dma_start3A_40 = tpu.memref_slice %arg4[%add3A, %dma_start3A_38, %dma_start3A_39] : memref<32x80x128xi32, #tpu.memory_space<hbm>> -> memref<1x40x128xi32, #tpu.memory_space<hbm>>
      %dma_start3A_41 = tpu.memref_squeeze %dma_start3A_40 : memref<1x40x128xi32, #tpu.memory_space<hbm>> -> memref<40x128xi32, #tpu.memory_space<hbm>>
      tpu.enqueue_dma source(%dma_start3A_41 : memref<40x128xi32, #tpu.memory_space<hbm>>) target(%arg10 : memref<40x128xi32, #tpu.memory_space<vmem>>) target_semaphore(%run_scoped3A : memref<!tpu.dma_semaphore, #tpu.memory_space<semaphore_mem>>)
      %dma_wait3A = arith.constant 40 : i32
      %dma_wait3A_42 = arith.constant 0 : i32
      %dma_wait3A_43 = tpu.memref_slice %arg4[%add3A, %dma_wait3A, %dma_wait3A_42] : memref<32x80x128xi32, #tpu.memory_space<hbm>> -> memref<1x40x128xi32, #tpu.memory_space<hbm>>
      %dma_wait3A_44 = tpu.memref_squeeze %dma_wait3A_43 : memref<1x40x128xi32, #tpu.memory_space<hbm>> -> memref<40x128xi32, #tpu.memory_space<hbm>>
      %dma_wait3A_45 = arith.constant 40 : i32
      %dma_wait3A_46 = arith.constant 0 : i32
      %dma_wait3A_47 = tpu.memref_slice %arg4[%add3A, %dma_wait3A_45, %dma_wait3A_46] : memref<32x80x128xi32, #tpu.memory_space<hbm>> -> memref<1x40x128xi32, #tpu.memory_space<hbm>>
      %dma_wait3A_48 = tpu.memref_squeeze %dma_wait3A_47 : memref<1x40x128xi32, #tpu.memory_space<hbm>> -> memref<40x128xi32, #tpu.memory_space<hbm>>
      tpu.wait_dma2 semaphore(%run_scoped3A : memref<!tpu.dma_semaphore, #tpu.memory_space<semaphore_mem>>) src(%dma_wait3A_48 : memref<40x128xi32, #tpu.memory_space<hbm>>) dst(%arg10 : memref<40x128xi32, #tpu.memory_space<vmem>>)
      tpu.yield
    }) : () -> ()
    %dma_start3A_16 = arith.constant 0 : i32
    %dma_start3A_17 = arith.constant 0 : i32
    %dma_start3A_18 = tpu.memref_slice %arg9[%dma_start3A_16, %dma_start3A_17] : memref<40x128xi32, #tpu.memory_space<vmem>> -> memref<1x128xi32, #tpu.memory_space<vmem>>
    %dma_start3A_19 = tpu.memref_squeeze %dma_start3A_18 : memref<1x128xi32, #tpu.memory_space<vmem>> -> memref<128xi32, #tpu.memory_space<vmem>>
    %dma_start3A_20 = arith.constant 0 : i32
    %dma_start3A_21 = arith.constant 0 : i32
    %dma_start3A_22 = tpu.memref_slice %arg2[%dma_start3A_20, %dma_start3A_21] : memref<10000x128xf32, #tpu.memory_space<hbm>> -> memref<10000x128xf32, #tpu.memory_space<hbm>>
    tpu.enqueue_indirect_dma source(%dma_start3A_22 : memref<10000x128xf32, #tpu.memory_space<hbm>>) target(%arg7 : memref<128x128xf32, #tpu.memory_space<vmem>>) offsets(%dma_start3A_19 : memref<128xi32, #tpu.memory_space<vmem>>) semaphore(%arg12 : memref<!tpu.dma_semaphore, #tpu.memory_space<semaphore_mem>>)
    %scan3A_23 = arith.constant 0 : i32
    %scan3A_24 = arith.constant 0 : i32
    %scan3A_25 = arith.constant 20 : i32
    %scan3A_26 = arith.addi %scan3A_24, %scan3A_25 : i32
    %scan3A_27 = arith.constant 1 : i32
    scf.for %scan3A_34 = %scan3A_24 to %scan3A_26 step %scan3A_27  : i32 {
      %mul3A_35 = arith.constant 2 : i32
      %mul3A_36 = arith.muli %mul3A_35, %scan3A_34 : i32
      %dma_wait3A = arith.constant 0 : i32
      %dma_wait3A_37 = tpu.memref_slice %arg9[%mul3A_36, %dma_wait3A] : memref<40x128xi32, #tpu.memory_space<vmem>> -> memref<1x128xi32, #tpu.memory_space<vmem>>
      %dma_wait3A_38 = tpu.memref_squeeze %dma_wait3A_37 : memref<1x128xi32, #tpu.memory_space<vmem>> -> memref<128xi32, #tpu.memory_space<vmem>>
      %dma_wait3A_39 = arith.constant 0 : i32
      %dma_wait3A_40 = arith.constant 0 : i32
      %dma_wait3A_41 = tpu.memref_slice %arg2[%dma_wait3A_39, %dma_wait3A_40] : memref<10000x128xf32, #tpu.memory_space<hbm>> -> memref<10000x128xf32, #tpu.memory_space<hbm>>
      tpu.wait_indirect_dma semaphore(%arg12 : memref<!tpu.dma_semaphore, #tpu.memory_space<semaphore_mem>>) src(%dma_wait3A_41 : memref<10000x128xf32, #tpu.memory_space<hbm>>) dst(%arg7 : memref<128x128xf32, #tpu.memory_space<vmem>>)
      %add3A_42 = arith.constant 1 : i32
      %add3A_43 = arith.addi %mul3A_36, %add3A_42 : i32
      %dma_start3A_44 = arith.constant 0 : i32
      %dma_start3A_45 = tpu.memref_slice %arg9[%add3A_43, %dma_start3A_44] : memref<40x128xi32, #tpu.memory_space<vmem>> -> memref<1x128xi32, #tpu.memory_space<vmem>>
      %dma_start3A_46 = tpu.memref_squeeze %dma_start3A_45 : memref<1x128xi32, #tpu.memory_space<vmem>> -> memref<128xi32, #tpu.memory_space<vmem>>
      %dma_start3A_47 = arith.constant 0 : i32
      %dma_start3A_48 = arith.constant 0 : i32
      %dma_start3A_49 = tpu.memref_slice %arg2[%dma_start3A_47, %dma_start3A_48] : memref<10000x128xf32, #tpu.memory_space<hbm>> -> memref<10000x128xf32, #tpu.memory_space<hbm>>
      tpu.enqueue_indirect_dma source(%dma_start3A_49 : memref<10000x128xf32, #tpu.memory_space<hbm>>) target(%arg8 : memref<128x128xf32, #tpu.memory_space<vmem>>) offsets(%dma_start3A_46 : memref<128xi32, #tpu.memory_space<vmem>>) semaphore(%arg13 : memref<!tpu.dma_semaphore, #tpu.memory_space<semaphore_mem>>)
      "tpu.region"() ({
        %run_scoped3A = tpu.sem_alloc : memref<!tpu.dma_semaphore, #tpu.memory_space<semaphore_mem>>
        %dma_start3A_64 = arith.constant 0 : i32
        %dma_start3A_65 = tpu.memref_slice %arg10[%mul3A_36, %dma_start3A_64] : memref<40x128xi32, #tpu.memory_space<vmem>> -> memref<1x128xi32, #tpu.memory_space<vmem>>
        %dma_start3A_66 = tpu.memref_squeeze %dma_start3A_65 : memref<1x128xi32, #tpu.memory_space<vmem>> -> memref<128xi32, #tpu.memory_space<vmem>>
        %dma_start3A_67 = arith.constant 0 : i32
        %dma_start3A_68 = arith.constant 0 : i32
        %dma_start3A_69 = tpu.memref_slice %arg11[%dma_start3A_67, %dma_start3A_68] : memref<10240x128xf32, #tpu.memory_space<vmem_shared>> -> memref<10240x128xf32, #tpu.memory_space<vmem_shared>>
        tpu.enqueue_indirect_dma source(%arg7 : memref<128x128xf32, #tpu.memory_space<vmem>>) target(%dma_start3A_69 : memref<10240x128xf32, #tpu.memory_space<vmem_shared>>) offsets(%dma_start3A_66 : memref<128xi32, #tpu.memory_space<vmem>>) semaphore(%run_scoped3A : memref<!tpu.dma_semaphore, #tpu.memory_space<semaphore_mem>>) {add = true}
        %dma_wait3A_70 = arith.constant 0 : i32
        %dma_wait3A_71 = tpu.memref_slice %arg10[%mul3A_36, %dma_wait3A_70] : memref<40x128xi32, #tpu.memory_space<vmem>> -> memref<1x128xi32, #tpu.memory_space<vmem>>
        %dma_wait3A_72 = tpu.memref_squeeze %dma_wait3A_71 : memref<1x128xi32, #tpu.memory_space<vmem>> -> memref<128xi32, #tpu.memory_space<vmem>>
        %dma_wait3A_73 = arith.constant 0 : i32
        %dma_wait3A_74 = arith.constant 0 : i32
        %dma_wait3A_75 = tpu.memref_slice %arg11[%dma_wait3A_73, %dma_wait3A_74] : memref<10240x128xf32, #tpu.memory_space<vmem_shared>> -> memref<10240x128xf32, #tpu.memory_space<vmem_shared>>
        tpu.wait_indirect_dma semaphore(%run_scoped3A : memref<!tpu.dma_semaphore, #tpu.memory_space<semaphore_mem>>) src(%arg7 : memref<128x128xf32, #tpu.memory_space<vmem>>) dst(%dma_wait3A_75 : memref<10240x128xf32, #tpu.memory_space<vmem_shared>>)
        tpu.yield
      }) : () -> ()
      %add3A_50 = arith.constant 1 : i32
      %add3A_51 = arith.addi %mul3A_36, %add3A_50 : i32
      %dma_wait3A_52 = arith.constant 0 : i32
      %dma_wait3A_53 = tpu.memref_slice %arg9[%add3A_51, %dma_wait3A_52] : memref<40x128xi32, #tpu.memory_space<vmem>> -> memref<1x128xi32, #tpu.memory_space<vmem>>
      %dma_wait3A_54 = tpu.memref_squeeze %dma_wait3A_53 : memref<1x128xi32, #tpu.memory_space<vmem>> -> memref<128xi32, #tpu.memory_space<vmem>>
      %dma_wait3A_55 = arith.constant 0 : i32
      %dma_wait3A_56 = arith.constant 0 : i32
      %dma_wait3A_57 = tpu.memref_slice %arg2[%dma_wait3A_55, %dma_wait3A_56] : memref<10000x128xf32, #tpu.memory_space<hbm>> -> memref<10000x128xf32, #tpu.memory_space<hbm>>
      tpu.wait_indirect_dma semaphore(%arg13 : memref<!tpu.dma_semaphore, #tpu.memory_space<semaphore_mem>>) src(%dma_wait3A_57 : memref<10000x128xf32, #tpu.memory_space<hbm>>) dst(%arg8 : memref<128x128xf32, #tpu.memory_space<vmem>>)
      %add3A_58 = arith.constant 2 : i32
      %add3A_59 = arith.addi %mul3A_36, %add3A_58 : i32
      %lt3A = arith.constant 40 : i32
      %lt3A_60 = arith.cmpi slt, %add3A_59, %lt3A : i32
      %convert_element_type3A = arith.extui %lt3A_60 : i1 to i32
      %cond3A = arith.constant 0 : i32
      %cond3A_61 = arith.cmpi ne, %convert_element_type3A, %cond3A : i32
      scf.if %cond3A_61 {
        %add3A_64 = arith.constant 2 : i32
        %add3A_65 = arith.addi %mul3A_36, %add3A_64 : i32
        %dma_start3A_66 = arith.constant 0 : i32
        %dma_start3A_67 = tpu.memref_slice %arg9[%add3A_65, %dma_start3A_66] : memref<40x128xi32, #tpu.memory_space<vmem>> -> memref<1x128xi32, #tpu.memory_space<vmem>>
        %dma_start3A_68 = tpu.memref_squeeze %dma_start3A_67 : memref<1x128xi32, #tpu.memory_space<vmem>> -> memref<128xi32, #tpu.memory_space<vmem>>
        %dma_start3A_69 = arith.constant 0 : i32
        %dma_start3A_70 = arith.constant 0 : i32
        %dma_start3A_71 = tpu.memref_slice %arg2[%dma_start3A_69, %dma_start3A_70] : memref<10000x128xf32, #tpu.memory_space<hbm>> -> memref<10000x128xf32, #tpu.memory_space<hbm>>
        tpu.enqueue_indirect_dma source(%dma_start3A_71 : memref<10000x128xf32, #tpu.memory_space<hbm>>) target(%arg7 : memref<128x128xf32, #tpu.memory_space<vmem>>) offsets(%dma_start3A_68 : memref<128xi32, #tpu.memory_space<vmem>>) semaphore(%arg12 : memref<!tpu.dma_semaphore, #tpu.memory_space<semaphore_mem>>)
      } else {
      }
      %add3A_62 = arith.constant 1 : i32
      %add3A_63 = arith.addi %mul3A_36, %add3A_62 : i32
      "tpu.region"() ({
        %run_scoped3A = tpu.sem_alloc : memref<!tpu.dma_semaphore, #tpu.memory_space<semaphore_mem>>
        %dma_start3A_64 = arith.constant 0 : i32
        %dma_start3A_65 = tpu.memref_slice %arg10[%add3A_63, %dma_start3A_64] : memref<40x128xi32, #tpu.memory_space<vmem>> -> memref<1x128xi32, #tpu.memory_space<vmem>>
        %dma_start3A_66 = tpu.memref_squeeze %dma_start3A_65 : memref<1x128xi32, #tpu.memory_space<vmem>> -> memref<128xi32, #tpu.memory_space<vmem>>
        %dma_start3A_67 = arith.constant 0 : i32
        %dma_start3A_68 = arith.constant 0 : i32
        %dma_start3A_69 = tpu.memref_slice %arg11[%dma_start3A_67, %dma_start3A_68] : memref<10240x128xf32, #tpu.memory_space<vmem_shared>> -> memref<10240x128xf32, #tpu.memory_space<vmem_shared>>
        tpu.enqueue_indirect_dma source(%arg8 : memref<128x128xf32, #tpu.memory_space<vmem>>) target(%dma_start3A_69 : memref<10240x128xf32, #tpu.memory_space<vmem_shared>>) offsets(%dma_start3A_66 : memref<128xi32, #tpu.memory_space<vmem>>) semaphore(%run_scoped3A : memref<!tpu.dma_semaphore, #tpu.memory_space<semaphore_mem>>) {add = true}
        %dma_wait3A_70 = arith.constant 0 : i32
        %dma_wait3A_71 = tpu.memref_slice %arg10[%add3A_63, %dma_wait3A_70] : memref<40x128xi32, #tpu.memory_space<vmem>> -> memref<1x128xi32, #tpu.memory_space<vmem>>
        %dma_wait3A_72 = tpu.memref_squeeze %dma_wait3A_71 : memref<1x128xi32, #tpu.memory_space<vmem>> -> memref<128xi32, #tpu.memory_space<vmem>>
        %dma_wait3A_73 = arith.constant 0 : i32
        %dma_wait3A_74 = arith.constant 0 : i32
        %dma_wait3A_75 = tpu.memref_slice %arg11[%dma_wait3A_73, %dma_wait3A_74] : memref<10240x128xf32, #tpu.memory_space<vmem_shared>> -> memref<10240x128xf32, #tpu.memory_space<vmem_shared>>
        tpu.wait_indirect_dma semaphore(%run_scoped3A : memref<!tpu.dma_semaphore, #tpu.memory_space<semaphore_mem>>) src(%arg8 : memref<128x128xf32, #tpu.memory_space<vmem>>) dst(%dma_wait3A_75 : memref<10240x128xf32, #tpu.memory_space<vmem_shared>>)
        tpu.yield
      }) : () -> ()
    }
    %scan3A_28 = arith.constant 20 : i32
    %barrier3A_29 = arith.constant 0 : index
    tpu.barrier barrier_id(%barrier3A_29)
    %mul3A_30 = arith.constant 640 : i32
    %mul3A_31 = arith.muli %arg1, %mul3A_30 : i32
    %mul3A_32 = arith.constant 640 : i32
    %mul3A_33 = arith.muli %arg1, %mul3A_32 : i32
    "tpu.region"() ({
      %run_scoped3A = tpu.sem_alloc : memref<!tpu.dma_semaphore, #tpu.memory_space<semaphore_mem>>
      %dma_start3A_34 = arith.constant 0 : i32
      %dma_start3A_35 = tpu.memref_slice %arg6[%arg0, %mul3A_33, %dma_start3A_34] : memref<2x10240x128xf32, #tpu.memory_space<hbm>> -> memref<1x640x128xf32, #tpu.memory_space<hbm>>
      %dma_start3A_36 = tpu.memref_squeeze %dma_start3A_35 : memref<1x640x128xf32, #tpu.memory_space<hbm>> -> memref<640x128xf32, #tpu.memory_space<hbm>>
      %dma_start3A_37 = arith.constant 0 : i32
      %dma_start3A_38 = tpu.memref_slice %arg11[%mul3A_31, %dma_start3A_37] : memref<10240x128xf32, #tpu.memory_space<vmem_shared>> -> memref<640x128xf32, #tpu.memory_space<vmem_shared>>
      tpu.enqueue_dma source(%dma_start3A_38 : memref<640x128xf32, #tpu.memory_space<vmem_shared>>) target(%dma_start3A_36 : memref<640x128xf32, #tpu.memory_space<hbm>>) target_semaphore(%run_scoped3A : memref<!tpu.dma_semaphore, #tpu.memory_space<semaphore_mem>>)
      %dma_wait3A = arith.constant 0 : i32
      %dma_wait3A_39 = tpu.memref_slice %arg6[%arg0, %mul3A_33, %dma_wait3A] : memref<2x10240x128xf32, #tpu.memory_space<hbm>> -> memref<1x640x128xf32, #tpu.memory_space<hbm>>
      %dma_wait3A_40 = tpu.memref_squeeze %dma_wait3A_39 : memref<1x640x128xf32, #tpu.memory_space<hbm>> -> memref<640x128xf32, #tpu.memory_space<hbm>>
      %dma_wait3A_41 = arith.constant 0 : i32
      %dma_wait3A_42 = tpu.memref_slice %arg11[%mul3A_31, %dma_wait3A_41] : memref<10240x128xf32, #tpu.memory_space<vmem_shared>> -> memref<640x128xf32, #tpu.memory_space<vmem_shared>>
      tpu.wait_dma2 semaphore(%run_scoped3A : memref<!tpu.dma_semaphore, #tpu.memory_space<semaphore_mem>>) src(%dma_wait3A_42 : memref<640x128xf32, #tpu.memory_space<vmem_shared>>) dst(%dma_wait3A_40 : memref<640x128xf32, #tpu.memory_space<hbm>>)
      tpu.yield
    }) : () -> ()
    return
  }
}

#map = affine_map<(d0, d1) -> (0, 0)>
#map1 = affine_map<(d0, d1) -> (0, 0, 0)>
module attributes {stable_mosaic.version = 14 : i64} {
  func.func @_spmv_body(%arg0: i32, %arg1: i32, %arg2: memref<10000x128xf32, #tpu.memory_space<hbm>>, %arg3: memref<32x80x128xi32, #tpu.memory_space<hbm>>, %arg4: memref<32x80x128xi32, #tpu.memory_space<hbm>>, %arg5: memref<10240x128xf32, #tpu.memory_space<hbm>>, %arg6: memref<2x10240x128xf32, #tpu.memory_space<hbm>>, %arg7: memref<128x128xf32, #tpu.memory_space<vmem>>, %arg8: memref<128x128xf32, #tpu.memory_space<vmem>>, %arg9: memref<40x128xi32, #tpu.memory_space<vmem>>, %arg10: memref<40x128xi32, #tpu.memory_space<vmem>>, %arg11: memref<10240x128xf32, #tpu.memory_space<vmem_shared>>, %arg12: memref<!tpu.dma_semaphore, #tpu.memory_space<semaphore_mem>>, %arg13: memref<!tpu.dma_semaphore, #tpu.memory_space<semaphore_mem>>) attributes {dimension_semantics = [#tpu.dimension_semantics<core_parallel>, #tpu.dimension_semantics<subcore_parallel>], iteration_bounds = array<i64: 2, 16>, scalar_prefetch = 0 : i64, scratch_operands = 7 : i64, tpu.core_type = #tpu.core_type<sc_vector_subcore>, window_params = [{transform_indices = #map}, {transform_indices = #map1}, {transform_indices = #map1}, {transform_indices = #map}, {transform_indices = #map1}]} {
    %mul3A = arith.constant 16 : i32
    %mul3A_0 = arith.muli %arg0, %mul3A : i32
    %add3A = arith.addi %mul3A_0, %arg1 : i32
    %mul3A_1 = arith.constant 640 : i32
    %mul3A_2 = arith.muli %arg1, %mul3A_1 : i32
    %mul3A_3 = arith.constant 640 : i32
    %mul3A_4 = arith.muli %arg1, %mul3A_3 : i32
    "tpu.region"() ({
      %run_scoped3A = tpu.sem_alloc : memref<!tpu.dma_semaphore, #tpu.memory_space<semaphore_mem>>
      %dma_start3A_34 = arith.constant 0 : i32
      %dma_start3A_35 = tpu.memref_slice %arg11[%mul3A_4, %dma_start3A_34] : memref<10240x128xf32, #tpu.memory_space<vmem_shared>> -> memref<640x128xf32, #tpu.memory_space<vmem_shared>>
      %dma_start3A_36 = arith.constant 0 : i32
      %dma_start3A_37 = tpu.memref_slice %arg5[%mul3A_2, %dma_start3A_36] : memref<10240x128xf32, #tpu.memory_space<hbm>> -> memref<640x128xf32, #tpu.memory_space<hbm>>
      tpu.enqueue_dma source(%dma_start3A_37 : memref<640x128xf32, #tpu.memory_space<hbm>>) target(%dma_start3A_35 : memref<640x128xf32, #tpu.memory_space<vmem_shared>>) target_semaphore(%run_scoped3A : memref<!tpu.dma_semaphore, #tpu.memory_space<semaphore_mem>>)
      %dma_wait3A = arith.constant 0 : i32
      %dma_wait3A_38 = tpu.memref_slice %arg11[%mul3A_4, %dma_wait3A] : memref<10240x128xf32, #tpu.memory_space<vmem_shared>> -> memref<640x128xf32, #tpu.memory_space<vmem_shared>>
      %dma_wait3A_39 = arith.constant 0 : i32
      %dma_wait3A_40 = tpu.memref_slice %arg5[%mul3A_2, %dma_wait3A_39] : memref<10240x128xf32, #tpu.memory_space<hbm>> -> memref<640x128xf32, #tpu.memory_space<hbm>>
      tpu.wait_dma2 semaphore(%run_scoped3A : memref<!tpu.dma_semaphore, #tpu.memory_space<semaphore_mem>>) src(%dma_wait3A_40 : memref<640x128xf32, #tpu.memory_space<hbm>>) dst(%dma_wait3A_38 : memref<640x128xf32, #tpu.memory_space<vmem_shared>>)
      tpu.yield
    }) : () -> ()
    %barrier3A = arith.constant 0 : index
    tpu.barrier barrier_id(%barrier3A)
    "tpu.region"() ({
      %run_scoped3A = tpu.sem_alloc : memref<!tpu.dma_semaphore, #tpu.memory_space<semaphore_mem>>
      %dma_start3A_34 = arith.constant 0 : i32
      %dma_start3A_35 = arith.constant 0 : i32
      %dma_start3A_36 = tpu.memref_slice %arg3[%add3A, %dma_start3A_34, %dma_start3A_35] : memref<32x80x128xi32, #tpu.memory_space<hbm>> -> memref<1x40x128xi32, #tpu.memory_space<hbm>>
      %dma_start3A_37 = tpu.memref_squeeze %dma_start3A_36 : memref<1x40x128xi32, #tpu.memory_space<hbm>> -> memref<40x128xi32, #tpu.memory_space<hbm>>
      %dma_start3A_38 = arith.constant 0 : i32
      %dma_start3A_39 = arith.constant 0 : i32
      %dma_start3A_40 = tpu.memref_slice %arg3[%add3A, %dma_start3A_38, %dma_start3A_39] : memref<32x80x128xi32, #tpu.memory_space<hbm>> -> memref<1x40x128xi32, #tpu.memory_space<hbm>>
      %dma_start3A_41 = tpu.memref_squeeze %dma_start3A_40 : memref<1x40x128xi32, #tpu.memory_space<hbm>> -> memref<40x128xi32, #tpu.memory_space<hbm>>
      tpu.enqueue_dma source(%dma_start3A_41 : memref<40x128xi32, #tpu.memory_space<hbm>>) target(%arg9 : memref<40x128xi32, #tpu.memory_space<vmem>>) target_semaphore(%run_scoped3A : memref<!tpu.dma_semaphore, #tpu.memory_space<semaphore_mem>>)
      %dma_wait3A = arith.constant 0 : i32
      %dma_wait3A_42 = arith.constant 0 : i32
      %dma_wait3A_43 = tpu.memref_slice %arg3[%add3A, %dma_wait3A, %dma_wait3A_42] : memref<32x80x128xi32, #tpu.memory_space<hbm>> -> memref<1x40x128xi32, #tpu.memory_space<hbm>>
      %dma_wait3A_44 = tpu.memref_squeeze %dma_wait3A_43 : memref<1x40x128xi32, #tpu.memory_space<hbm>> -> memref<40x128xi32, #tpu.memory_space<hbm>>
      %dma_wait3A_45 = arith.constant 0 : i32
      %dma_wait3A_46 = arith.constant 0 : i32
      %dma_wait3A_47 = tpu.memref_slice %arg3[%add3A, %dma_wait3A_45, %dma_wait3A_46] : memref<32x80x128xi32, #tpu.memory_space<hbm>> -> memref<1x40x128xi32, #tpu.memory_space<hbm>>
      %dma_wait3A_48 = tpu.memref_squeeze %dma_wait3A_47 : memref<1x40x128xi32, #tpu.memory_space<hbm>> -> memref<40x128xi32, #tpu.memory_space<hbm>>
      tpu.wait_dma2 semaphore(%run_scoped3A : memref<!tpu.dma_semaphore, #tpu.memory_space<semaphore_mem>>) src(%dma_wait3A_48 : memref<40x128xi32, #tpu.memory_space<hbm>>) dst(%arg9 : memref<40x128xi32, #tpu.memory_space<vmem>>)
      tpu.yield
    }) : () -> ()
    "tpu.region"() ({
      %run_scoped3A = tpu.sem_alloc : memref<!tpu.dma_semaphore, #tpu.memory_space<semaphore_mem>>
      %dma_start3A_34 = arith.constant 0 : i32
      %dma_start3A_35 = arith.constant 0 : i32
      %dma_start3A_36 = tpu.memref_slice %arg4[%add3A, %dma_start3A_34, %dma_start3A_35] : memref<32x80x128xi32, #tpu.memory_space<hbm>> -> memref<1x40x128xi32, #tpu.memory_space<hbm>>
      %dma_start3A_37 = tpu.memref_squeeze %dma_start3A_36 : memref<1x40x128xi32, #tpu.memory_space<hbm>> -> memref<40x128xi32, #tpu.memory_space<hbm>>
      %dma_start3A_38 = arith.constant 0 : i32
      %dma_start3A_39 = arith.constant 0 : i32
      %dma_start3A_40 = tpu.memref_slice %arg4[%add3A, %dma_start3A_38, %dma_start3A_39] : memref<32x80x128xi32, #tpu.memory_space<hbm>> -> memref<1x40x128xi32, #tpu.memory_space<hbm>>
      %dma_start3A_41 = tpu.memref_squeeze %dma_start3A_40 : memref<1x40x128xi32, #tpu.memory_space<hbm>> -> memref<40x128xi32, #tpu.memory_space<hbm>>
      tpu.enqueue_dma source(%dma_start3A_41 : memref<40x128xi32, #tpu.memory_space<hbm>>) target(%arg10 : memref<40x128xi32, #tpu.memory_space<vmem>>) target_semaphore(%run_scoped3A : memref<!tpu.dma_semaphore, #tpu.memory_space<semaphore_mem>>)
      %dma_wait3A = arith.constant 0 : i32
      %dma_wait3A_42 = arith.constant 0 : i32
      %dma_wait3A_43 = tpu.memref_slice %arg4[%add3A, %dma_wait3A, %dma_wait3A_42] : memref<32x80x128xi32, #tpu.memory_space<hbm>> -> memref<1x40x128xi32, #tpu.memory_space<hbm>>
      %dma_wait3A_44 = tpu.memref_squeeze %dma_wait3A_43 : memref<1x40x128xi32, #tpu.memory_space<hbm>> -> memref<40x128xi32, #tpu.memory_space<hbm>>
      %dma_wait3A_45 = arith.constant 0 : i32
      %dma_wait3A_46 = arith.constant 0 : i32
      %dma_wait3A_47 = tpu.memref_slice %arg4[%add3A, %dma_wait3A_45, %dma_wait3A_46] : memref<32x80x128xi32, #tpu.memory_space<hbm>> -> memref<1x40x128xi32, #tpu.memory_space<hbm>>
      %dma_wait3A_48 = tpu.memref_squeeze %dma_wait3A_47 : memref<1x40x128xi32, #tpu.memory_space<hbm>> -> memref<40x128xi32, #tpu.memory_space<hbm>>
      tpu.wait_dma2 semaphore(%run_scoped3A : memref<!tpu.dma_semaphore, #tpu.memory_space<semaphore_mem>>) src(%dma_wait3A_48 : memref<40x128xi32, #tpu.memory_space<hbm>>) dst(%arg10 : memref<40x128xi32, #tpu.memory_space<vmem>>)
      tpu.yield
    }) : () -> ()
    %dma_start3A = arith.constant 0 : i32
    %dma_start3A_5 = arith.constant 0 : i32
    %dma_start3A_6 = tpu.memref_slice %arg9[%dma_start3A, %dma_start3A_5] : memref<40x128xi32, #tpu.memory_space<vmem>> -> memref<1x128xi32, #tpu.memory_space<vmem>>
    %dma_start3A_7 = tpu.memref_squeeze %dma_start3A_6 : memref<1x128xi32, #tpu.memory_space<vmem>> -> memref<128xi32, #tpu.memory_space<vmem>>
    %dma_start3A_8 = arith.constant 0 : i32
    %dma_start3A_9 = arith.constant 0 : i32
    %dma_start3A_10 = tpu.memref_slice %arg2[%dma_start3A_8, %dma_start3A_9] : memref<10000x128xf32, #tpu.memory_space<hbm>> -> memref<10000x128xf32, #tpu.memory_space<hbm>>
    tpu.enqueue_indirect_dma source(%dma_start3A_10 : memref<10000x128xf32, #tpu.memory_space<hbm>>) target(%arg7 : memref<128x128xf32, #tpu.memory_space<vmem>>) offsets(%dma_start3A_7 : memref<128xi32, #tpu.memory_space<vmem>>) semaphore(%arg12 : memref<!tpu.dma_semaphore, #tpu.memory_space<semaphore_mem>>)
    %scan3A = arith.constant 0 : i32
    %scan3A_11 = arith.constant 0 : i32
    %scan3A_12 = arith.constant 20 : i32
    %scan3A_13 = arith.addi %scan3A_11, %scan3A_12 : i32
    %scan3A_14 = arith.constant 1 : i32
    scf.for %scan3A_34 = %scan3A_11 to %scan3A_13 step %scan3A_14  : i32 {
      %mul3A_35 = arith.constant 2 : i32
      %mul3A_36 = arith.muli %mul3A_35, %scan3A_34 : i32
      %dma_wait3A = arith.constant 0 : i32
      %dma_wait3A_37 = tpu.memref_slice %arg9[%mul3A_36, %dma_wait3A] : memref<40x128xi32, #tpu.memory_space<vmem>> -> memref<1x128xi32, #tpu.memory_space<vmem>>
      %dma_wait3A_38 = tpu.memref_squeeze %dma_wait3A_37 : memref<1x128xi32, #tpu.memory_space<vmem>> -> memref<128xi32, #tpu.memory_space<vmem>>
      %dma_wait3A_39 = arith.constant 0 : i32
      %dma_wait3A_40 = arith.constant 0 : i32
      %dma_wait3A_41 = tpu.memref_slice %arg2[%dma_wait3A_39, %dma_wait3A_40] : memref<10000x128xf32, #tpu.memory_space<hbm>> -> memref<10000x128xf32, #tpu.memory_space<hbm>>
      tpu.wait_indirect_dma semaphore(%arg12 : memref<!tpu.dma_semaphore, #tpu.memory_space<semaphore_mem>>) src(%dma_wait3A_41 : memref<10000x128xf32, #tpu.memory_space<hbm>>) dst(%arg7 : memref<128x128xf32, #tpu.memory_space<vmem>>)
      %add3A_42 = arith.constant 1 : i32
      %add3A_43 = arith.addi %mul3A_36, %add3A_42 : i32
      %dma_start3A_44 = arith.constant 0 : i32
      %dma_start3A_45 = tpu.memref_slice %arg9[%add3A_43, %dma_start3A_44] : memref<40x128xi32, #tpu.memory_space<vmem>> -> memref<1x128xi32, #tpu.memory_space<vmem>>
      %dma_start3A_46 = tpu.memref_squeeze %dma_start3A_45 : memref<1x128xi32, #tpu.memory_space<vmem>> -> memref<128xi32, #tpu.memory_space<vmem>>
      %dma_start3A_47 = arith.constant 0 : i32
      %dma_start3A_48 = arith.constant 0 : i32
      %dma_start3A_49 = tpu.memref_slice %arg2[%dma_start3A_47, %dma_start3A_48] : memref<10000x128xf32, #tpu.memory_space<hbm>> -> memref<10000x128xf32, #tpu.memory_space<hbm>>
      tpu.enqueue_indirect_dma source(%dma_start3A_49 : memref<10000x128xf32, #tpu.memory_space<hbm>>) target(%arg8 : memref<128x128xf32, #tpu.memory_space<vmem>>) offsets(%dma_start3A_46 : memref<128xi32, #tpu.memory_space<vmem>>) semaphore(%arg13 : memref<!tpu.dma_semaphore, #tpu.memory_space<semaphore_mem>>)
      "tpu.region"() ({
        %run_scoped3A = tpu.sem_alloc : memref<!tpu.dma_semaphore, #tpu.memory_space<semaphore_mem>>
        %dma_start3A_64 = arith.constant 0 : i32
        %dma_start3A_65 = tpu.memref_slice %arg10[%mul3A_36, %dma_start3A_64] : memref<40x128xi32, #tpu.memory_space<vmem>> -> memref<1x128xi32, #tpu.memory_space<vmem>>
        %dma_start3A_66 = tpu.memref_squeeze %dma_start3A_65 : memref<1x128xi32, #tpu.memory_space<vmem>> -> memref<128xi32, #tpu.memory_space<vmem>>
        %dma_start3A_67 = arith.constant 0 : i32
        %dma_start3A_68 = arith.constant 0 : i32
        %dma_start3A_69 = tpu.memref_slice %arg11[%dma_start3A_67, %dma_start3A_68] : memref<10240x128xf32, #tpu.memory_space<vmem_shared>> -> memref<10240x128xf32, #tpu.memory_space<vmem_shared>>
        tpu.enqueue_indirect_dma source(%arg7 : memref<128x128xf32, #tpu.memory_space<vmem>>) target(%dma_start3A_69 : memref<10240x128xf32, #tpu.memory_space<vmem_shared>>) offsets(%dma_start3A_66 : memref<128xi32, #tpu.memory_space<vmem>>) semaphore(%run_scoped3A : memref<!tpu.dma_semaphore, #tpu.memory_space<semaphore_mem>>) {add = true}
        %dma_wait3A_70 = arith.constant 0 : i32
        %dma_wait3A_71 = tpu.memref_slice %arg10[%mul3A_36, %dma_wait3A_70] : memref<40x128xi32, #tpu.memory_space<vmem>> -> memref<1x128xi32, #tpu.memory_space<vmem>>
        %dma_wait3A_72 = tpu.memref_squeeze %dma_wait3A_71 : memref<1x128xi32, #tpu.memory_space<vmem>> -> memref<128xi32, #tpu.memory_space<vmem>>
        %dma_wait3A_73 = arith.constant 0 : i32
        %dma_wait3A_74 = arith.constant 0 : i32
        %dma_wait3A_75 = tpu.memref_slice %arg11[%dma_wait3A_73, %dma_wait3A_74] : memref<10240x128xf32, #tpu.memory_space<vmem_shared>> -> memref<10240x128xf32, #tpu.memory_space<vmem_shared>>
        tpu.wait_indirect_dma semaphore(%run_scoped3A : memref<!tpu.dma_semaphore, #tpu.memory_space<semaphore_mem>>) src(%arg7 : memref<128x128xf32, #tpu.memory_space<vmem>>) dst(%dma_wait3A_75 : memref<10240x128xf32, #tpu.memory_space<vmem_shared>>)
        tpu.yield
      }) : () -> ()
      %add3A_50 = arith.constant 1 : i32
      %add3A_51 = arith.addi %mul3A_36, %add3A_50 : i32
      %dma_wait3A_52 = arith.constant 0 : i32
      %dma_wait3A_53 = tpu.memref_slice %arg9[%add3A_51, %dma_wait3A_52] : memref<40x128xi32, #tpu.memory_space<vmem>> -> memref<1x128xi32, #tpu.memory_space<vmem>>
      %dma_wait3A_54 = tpu.memref_squeeze %dma_wait3A_53 : memref<1x128xi32, #tpu.memory_space<vmem>> -> memref<128xi32, #tpu.memory_space<vmem>>
      %dma_wait3A_55 = arith.constant 0 : i32
      %dma_wait3A_56 = arith.constant 0 : i32
      %dma_wait3A_57 = tpu.memref_slice %arg2[%dma_wait3A_55, %dma_wait3A_56] : memref<10000x128xf32, #tpu.memory_space<hbm>> -> memref<10000x128xf32, #tpu.memory_space<hbm>>
      tpu.wait_indirect_dma semaphore(%arg13 : memref<!tpu.dma_semaphore, #tpu.memory_space<semaphore_mem>>) src(%dma_wait3A_57 : memref<10000x128xf32, #tpu.memory_space<hbm>>) dst(%arg8 : memref<128x128xf32, #tpu.memory_space<vmem>>)
      %add3A_58 = arith.constant 2 : i32
      %add3A_59 = arith.addi %mul3A_36, %add3A_58 : i32
      %lt3A = arith.constant 40 : i32
      %lt3A_60 = arith.cmpi slt, %add3A_59, %lt3A : i32
      %convert_element_type3A = arith.extui %lt3A_60 : i1 to i32
      %cond3A = arith.constant 0 : i32
      %cond3A_61 = arith.cmpi ne, %convert_element_type3A, %cond3A : i32
      scf.if %cond3A_61 {
        %add3A_64 = arith.constant 2 : i32
        %add3A_65 = arith.addi %mul3A_36, %add3A_64 : i32
        %dma_start3A_66 = arith.constant 0 : i32
        %dma_start3A_67 = tpu.memref_slice %arg9[%add3A_65, %dma_start3A_66] : memref<40x128xi32, #tpu.memory_space<vmem>> -> memref<1x128xi32, #tpu.memory_space<vmem>>
        %dma_start3A_68 = tpu.memref_squeeze %dma_start3A_67 : memref<1x128xi32, #tpu.memory_space<vmem>> -> memref<128xi32, #tpu.memory_space<vmem>>
        %dma_start3A_69 = arith.constant 0 : i32
        %dma_start3A_70 = arith.constant 0 : i32
        %dma_start3A_71 = tpu.memref_slice %arg2[%dma_start3A_69, %dma_start3A_70] : memref<10000x128xf32, #tpu.memory_space<hbm>> -> memref<10000x128xf32, #tpu.memory_space<hbm>>
        tpu.enqueue_indirect_dma source(%dma_start3A_71 : memref<10000x128xf32, #tpu.memory_space<hbm>>) target(%arg7 : memref<128x128xf32, #tpu.memory_space<vmem>>) offsets(%dma_start3A_68 : memref<128xi32, #tpu.memory_space<vmem>>) semaphore(%arg12 : memref<!tpu.dma_semaphore, #tpu.memory_space<semaphore_mem>>)
      } else {
      }
      %add3A_62 = arith.constant 1 : i32
      %add3A_63 = arith.addi %mul3A_36, %add3A_62 : i32
      "tpu.region"() ({
        %run_scoped3A = tpu.sem_alloc : memref<!tpu.dma_semaphore, #tpu.memory_space<semaphore_mem>>
        %dma_start3A_64 = arith.constant 0 : i32
        %dma_start3A_65 = tpu.memref_slice %arg10[%add3A_63, %dma_start3A_64] : memref<40x128xi32, #tpu.memory_space<vmem>> -> memref<1x128xi32, #tpu.memory_space<vmem>>
        %dma_start3A_66 = tpu.memref_squeeze %dma_start3A_65 : memref<1x128xi32, #tpu.memory_space<vmem>> -> memref<128xi32, #tpu.memory_space<vmem>>
        %dma_start3A_67 = arith.constant 0 : i32
        %dma_start3A_68 = arith.constant 0 : i32
        %dma_start3A_69 = tpu.memref_slice %arg11[%dma_start3A_67, %dma_start3A_68] : memref<10240x128xf32, #tpu.memory_space<vmem_shared>> -> memref<10240x128xf32, #tpu.memory_space<vmem_shared>>
        tpu.enqueue_indirect_dma source(%arg8 : memref<128x128xf32, #tpu.memory_space<vmem>>) target(%dma_start3A_69 : memref<10240x128xf32, #tpu.memory_space<vmem_shared>>) offsets(%dma_start3A_66 : memref<128xi32, #tpu.memory_space<vmem>>) semaphore(%run_scoped3A : memref<!tpu.dma_semaphore, #tpu.memory_space<semaphore_mem>>) {add = true}
        %dma_wait3A_70 = arith.constant 0 : i32
        %dma_wait3A_71 = tpu.memref_slice %arg10[%add3A_63, %dma_wait3A_70] : memref<40x128xi32, #tpu.memory_space<vmem>> -> memref<1x128xi32, #tpu.memory_space<vmem>>
        %dma_wait3A_72 = tpu.memref_squeeze %dma_wait3A_71 : memref<1x128xi32, #tpu.memory_space<vmem>> -> memref<128xi32, #tpu.memory_space<vmem>>
        %dma_wait3A_73 = arith.constant 0 : i32
        %dma_wait3A_74 = arith.constant 0 : i32
        %dma_wait3A_75 = tpu.memref_slice %arg11[%dma_wait3A_73, %dma_wait3A_74] : memref<10240x128xf32, #tpu.memory_space<vmem_shared>> -> memref<10240x128xf32, #tpu.memory_space<vmem_shared>>
        tpu.wait_indirect_dma semaphore(%run_scoped3A : memref<!tpu.dma_semaphore, #tpu.memory_space<semaphore_mem>>) src(%arg8 : memref<128x128xf32, #tpu.memory_space<vmem>>) dst(%dma_wait3A_75 : memref<10240x128xf32, #tpu.memory_space<vmem_shared>>)
        tpu.yield
      }) : () -> ()
    }
    %scan3A_15 = arith.constant 20 : i32
    "tpu.region"() ({
      %run_scoped3A = tpu.sem_alloc : memref<!tpu.dma_semaphore, #tpu.memory_space<semaphore_mem>>
      %dma_start3A_34 = arith.constant 40 : i32
      %dma_start3A_35 = arith.constant 0 : i32
      %dma_start3A_36 = tpu.memref_slice %arg3[%add3A, %dma_start3A_34, %dma_start3A_35] : memref<32x80x128xi32, #tpu.memory_space<hbm>> -> memref<1x40x128xi32, #tpu.memory_space<hbm>>
      %dma_start3A_37 = tpu.memref_squeeze %dma_start3A_36 : memref<1x40x128xi32, #tpu.memory_space<hbm>> -> memref<40x128xi32, #tpu.memory_space<hbm>>
      %dma_start3A_38 = arith.constant 40 : i32
      %dma_start3A_39 = arith.constant 0 : i32
      %dma_start3A_40 = tpu.memref_slice %arg3[%add3A, %dma_start3A_38, %dma_start3A_39] : memref<32x80x128xi32, #tpu.memory_space<hbm>> -> memref<1x40x128xi32, #tpu.memory_space<hbm>>
      %dma_start3A_41 = tpu.memref_squeeze %dma_start3A_40 : memref<1x40x128xi32, #tpu.memory_space<hbm>> -> memref<40x128xi32, #tpu.memory_space<hbm>>
      tpu.enqueue_dma source(%dma_start3A_41 : memref<40x128xi32, #tpu.memory_space<hbm>>) target(%arg9 : memref<40x128xi32, #tpu.memory_space<vmem>>) target_semaphore(%run_scoped3A : memref<!tpu.dma_semaphore, #tpu.memory_space<semaphore_mem>>)
      %dma_wait3A = arith.constant 40 : i32
      %dma_wait3A_42 = arith.constant 0 : i32
      %dma_wait3A_43 = tpu.memref_slice %arg3[%add3A, %dma_wait3A, %dma_wait3A_42] : memref<32x80x128xi32, #tpu.memory_space<hbm>> -> memref<1x40x128xi32, #tpu.memory_space<hbm>>
      %dma_wait3A_44 = tpu.memref_squeeze %dma_wait3A_43 : memref<1x40x128xi32, #tpu.memory_space<hbm>> -> memref<40x128xi32, #tpu.memory_space<hbm>>
      %dma_wait3A_45 = arith.constant 40 : i32
      %dma_wait3A_46 = arith.constant 0 : i32
      %dma_wait3A_47 = tpu.memref_slice %arg3[%add3A, %dma_wait3A_45, %dma_wait3A_46] : memref<32x80x128xi32, #tpu.memory_space<hbm>> -> memref<1x40x128xi32, #tpu.memory_space<hbm>>
      %dma_wait3A_48 = tpu.memref_squeeze %dma_wait3A_47 : memref<1x40x128xi32, #tpu.memory_space<hbm>> -> memref<40x128xi32, #tpu.memory_space<hbm>>
      tpu.wait_dma2 semaphore(%run_scoped3A : memref<!tpu.dma_semaphore, #tpu.memory_space<semaphore_mem>>) src(%dma_wait3A_48 : memref<40x128xi32, #tpu.memory_space<hbm>>) dst(%arg9 : memref<40x128xi32, #tpu.memory_space<vmem>>)
      tpu.yield
    }) : () -> ()
    "tpu.region"() ({
      %run_scoped3A = tpu.sem_alloc : memref<!tpu.dma_semaphore, #tpu.memory_space<semaphore_mem>>
      %dma_start3A_34 = arith.constant 40 : i32
      %dma_start3A_35 = arith.constant 0 : i32
      %dma_start3A_36 = tpu.memref_slice %arg4[%add3A, %dma_start3A_34, %dma_start3A_35] : memref<32x80x128xi32, #tpu.memory_space<hbm>> -> memref<1x40x128xi32, #tpu.memory_space<hbm>>
      %dma_start3A_37 = tpu.memref_squeeze %dma_start3A_36 : memref<1x40x128xi32, #tpu.memory_space<hbm>> -> memref<40x128xi32, #tpu.memory_space<hbm>>
      %dma_start3A_38 = arith.constant 40 : i32
      %dma_start3A_39 = arith.constant 0 : i32
      %dma_start3A_40 = tpu.memref_slice %arg4[%add3A, %dma_start3A_38, %dma_start3A_39] : memref<32x80x128xi32, #tpu.memory_space<hbm>> -> memref<1x40x128xi32, #tpu.memory_space<hbm>>
      %dma_start3A_41 = tpu.memref_squeeze %dma_start3A_40 : memref<1x40x128xi32, #tpu.memory_space<hbm>> -> memref<40x128xi32, #tpu.memory_space<hbm>>
      tpu.enqueue_dma source(%dma_start3A_41 : memref<40x128xi32, #tpu.memory_space<hbm>>) target(%arg10 : memref<40x128xi32, #tpu.memory_space<vmem>>) target_semaphore(%run_scoped3A : memref<!tpu.dma_semaphore, #tpu.memory_space<semaphore_mem>>)
      %dma_wait3A = arith.constant 40 : i32
      %dma_wait3A_42 = arith.constant 0 : i32
      %dma_wait3A_43 = tpu.memref_slice %arg4[%add3A, %dma_wait3A, %dma_wait3A_42] : memref<32x80x128xi32, #tpu.memory_space<hbm>> -> memref<1x40x128xi32, #tpu.memory_space<hbm>>
      %dma_wait3A_44 = tpu.memref_squeeze %dma_wait3A_43 : memref<1x40x128xi32, #tpu.memory_space<hbm>> -> memref<40x128xi32, #tpu.memory_space<hbm>>
      %dma_wait3A_45 = arith.constant 40 : i32
      %dma_wait3A_46 = arith.constant 0 : i32
      %dma_wait3A_47 = tpu.memref_slice %arg4[%add3A, %dma_wait3A_45, %dma_wait3A_46] : memref<32x80x128xi32, #tpu.memory_space<hbm>> -> memref<1x40x128xi32, #tpu.memory_space<hbm>>
      %dma_wait3A_48 = tpu.memref_squeeze %dma_wait3A_47 : memref<1x40x128xi32, #tpu.memory_space<hbm>> -> memref<40x128xi32, #tpu.memory_space<hbm>>
      tpu.wait_dma2 semaphore(%run_scoped3A : memref<!tpu.dma_semaphore, #tpu.memory_space<semaphore_mem>>) src(%dma_wait3A_48 : memref<40x128xi32, #tpu.memory_space<hbm>>) dst(%arg10 : memref<40x128xi32, #tpu.memory_space<vmem>>)
      tpu.yield
    }) : () -> ()
    %dma_start3A_16 = arith.constant 0 : i32
    %dma_start3A_17 = arith.constant 0 : i32
    %dma_start3A_18 = tpu.memref_slice %arg9[%dma_start3A_16, %dma_start3A_17] : memref<40x128xi32, #tpu.memory_space<vmem>> -> memref<1x128xi32, #tpu.memory_space<vmem>>
    %dma_start3A_19 = tpu.memref_squeeze %dma_start3A_18 : memref<1x128xi32, #tpu.memory_space<vmem>> -> memref<128xi32, #tpu.memory_space<vmem>>
    %dma_start3A_20 = arith.constant 0 : i32
    %dma_start3A_21 = arith.constant 0 : i32
    %dma_start3A_22 = tpu.memref_slice %arg2[%dma_start3A_20, %dma_start3A_21] : memref<10000x128xf32, #tpu.memory_space<hbm>> -> memref<10000x128xf32, #tpu.memory_space<hbm>>
    tpu.enqueue_indirect_dma source(%dma_start3A_22 : memref<10000x128xf32, #tpu.memory_space<hbm>>) target(%arg7 : memref<128x128xf32, #tpu.memory_space<vmem>>) offsets(%dma_start3A_19 : memref<128xi32, #tpu.memory_space<vmem>>) semaphore(%arg12 : memref<!tpu.dma_semaphore, #tpu.memory_space<semaphore_mem>>)
    %scan3A_23 = arith.constant 0 : i32
    %scan3A_24 = arith.constant 0 : i32
    %scan3A_25 = arith.constant 20 : i32
    %scan3A_26 = arith.addi %scan3A_24, %scan3A_25 : i32
    %scan3A_27 = arith.constant 1 : i32
    scf.for %scan3A_34 = %scan3A_24 to %scan3A_26 step %scan3A_27  : i32 {
      %mul3A_35 = arith.constant 2 : i32
      %mul3A_36 = arith.muli %mul3A_35, %scan3A_34 : i32
      %dma_wait3A = arith.constant 0 : i32
      %dma_wait3A_37 = tpu.memref_slice %arg9[%mul3A_36, %dma_wait3A] : memref<40x128xi32, #tpu.memory_space<vmem>> -> memref<1x128xi32, #tpu.memory_space<vmem>>
      %dma_wait3A_38 = tpu.memref_squeeze %dma_wait3A_37 : memref<1x128xi32, #tpu.memory_space<vmem>> -> memref<128xi32, #tpu.memory_space<vmem>>
      %dma_wait3A_39 = arith.constant 0 : i32
      %dma_wait3A_40 = arith.constant 0 : i32
      %dma_wait3A_41 = tpu.memref_slice %arg2[%dma_wait3A_39, %dma_wait3A_40] : memref<10000x128xf32, #tpu.memory_space<hbm>> -> memref<10000x128xf32, #tpu.memory_space<hbm>>
      tpu.wait_indirect_dma semaphore(%arg12 : memref<!tpu.dma_semaphore, #tpu.memory_space<semaphore_mem>>) src(%dma_wait3A_41 : memref<10000x128xf32, #tpu.memory_space<hbm>>) dst(%arg7 : memref<128x128xf32, #tpu.memory_space<vmem>>)
      %add3A_42 = arith.constant 1 : i32
      %add3A_43 = arith.addi %mul3A_36, %add3A_42 : i32
      %dma_start3A_44 = arith.constant 0 : i32
      %dma_start3A_45 = tpu.memref_slice %arg9[%add3A_43, %dma_start3A_44] : memref<40x128xi32, #tpu.memory_space<vmem>> -> memref<1x128xi32, #tpu.memory_space<vmem>>
      %dma_start3A_46 = tpu.memref_squeeze %dma_start3A_45 : memref<1x128xi32, #tpu.memory_space<vmem>> -> memref<128xi32, #tpu.memory_space<vmem>>
      %dma_start3A_47 = arith.constant 0 : i32
      %dma_start3A_48 = arith.constant 0 : i32
      %dma_start3A_49 = tpu.memref_slice %arg2[%dma_start3A_47, %dma_start3A_48] : memref<10000x128xf32, #tpu.memory_space<hbm>> -> memref<10000x128xf32, #tpu.memory_space<hbm>>
      tpu.enqueue_indirect_dma source(%dma_start3A_49 : memref<10000x128xf32, #tpu.memory_space<hbm>>) target(%arg8 : memref<128x128xf32, #tpu.memory_space<vmem>>) offsets(%dma_start3A_46 : memref<128xi32, #tpu.memory_space<vmem>>) semaphore(%arg13 : memref<!tpu.dma_semaphore, #tpu.memory_space<semaphore_mem>>)
      "tpu.region"() ({
        %run_scoped3A = tpu.sem_alloc : memref<!tpu.dma_semaphore, #tpu.memory_space<semaphore_mem>>
        %dma_start3A_64 = arith.constant 0 : i32
        %dma_start3A_65 = tpu.memref_slice %arg10[%mul3A_36, %dma_start3A_64] : memref<40x128xi32, #tpu.memory_space<vmem>> -> memref<1x128xi32, #tpu.memory_space<vmem>>
        %dma_start3A_66 = tpu.memref_squeeze %dma_start3A_65 : memref<1x128xi32, #tpu.memory_space<vmem>> -> memref<128xi32, #tpu.memory_space<vmem>>
        %dma_start3A_67 = arith.constant 0 : i32
        %dma_start3A_68 = arith.constant 0 : i32
        %dma_start3A_69 = tpu.memref_slice %arg11[%dma_start3A_67, %dma_start3A_68] : memref<10240x128xf32, #tpu.memory_space<vmem_shared>> -> memref<10240x128xf32, #tpu.memory_space<vmem_shared>>
        tpu.enqueue_indirect_dma source(%arg7 : memref<128x128xf32, #tpu.memory_space<vmem>>) target(%dma_start3A_69 : memref<10240x128xf32, #tpu.memory_space<vmem_shared>>) offsets(%dma_start3A_66 : memref<128xi32, #tpu.memory_space<vmem>>) semaphore(%run_scoped3A : memref<!tpu.dma_semaphore, #tpu.memory_space<semaphore_mem>>) {add = true}
        %dma_wait3A_70 = arith.constant 0 : i32
        %dma_wait3A_71 = tpu.memref_slice %arg10[%mul3A_36, %dma_wait3A_70] : memref<40x128xi32, #tpu.memory_space<vmem>> -> memref<1x128xi32, #tpu.memory_space<vmem>>
        %dma_wait3A_72 = tpu.memref_squeeze %dma_wait3A_71 : memref<1x128xi32, #tpu.memory_space<vmem>> -> memref<128xi32, #tpu.memory_space<vmem>>
        %dma_wait3A_73 = arith.constant 0 : i32
        %dma_wait3A_74 = arith.constant 0 : i32
        %dma_wait3A_75 = tpu.memref_slice %arg11[%dma_wait3A_73, %dma_wait3A_74] : memref<10240x128xf32, #tpu.memory_space<vmem_shared>> -> memref<10240x128xf32, #tpu.memory_space<vmem_shared>>
        tpu.wait_indirect_dma semaphore(%run_scoped3A : memref<!tpu.dma_semaphore, #tpu.memory_space<semaphore_mem>>) src(%arg7 : memref<128x128xf32, #tpu.memory_space<vmem>>) dst(%dma_wait3A_75 : memref<10240x128xf32, #tpu.memory_space<vmem_shared>>)
        tpu.yield
      }) : () -> ()
      %add3A_50 = arith.constant 1 : i32
      %add3A_51 = arith.addi %mul3A_36, %add3A_50 : i32
      %dma_wait3A_52 = arith.constant 0 : i32
      %dma_wait3A_53 = tpu.memref_slice %arg9[%add3A_51, %dma_wait3A_52] : memref<40x128xi32, #tpu.memory_space<vmem>> -> memref<1x128xi32, #tpu.memory_space<vmem>>
      %dma_wait3A_54 = tpu.memref_squeeze %dma_wait3A_53 : memref<1x128xi32, #tpu.memory_space<vmem>> -> memref<128xi32, #tpu.memory_space<vmem>>
      %dma_wait3A_55 = arith.constant 0 : i32
      %dma_wait3A_56 = arith.constant 0 : i32
      %dma_wait3A_57 = tpu.memref_slice %arg2[%dma_wait3A_55, %dma_wait3A_56] : memref<10000x128xf32, #tpu.memory_space<hbm>> -> memref<10000x128xf32, #tpu.memory_space<hbm>>
      tpu.wait_indirect_dma semaphore(%arg13 : memref<!tpu.dma_semaphore, #tpu.memory_space<semaphore_mem>>) src(%dma_wait3A_57 : memref<10000x128xf32, #tpu.memory_space<hbm>>) dst(%arg8 : memref<128x128xf32, #tpu.memory_space<vmem>>)
      %add3A_58 = arith.constant 2 : i32
      %add3A_59 = arith.addi %mul3A_36, %add3A_58 : i32
      %lt3A = arith.constant 40 : i32
      %lt3A_60 = arith.cmpi slt, %add3A_59, %lt3A : i32
      %convert_element_type3A = arith.extui %lt3A_60 : i1 to i32
      %cond3A = arith.constant 0 : i32
      %cond3A_61 = arith.cmpi ne, %convert_element_type3A, %cond3A : i32
      scf.if %cond3A_61 {
        %add3A_64 = arith.constant 2 : i32
        %add3A_65 = arith.addi %mul3A_36, %add3A_64 : i32
        %dma_start3A_66 = arith.constant 0 : i32
        %dma_start3A_67 = tpu.memref_slice %arg9[%add3A_65, %dma_start3A_66] : memref<40x128xi32, #tpu.memory_space<vmem>> -> memref<1x128xi32, #tpu.memory_space<vmem>>
        %dma_start3A_68 = tpu.memref_squeeze %dma_start3A_67 : memref<1x128xi32, #tpu.memory_space<vmem>> -> memref<128xi32, #tpu.memory_space<vmem>>
        %dma_start3A_69 = arith.constant 0 : i32
        %dma_start3A_70 = arith.constant 0 : i32
        %dma_start3A_71 = tpu.memref_slice %arg2[%dma_start3A_69, %dma_start3A_70] : memref<10000x128xf32, #tpu.memory_space<hbm>> -> memref<10000x128xf32, #tpu.memory_space<hbm>>
        tpu.enqueue_indirect_dma source(%dma_start3A_71 : memref<10000x128xf32, #tpu.memory_space<hbm>>) target(%arg7 : memref<128x128xf32, #tpu.memory_space<vmem>>) offsets(%dma_start3A_68 : memref<128xi32, #tpu.memory_space<vmem>>) semaphore(%arg12 : memref<!tpu.dma_semaphore, #tpu.memory_space<semaphore_mem>>)
      } else {
      }
      %add3A_62 = arith.constant 1 : i32
      %add3A_63 = arith.addi %mul3A_36, %add3A_62 : i32
      "tpu.region"() ({
        %run_scoped3A = tpu.sem_alloc : memref<!tpu.dma_semaphore, #tpu.memory_space<semaphore_mem>>
        %dma_start3A_64 = arith.constant 0 : i32
        %dma_start3A_65 = tpu.memref_slice %arg10[%add3A_63, %dma_start3A_64] : memref<40x128xi32, #tpu.memory_space<vmem>> -> memref<1x128xi32, #tpu.memory_space<vmem>>
        %dma_start3A_66 = tpu.memref_squeeze %dma_start3A_65 : memref<1x128xi32, #tpu.memory_space<vmem>> -> memref<128xi32, #tpu.memory_space<vmem>>
        %dma_start3A_67 = arith.constant 0 : i32
        %dma_start3A_68 = arith.constant 0 : i32
        %dma_start3A_69 = tpu.memref_slice %arg11[%dma_start3A_67, %dma_start3A_68] : memref<10240x128xf32, #tpu.memory_space<vmem_shared>> -> memref<10240x128xf32, #tpu.memory_space<vmem_shared>>
        tpu.enqueue_indirect_dma source(%arg8 : memref<128x128xf32, #tpu.memory_space<vmem>>) target(%dma_start3A_69 : memref<10240x128xf32, #tpu.memory_space<vmem_shared>>) offsets(%dma_start3A_66 : memref<128xi32, #tpu.memory_space<vmem>>) semaphore(%run_scoped3A : memref<!tpu.dma_semaphore, #tpu.memory_space<semaphore_mem>>) {add = true}
        %dma_wait3A_70 = arith.constant 0 : i32
        %dma_wait3A_71 = tpu.memref_slice %arg10[%add3A_63, %dma_wait3A_70] : memref<40x128xi32, #tpu.memory_space<vmem>> -> memref<1x128xi32, #tpu.memory_space<vmem>>
        %dma_wait3A_72 = tpu.memref_squeeze %dma_wait3A_71 : memref<1x128xi32, #tpu.memory_space<vmem>> -> memref<128xi32, #tpu.memory_space<vmem>>
        %dma_wait3A_73 = arith.constant 0 : i32
        %dma_wait3A_74 = arith.constant 0 : i32
        %dma_wait3A_75 = tpu.memref_slice %arg11[%dma_wait3A_73, %dma_wait3A_74] : memref<10240x128xf32, #tpu.memory_space<vmem_shared>> -> memref<10240x128xf32, #tpu.memory_space<vmem_shared>>
        tpu.wait_indirect_dma semaphore(%run_scoped3A : memref<!tpu.dma_semaphore, #tpu.memory_space<semaphore_mem>>) src(%arg8 : memref<128x128xf32, #tpu.memory_space<vmem>>) dst(%dma_wait3A_75 : memref<10240x128xf32, #tpu.memory_space<vmem_shared>>)
        tpu.yield
      }) : () -> ()
    }
    %scan3A_28 = arith.constant 20 : i32
    %barrier3A_29 = arith.constant 0 : index
    tpu.barrier barrier_id(%barrier3A_29)
    %mul3A_30 = arith.constant 640 : i32
    %mul3A_31 = arith.muli %arg1, %mul3A_30 : i32
    %mul3A_32 = arith.constant 640 : i32
    %mul3A_33 = arith.muli %arg1, %mul3A_32 : i32
    "tpu.region"() ({
      %run_scoped3A = tpu.sem_alloc : memref<!tpu.dma_semaphore, #tpu.memory_space<semaphore_mem>>
      %dma_start3A_34 = arith.constant 0 : i32
      %dma_start3A_35 = tpu.memref_slice %arg6[%arg0, %mul3A_33, %dma_start3A_34] : memref<2x10240x128xf32, #tpu.memory_space<hbm>> -> memref<1x640x128xf32, #tpu.memory_space<hbm>>
      %dma_start3A_36 = tpu.memref_squeeze %dma_start3A_35 : memref<1x640x128xf32, #tpu.memory_space<hbm>> -> memref<640x128xf32, #tpu.memory_space<hbm>>
      %dma_start3A_37 = arith.constant 0 : i32
      %dma_start3A_38 = tpu.memref_slice %arg11[%mul3A_31, %dma_start3A_37] : memref<10240x128xf32, #tpu.memory_space<vmem_shared>> -> memref<640x128xf32, #tpu.memory_space<vmem_shared>>
      tpu.enqueue_dma source(%dma_start3A_38 : memref<640x128xf32, #tpu.memory_space<vmem_shared>>) target(%dma_start3A_36 : memref<640x128xf32, #tpu.memory_space<hbm>>) target_semaphore(%run_scoped3A : memref<!tpu.dma_semaphore, #tpu.memory_space<semaphore_mem>>)
      %dma_wait3A = arith.constant 0 : i32
      %dma_wait3A_39 = tpu.memref_slice %arg6[%arg0, %mul3A_33, %dma_wait3A] : memref<2x10240x128xf32, #tpu.memory_space<hbm>> -> memref<1x640x128xf32, #tpu.memory_space<hbm>>
      %dma_wait3A_40 = tpu.memref_squeeze %dma_wait3A_39 : memref<1x640x128xf32, #tpu.memory_space<hbm>> -> memref<640x128xf32, #tpu.memory_space<hbm>>
      %dma_wait3A_41 = arith.constant 0 : i32
      %dma_wait3A_42 = tpu.memref_slice %arg11[%mul3A_31, %dma_wait3A_41] : memref<10240x128xf32, #tpu.memory_space<vmem_shared>> -> memref<640x128xf32, #tpu.memory_space<vmem_shared>>
      tpu.wait_dma2 semaphore(%run_scoped3A : memref<!tpu.dma_semaphore, #tpu.memory_space<semaphore_mem>>) src(%dma_wait3A_42 : memref<640x128xf32, #tpu.memory_space<vmem_shared>>) dst(%dma_wait3A_40 : memref<640x128xf32, #tpu.memory_space<hbm>>)
      tpu.yield
    }) : () -> ()
    return
  }
}

#map = affine_map<(d0, d1) -> (0, 0)>
#map1 = affine_map<(d0, d1) -> (0, 0, 0)>
module attributes {stable_mosaic.version = 14 : i64} {
  func.func @_eagg_body(%arg0: i32, %arg1: i32, %arg2: memref<320000x16xf32, #tpu.memory_space<hbm>>, %arg3: memref<32x80x128xi32, #tpu.memory_space<hbm>>, %arg4: memref<10240x16xf32, #tpu.memory_space<hbm>>, %arg5: memref<2x10240x16xf32, #tpu.memory_space<hbm>>, %arg6: memref<128x16xf32, #tpu.memory_space<vmem>>, %arg7: memref<128x16xf32, #tpu.memory_space<vmem>>, %arg8: memref<80x128xi32, #tpu.memory_space<vmem>>, %arg9: memref<10240x16xf32, #tpu.memory_space<vmem_shared>>, %arg10: memref<!tpu.dma_semaphore, #tpu.memory_space<semaphore_mem>>, %arg11: memref<!tpu.dma_semaphore, #tpu.memory_space<semaphore_mem>>) attributes {dimension_semantics = [#tpu.dimension_semantics<core_parallel>, #tpu.dimension_semantics<subcore_parallel>], iteration_bounds = array<i64: 2, 16>, scalar_prefetch = 0 : i64, scratch_operands = 6 : i64, tpu.core_type = #tpu.core_type<sc_vector_subcore>, window_params = [{transform_indices = #map}, {transform_indices = #map1}, {transform_indices = #map}, {transform_indices = #map1}]} {
    %mul3A = arith.constant 16 : i32
    %mul3A_0 = arith.muli %arg0, %mul3A : i32
    %add3A = arith.addi %mul3A_0, %arg1 : i32
    %mul3A_1 = arith.constant 10000 : i32
    %mul3A_2 = arith.muli %add3A, %mul3A_1 : i32
    %mul3A_3 = arith.constant 640 : i32
    %mul3A_4 = arith.muli %arg1, %mul3A_3 : i32
    %mul3A_5 = arith.constant 640 : i32
    %mul3A_6 = arith.muli %arg1, %mul3A_5 : i32
    "tpu.region"() ({
      %run_scoped3A_22 = tpu.sem_alloc : memref<!tpu.dma_semaphore, #tpu.memory_space<semaphore_mem>>
      %dma_start3A_23 = arith.constant 0 : i32
      %dma_start3A_24 = tpu.memref_slice %arg9[%mul3A_6, %dma_start3A_23] : memref<10240x16xf32, #tpu.memory_space<vmem_shared>> -> memref<640x16xf32, #tpu.memory_space<vmem_shared>>
      %dma_start3A_25 = arith.constant 0 : i32
      %dma_start3A_26 = tpu.memref_slice %arg4[%mul3A_4, %dma_start3A_25] : memref<10240x16xf32, #tpu.memory_space<hbm>> -> memref<640x16xf32, #tpu.memory_space<hbm>>
      tpu.enqueue_dma source(%dma_start3A_26 : memref<640x16xf32, #tpu.memory_space<hbm>>) target(%dma_start3A_24 : memref<640x16xf32, #tpu.memory_space<vmem_shared>>) target_semaphore(%run_scoped3A_22 : memref<!tpu.dma_semaphore, #tpu.memory_space<semaphore_mem>>)
      %dma_wait3A = arith.constant 0 : i32
      %dma_wait3A_27 = tpu.memref_slice %arg9[%mul3A_6, %dma_wait3A] : memref<10240x16xf32, #tpu.memory_space<vmem_shared>> -> memref<640x16xf32, #tpu.memory_space<vmem_shared>>
      %dma_wait3A_28 = arith.constant 0 : i32
      %dma_wait3A_29 = tpu.memref_slice %arg4[%mul3A_4, %dma_wait3A_28] : memref<10240x16xf32, #tpu.memory_space<hbm>> -> memref<640x16xf32, #tpu.memory_space<hbm>>
      tpu.wait_dma2 semaphore(%run_scoped3A_22 : memref<!tpu.dma_semaphore, #tpu.memory_space<semaphore_mem>>) src(%dma_wait3A_29 : memref<640x16xf32, #tpu.memory_space<hbm>>) dst(%dma_wait3A_27 : memref<640x16xf32, #tpu.memory_space<vmem_shared>>)
      tpu.yield
    }) : () -> ()
    "tpu.region"() ({
      %run_scoped3A_22 = tpu.sem_alloc : memref<!tpu.dma_semaphore, #tpu.memory_space<semaphore_mem>>
      %dma_start3A_23 = arith.constant 0 : i32
      %dma_start3A_24 = arith.constant 0 : i32
      %dma_start3A_25 = tpu.memref_slice %arg3[%add3A, %dma_start3A_23, %dma_start3A_24] : memref<32x80x128xi32, #tpu.memory_space<hbm>> -> memref<1x80x128xi32, #tpu.memory_space<hbm>>
      %dma_start3A_26 = tpu.memref_squeeze %dma_start3A_25 : memref<1x80x128xi32, #tpu.memory_space<hbm>> -> memref<80x128xi32, #tpu.memory_space<hbm>>
      %dma_start3A_27 = arith.constant 0 : i32
      %dma_start3A_28 = arith.constant 0 : i32
      %dma_start3A_29 = tpu.memref_slice %arg3[%add3A, %dma_start3A_27, %dma_start3A_28] : memref<32x80x128xi32, #tpu.memory_space<hbm>> -> memref<1x80x128xi32, #tpu.memory_space<hbm>>
      %dma_start3A_30 = tpu.memref_squeeze %dma_start3A_29 : memref<1x80x128xi32, #tpu.memory_space<hbm>> -> memref<80x128xi32, #tpu.memory_space<hbm>>
      tpu.enqueue_dma source(%dma_start3A_30 : memref<80x128xi32, #tpu.memory_space<hbm>>) target(%arg8 : memref<80x128xi32, #tpu.memory_space<vmem>>) target_semaphore(%run_scoped3A_22 : memref<!tpu.dma_semaphore, #tpu.memory_space<semaphore_mem>>)
      %dma_wait3A = arith.constant 0 : i32
      %dma_wait3A_31 = arith.constant 0 : i32
      %dma_wait3A_32 = tpu.memref_slice %arg3[%add3A, %dma_wait3A, %dma_wait3A_31] : memref<32x80x128xi32, #tpu.memory_space<hbm>> -> memref<1x80x128xi32, #tpu.memory_space<hbm>>
      %dma_wait3A_33 = tpu.memref_squeeze %dma_wait3A_32 : memref<1x80x128xi32, #tpu.memory_space<hbm>> -> memref<80x128xi32, #tpu.memory_space<hbm>>
      %dma_wait3A_34 = arith.constant 0 : i32
      %dma_wait3A_35 = arith.constant 0 : i32
      %dma_wait3A_36 = tpu.memref_slice %arg3[%add3A, %dma_wait3A_34, %dma_wait3A_35] : memref<32x80x128xi32, #tpu.memory_space<hbm>> -> memref<1x80x128xi32, #tpu.memory_space<hbm>>
      %dma_wait3A_37 = tpu.memref_squeeze %dma_wait3A_36 : memref<1x80x128xi32, #tpu.memory_space<hbm>> -> memref<80x128xi32, #tpu.memory_space<hbm>>
      tpu.wait_dma2 semaphore(%run_scoped3A_22 : memref<!tpu.dma_semaphore, #tpu.memory_space<semaphore_mem>>) src(%dma_wait3A_37 : memref<80x128xi32, #tpu.memory_space<hbm>>) dst(%arg8 : memref<80x128xi32, #tpu.memory_space<vmem>>)
      tpu.yield
    }) : () -> ()
    %barrier3A = arith.constant 0 : index
    tpu.barrier barrier_id(%barrier3A)
    %dma_start3A = arith.constant 0 : i32
    %dma_start3A_7 = tpu.memref_slice %arg2[%mul3A_2, %dma_start3A] : memref<320000x16xf32, #tpu.memory_space<hbm>> -> memref<128x16xf32, #tpu.memory_space<hbm>>
    %dma_start3A_8 = arith.constant 0 : i32
    %dma_start3A_9 = tpu.memref_slice %arg2[%mul3A_2, %dma_start3A_8] : memref<320000x16xf32, #tpu.memory_space<hbm>> -> memref<128x16xf32, #tpu.memory_space<hbm>>
    tpu.enqueue_dma source(%dma_start3A_9 : memref<128x16xf32, #tpu.memory_space<hbm>>) target(%arg6 : memref<128x16xf32, #tpu.memory_space<vmem>>) target_semaphore(%arg10 : memref<!tpu.dma_semaphore, #tpu.memory_space<semaphore_mem>>)
    %scan3A = arith.constant 0 : i32
    %scan3A_10 = arith.constant 0 : i32
    %scan3A_11 = arith.constant 39 : i32
    %scan3A_12 = arith.addi %scan3A_10, %scan3A_11 : i32
    %scan3A_13 = arith.constant 1 : i32
    scf.for %scan3A_22 = %scan3A_10 to %scan3A_12 step %scan3A_13  : i32 {
      %mul3A_23 = arith.constant 2 : i32
      %mul3A_24 = arith.muli %mul3A_23, %scan3A_22 : i32
      %dma_wait3A = arith.constant 0 : i32
      %dma_wait3A_25 = tpu.memref_slice %arg2[%mul3A_2, %dma_wait3A] : memref<320000x16xf32, #tpu.memory_space<hbm>> -> memref<128x16xf32, #tpu.memory_space<hbm>>
      %dma_wait3A_26 = arith.constant 0 : i32
      %dma_wait3A_27 = tpu.memref_slice %arg2[%mul3A_2, %dma_wait3A_26] : memref<320000x16xf32, #tpu.memory_space<hbm>> -> memref<128x16xf32, #tpu.memory_space<hbm>>
      tpu.wait_dma2 semaphore(%arg10 : memref<!tpu.dma_semaphore, #tpu.memory_space<semaphore_mem>>) src(%dma_wait3A_27 : memref<128x16xf32, #tpu.memory_space<hbm>>) dst(%arg6 : memref<128x16xf32, #tpu.memory_space<vmem>>)
      %add3A_28 = arith.constant 1 : i32
      %add3A_29 = arith.addi %mul3A_24, %add3A_28 : i32
      %mul3A_30 = arith.constant 128 : i32
      %mul3A_31 = arith.muli %add3A_29, %mul3A_30 : i32
      %add3A_32 = arith.addi %mul3A_2, %mul3A_31 : i32
      %dma_start3A_33 = arith.constant 0 : i32
      %dma_start3A_34 = tpu.memref_slice %arg2[%add3A_32, %dma_start3A_33] : memref<320000x16xf32, #tpu.memory_space<hbm>> -> memref<128x16xf32, #tpu.memory_space<hbm>>
      %dma_start3A_35 = arith.constant 0 : i32
      %dma_start3A_36 = tpu.memref_slice %arg2[%add3A_32, %dma_start3A_35] : memref<320000x16xf32, #tpu.memory_space<hbm>> -> memref<128x16xf32, #tpu.memory_space<hbm>>
      tpu.enqueue_dma source(%dma_start3A_36 : memref<128x16xf32, #tpu.memory_space<hbm>>) target(%arg7 : memref<128x16xf32, #tpu.memory_space<vmem>>) target_semaphore(%arg11 : memref<!tpu.dma_semaphore, #tpu.memory_space<semaphore_mem>>)
      "tpu.region"() ({
        %run_scoped3A_47 = tpu.sem_alloc : memref<!tpu.dma_semaphore, #tpu.memory_space<semaphore_mem>>
        %dma_start3A_48 = arith.constant 0 : i32
        %dma_start3A_49 = tpu.memref_slice %arg8[%mul3A_24, %dma_start3A_48] : memref<80x128xi32, #tpu.memory_space<vmem>> -> memref<1x128xi32, #tpu.memory_space<vmem>>
        %dma_start3A_50 = tpu.memref_squeeze %dma_start3A_49 : memref<1x128xi32, #tpu.memory_space<vmem>> -> memref<128xi32, #tpu.memory_space<vmem>>
        %dma_start3A_51 = arith.constant 0 : i32
        %dma_start3A_52 = arith.constant 0 : i32
        %dma_start3A_53 = tpu.memref_slice %arg9[%dma_start3A_51, %dma_start3A_52] : memref<10240x16xf32, #tpu.memory_space<vmem_shared>> -> memref<10240x16xf32, #tpu.memory_space<vmem_shared>>
        tpu.enqueue_indirect_dma source(%arg6 : memref<128x16xf32, #tpu.memory_space<vmem>>) target(%dma_start3A_53 : memref<10240x16xf32, #tpu.memory_space<vmem_shared>>) offsets(%dma_start3A_50 : memref<128xi32, #tpu.memory_space<vmem>>) semaphore(%run_scoped3A_47 : memref<!tpu.dma_semaphore, #tpu.memory_space<semaphore_mem>>) {add = true}
        %dma_wait3A_54 = arith.constant 0 : i32
        %dma_wait3A_55 = tpu.memref_slice %arg8[%mul3A_24, %dma_wait3A_54] : memref<80x128xi32, #tpu.memory_space<vmem>> -> memref<1x128xi32, #tpu.memory_space<vmem>>
        %dma_wait3A_56 = tpu.memref_squeeze %dma_wait3A_55 : memref<1x128xi32, #tpu.memory_space<vmem>> -> memref<128xi32, #tpu.memory_space<vmem>>
        %dma_wait3A_57 = arith.constant 0 : i32
        %dma_wait3A_58 = arith.constant 0 : i32
        %dma_wait3A_59 = tpu.memref_slice %arg9[%dma_wait3A_57, %dma_wait3A_58] : memref<10240x16xf32, #tpu.memory_space<vmem_shared>> -> memref<10240x16xf32, #tpu.memory_space<vmem_shared>>
        tpu.wait_indirect_dma semaphore(%run_scoped3A_47 : memref<!tpu.dma_semaphore, #tpu.memory_space<semaphore_mem>>) src(%arg6 : memref<128x16xf32, #tpu.memory_space<vmem>>) dst(%dma_wait3A_59 : memref<10240x16xf32, #tpu.memory_space<vmem_shared>>)
        tpu.yield
      }) : () -> ()
      %dma_wait3A_37 = arith.constant 0 : i32
      %dma_wait3A_38 = tpu.memref_slice %arg2[%mul3A_2, %dma_wait3A_37] : memref<320000x16xf32, #tpu.memory_space<hbm>> -> memref<128x16xf32, #tpu.memory_space<hbm>>
      %dma_wait3A_39 = arith.constant 0 : i32
      %dma_wait3A_40 = tpu.memref_slice %arg2[%mul3A_2, %dma_wait3A_39] : memref<320000x16xf32, #tpu.memory_space<hbm>> -> memref<128x16xf32, #tpu.memory_space<hbm>>
      tpu.wait_dma2 semaphore(%arg11 : memref<!tpu.dma_semaphore, #tpu.memory_space<semaphore_mem>>) src(%dma_wait3A_40 : memref<128x16xf32, #tpu.memory_space<hbm>>) dst(%arg7 : memref<128x16xf32, #tpu.memory_space<vmem>>)
      %add3A_41 = arith.constant 2 : i32
      %add3A_42 = arith.addi %mul3A_24, %add3A_41 : i32
      %lt3A = arith.constant 78 : i32
      %lt3A_43 = arith.cmpi slt, %add3A_42, %lt3A : i32
      %convert_element_type3A = arith.extui %lt3A_43 : i1 to i32
      %cond3A = arith.constant 0 : i32
      %cond3A_44 = arith.cmpi ne, %convert_element_type3A, %cond3A : i32
      scf.if %cond3A_44 {
        %add3A_47 = arith.constant 2 : i32
        %add3A_48 = arith.addi %mul3A_24, %add3A_47 : i32
        %mul3A_49 = arith.constant 128 : i32
        %mul3A_50 = arith.muli %add3A_48, %mul3A_49 : i32
        %add3A_51 = arith.addi %mul3A_2, %mul3A_50 : i32
        %dma_start3A_52 = arith.constant 0 : i32
        %dma_start3A_53 = tpu.memref_slice %arg2[%add3A_51, %dma_start3A_52] : memref<320000x16xf32, #tpu.memory_space<hbm>> -> memref<128x16xf32, #tpu.memory_space<hbm>>
        %dma_start3A_54 = arith.constant 0 : i32
        %dma_start3A_55 = tpu.memref_slice %arg2[%add3A_51, %dma_start3A_54] : memref<320000x16xf32, #tpu.memory_space<hbm>> -> memref<128x16xf32, #tpu.memory_space<hbm>>
        tpu.enqueue_dma source(%dma_start3A_55 : memref<128x16xf32, #tpu.memory_space<hbm>>) target(%arg6 : memref<128x16xf32, #tpu.memory_space<vmem>>) target_semaphore(%arg10 : memref<!tpu.dma_semaphore, #tpu.memory_space<semaphore_mem>>)
      } else {
      }
      %add3A_45 = arith.constant 1 : i32
      %add3A_46 = arith.addi %mul3A_24, %add3A_45 : i32
      "tpu.region"() ({
        %run_scoped3A_47 = tpu.sem_alloc : memref<!tpu.dma_semaphore, #tpu.memory_space<semaphore_mem>>
        %dma_start3A_48 = arith.constant 0 : i32
        %dma_start3A_49 = tpu.memref_slice %arg8[%add3A_46, %dma_start3A_48] : memref<80x128xi32, #tpu.memory_space<vmem>> -> memref<1x128xi32, #tpu.memory_space<vmem>>
        %dma_start3A_50 = tpu.memref_squeeze %dma_start3A_49 : memref<1x128xi32, #tpu.memory_space<vmem>> -> memref<128xi32, #tpu.memory_space<vmem>>
        %dma_start3A_51 = arith.constant 0 : i32
        %dma_start3A_52 = arith.constant 0 : i32
        %dma_start3A_53 = tpu.memref_slice %arg9[%dma_start3A_51, %dma_start3A_52] : memref<10240x16xf32, #tpu.memory_space<vmem_shared>> -> memref<10240x16xf32, #tpu.memory_space<vmem_shared>>
        tpu.enqueue_indirect_dma source(%arg7 : memref<128x16xf32, #tpu.memory_space<vmem>>) target(%dma_start3A_53 : memref<10240x16xf32, #tpu.memory_space<vmem_shared>>) offsets(%dma_start3A_50 : memref<128xi32, #tpu.memory_space<vmem>>) semaphore(%run_scoped3A_47 : memref<!tpu.dma_semaphore, #tpu.memory_space<semaphore_mem>>) {add = true}
        %dma_wait3A_54 = arith.constant 0 : i32
        %dma_wait3A_55 = tpu.memref_slice %arg8[%add3A_46, %dma_wait3A_54] : memref<80x128xi32, #tpu.memory_space<vmem>> -> memref<1x128xi32, #tpu.memory_space<vmem>>
        %dma_wait3A_56 = tpu.memref_squeeze %dma_wait3A_55 : memref<1x128xi32, #tpu.memory_space<vmem>> -> memref<128xi32, #tpu.memory_space<vmem>>
        %dma_wait3A_57 = arith.constant 0 : i32
        %dma_wait3A_58 = arith.constant 0 : i32
        %dma_wait3A_59 = tpu.memref_slice %arg9[%dma_wait3A_57, %dma_wait3A_58] : memref<10240x16xf32, #tpu.memory_space<vmem_shared>> -> memref<10240x16xf32, #tpu.memory_space<vmem_shared>>
        tpu.wait_indirect_dma semaphore(%run_scoped3A_47 : memref<!tpu.dma_semaphore, #tpu.memory_space<semaphore_mem>>) src(%arg7 : memref<128x16xf32, #tpu.memory_space<vmem>>) dst(%dma_wait3A_59 : memref<10240x16xf32, #tpu.memory_space<vmem_shared>>)
        tpu.yield
      }) : () -> ()
    }
    %scan3A_14 = arith.constant 39 : i32
    %add3A_15 = arith.constant 9984 : i32
    %add3A_16 = arith.addi %mul3A_2, %add3A_15 : i32
    "tpu.region"() ({
      %run_scoped3A_22 = tpu.sem_alloc : memref<!tpu.dma_semaphore, #tpu.memory_space<semaphore_mem>>
      %dma_start3A_23 = arith.constant 0 : i32
      %dma_start3A_24 = arith.constant 0 : i32
      %dma_start3A_25 = tpu.memref_slice %arg6[%dma_start3A_23, %dma_start3A_24] : memref<128x16xf32, #tpu.memory_space<vmem>> -> memref<16x16xf32, #tpu.memory_space<vmem>>
      %dma_start3A_26 = arith.constant 0 : i32
      %dma_start3A_27 = tpu.memref_slice %arg2[%add3A_16, %dma_start3A_26] : memref<320000x16xf32, #tpu.memory_space<hbm>> -> memref<16x16xf32, #tpu.memory_space<hbm>>
      %dma_start3A_28 = arith.constant 0 : i32
      %dma_start3A_29 = arith.constant 0 : i32
      %dma_start3A_30 = tpu.memref_slice %arg6[%dma_start3A_28, %dma_start3A_29] : memref<128x16xf32, #tpu.memory_space<vmem>> -> memref<16x16xf32, #tpu.memory_space<vmem>>
      %dma_start3A_31 = arith.constant 0 : i32
      %dma_start3A_32 = tpu.memref_slice %arg2[%add3A_16, %dma_start3A_31] : memref<320000x16xf32, #tpu.memory_space<hbm>> -> memref<16x16xf32, #tpu.memory_space<hbm>>
      tpu.enqueue_dma source(%dma_start3A_32 : memref<16x16xf32, #tpu.memory_space<hbm>>) target(%dma_start3A_30 : memref<16x16xf32, #tpu.memory_space<vmem>>) target_semaphore(%run_scoped3A_22 : memref<!tpu.dma_semaphore, #tpu.memory_space<semaphore_mem>>)
      %dma_wait3A = arith.constant 0 : i32
      %dma_wait3A_33 = arith.constant 0 : i32
      %dma_wait3A_34 = tpu.memref_slice %arg6[%dma_wait3A, %dma_wait3A_33] : memref<128x16xf32, #tpu.memory_space<vmem>> -> memref<16x16xf32, #tpu.memory_space<vmem>>
      %dma_wait3A_35 = arith.constant 0 : i32
      %dma_wait3A_36 = tpu.memref_slice %arg2[%add3A_16, %dma_wait3A_35] : memref<320000x16xf32, #tpu.memory_space<hbm>> -> memref<16x16xf32, #tpu.memory_space<hbm>>
      %dma_wait3A_37 = arith.constant 0 : i32
      %dma_wait3A_38 = arith.constant 0 : i32
      %dma_wait3A_39 = tpu.memref_slice %arg6[%dma_wait3A_37, %dma_wait3A_38] : memref<128x16xf32, #tpu.memory_space<vmem>> -> memref<16x16xf32, #tpu.memory_space<vmem>>
      %dma_wait3A_40 = arith.constant 0 : i32
      %dma_wait3A_41 = tpu.memref_slice %arg2[%add3A_16, %dma_wait3A_40] : memref<320000x16xf32, #tpu.memory_space<hbm>> -> memref<16x16xf32, #tpu.memory_space<hbm>>
      tpu.wait_dma2 semaphore(%run_scoped3A_22 : memref<!tpu.dma_semaphore, #tpu.memory_space<semaphore_mem>>) src(%dma_wait3A_41 : memref<16x16xf32, #tpu.memory_space<hbm>>) dst(%dma_wait3A_39 : memref<16x16xf32, #tpu.memory_space<vmem>>)
      tpu.yield
    }) : () -> ()
    %run_scoped3A = arith.constant 78 : i32
    "tpu.region"() ({
      %run_scoped3A_22 = tpu.sem_alloc : memref<!tpu.dma_semaphore, #tpu.memory_space<semaphore_mem>>
      %dma_start3A_23 = arith.constant 0 : i32
      %dma_start3A_24 = tpu.memref_slice %arg8[%run_scoped3A, %dma_start3A_23] : memref<80x128xi32, #tpu.memory_space<vmem>> -> memref<1x128xi32, #tpu.memory_space<vmem>>
      %dma_start3A_25 = tpu.memref_squeeze %dma_start3A_24 : memref<1x128xi32, #tpu.memory_space<vmem>> -> memref<128xi32, #tpu.memory_space<vmem>>
      %dma_start3A_26 = arith.constant 0 : i32
      %dma_start3A_27 = arith.constant 0 : i32
      %dma_start3A_28 = tpu.memref_slice %arg9[%dma_start3A_26, %dma_start3A_27] : memref<10240x16xf32, #tpu.memory_space<vmem_shared>> -> memref<10240x16xf32, #tpu.memory_space<vmem_shared>>
      tpu.enqueue_indirect_dma source(%arg6 : memref<128x16xf32, #tpu.memory_space<vmem>>) target(%dma_start3A_28 : memref<10240x16xf32, #tpu.memory_space<vmem_shared>>) offsets(%dma_start3A_25 : memref<128xi32, #tpu.memory_space<vmem>>) semaphore(%run_scoped3A_22 : memref<!tpu.dma_semaphore, #tpu.memory_space<semaphore_mem>>) {add = true}
      %dma_wait3A = arith.constant 0 : i32
      %dma_wait3A_29 = tpu.memref_slice %arg8[%run_scoped3A, %dma_wait3A] : memref<80x128xi32, #tpu.memory_space<vmem>> -> memref<1x128xi32, #tpu.memory_space<vmem>>
      %dma_wait3A_30 = tpu.memref_squeeze %dma_wait3A_29 : memref<1x128xi32, #tpu.memory_space<vmem>> -> memref<128xi32, #tpu.memory_space<vmem>>
      %dma_wait3A_31 = arith.constant 0 : i32
      %dma_wait3A_32 = arith.constant 0 : i32
      %dma_wait3A_33 = tpu.memref_slice %arg9[%dma_wait3A_31, %dma_wait3A_32] : memref<10240x16xf32, #tpu.memory_space<vmem_shared>> -> memref<10240x16xf32, #tpu.memory_space<vmem_shared>>
      tpu.wait_indirect_dma semaphore(%run_scoped3A_22 : memref<!tpu.dma_semaphore, #tpu.memory_space<semaphore_mem>>) src(%arg6 : memref<128x16xf32, #tpu.memory_space<vmem>>) dst(%dma_wait3A_33 : memref<10240x16xf32, #tpu.memory_space<vmem_shared>>)
      tpu.yield
    }) : () -> ()
    %barrier3A_17 = arith.constant 0 : index
    tpu.barrier barrier_id(%barrier3A_17)
    %mul3A_18 = arith.constant 640 : i32
    %mul3A_19 = arith.muli %arg1, %mul3A_18 : i32
    %mul3A_20 = arith.constant 640 : i32
    %mul3A_21 = arith.muli %arg1, %mul3A_20 : i32
    "tpu.region"() ({
      %run_scoped3A_22 = tpu.sem_alloc : memref<!tpu.dma_semaphore, #tpu.memory_space<semaphore_mem>>
      %dma_start3A_23 = arith.constant 0 : i32
      %dma_start3A_24 = tpu.memref_slice %arg5[%arg0, %mul3A_21, %dma_start3A_23] : memref<2x10240x16xf32, #tpu.memory_space<hbm>> -> memref<1x640x16xf32, #tpu.memory_space<hbm>>
      %dma_start3A_25 = tpu.memref_squeeze %dma_start3A_24 : memref<1x640x16xf32, #tpu.memory_space<hbm>> -> memref<640x16xf32, #tpu.memory_space<hbm>>
      %dma_start3A_26 = arith.constant 0 : i32
      %dma_start3A_27 = tpu.memref_slice %arg9[%mul3A_19, %dma_start3A_26] : memref<10240x16xf32, #tpu.memory_space<vmem_shared>> -> memref<640x16xf32, #tpu.memory_space<vmem_shared>>
      tpu.enqueue_dma source(%dma_start3A_27 : memref<640x16xf32, #tpu.memory_space<vmem_shared>>) target(%dma_start3A_25 : memref<640x16xf32, #tpu.memory_space<hbm>>) target_semaphore(%run_scoped3A_22 : memref<!tpu.dma_semaphore, #tpu.memory_space<semaphore_mem>>)
      %dma_wait3A = arith.constant 0 : i32
      %dma_wait3A_28 = tpu.memref_slice %arg5[%arg0, %mul3A_21, %dma_wait3A] : memref<2x10240x16xf32, #tpu.memory_space<hbm>> -> memref<1x640x16xf32, #tpu.memory_space<hbm>>
      %dma_wait3A_29 = tpu.memref_squeeze %dma_wait3A_28 : memref<1x640x16xf32, #tpu.memory_space<hbm>> -> memref<640x16xf32, #tpu.memory_space<hbm>>
      %dma_wait3A_30 = arith.constant 0 : i32
      %dma_wait3A_31 = tpu.memref_slice %arg9[%mul3A_19, %dma_wait3A_30] : memref<10240x16xf32, #tpu.memory_space<vmem_shared>> -> memref<640x16xf32, #tpu.memory_space<vmem_shared>>
      tpu.wait_dma2 semaphore(%run_scoped3A_22 : memref<!tpu.dma_semaphore, #tpu.memory_space<semaphore_mem>>) src(%dma_wait3A_31 : memref<640x16xf32, #tpu.memory_space<vmem_shared>>) dst(%dma_wait3A_29 : memref<640x16xf32, #tpu.memory_space<hbm>>)
      tpu.yield
    }) : () -> ()
    return
  }
}

#map = affine_map<(d0, d1) -> (0, 0)>
#map1 = affine_map<(d0, d1) -> (0, 0, 0)>
module attributes {stable_mosaic.version = 14 : i64} {
  func.func @_spmv_body(%arg0: i32, %arg1: i32, %arg2: memref<10000x128xf32, #tpu.memory_space<hbm>>, %arg3: memref<32x80x128xi32, #tpu.memory_space<hbm>>, %arg4: memref<32x80x128xi32, #tpu.memory_space<hbm>>, %arg5: memref<10240x128xf32, #tpu.memory_space<hbm>>, %arg6: memref<2x10240x128xf32, #tpu.memory_space<hbm>>, %arg7: memref<128x128xf32, #tpu.memory_space<vmem>>, %arg8: memref<128x128xf32, #tpu.memory_space<vmem>>, %arg9: memref<40x128xi32, #tpu.memory_space<vmem>>, %arg10: memref<40x128xi32, #tpu.memory_space<vmem>>, %arg11: memref<10240x128xf32, #tpu.memory_space<vmem_shared>>, %arg12: memref<!tpu.dma_semaphore, #tpu.memory_space<semaphore_mem>>, %arg13: memref<!tpu.dma_semaphore, #tpu.memory_space<semaphore_mem>>) attributes {dimension_semantics = [#tpu.dimension_semantics<core_parallel>, #tpu.dimension_semantics<subcore_parallel>], iteration_bounds = array<i64: 2, 16>, scalar_prefetch = 0 : i64, scratch_operands = 7 : i64, tpu.core_type = #tpu.core_type<sc_vector_subcore>, window_params = [{transform_indices = #map}, {transform_indices = #map1}, {transform_indices = #map1}, {transform_indices = #map}, {transform_indices = #map1}]} {
    %mul3A = arith.constant 16 : i32
    %mul3A_0 = arith.muli %arg0, %mul3A : i32
    %add3A = arith.addi %mul3A_0, %arg1 : i32
    %mul3A_1 = arith.constant 640 : i32
    %mul3A_2 = arith.muli %arg1, %mul3A_1 : i32
    %mul3A_3 = arith.constant 640 : i32
    %mul3A_4 = arith.muli %arg1, %mul3A_3 : i32
    "tpu.region"() ({
      %run_scoped3A = tpu.sem_alloc : memref<!tpu.dma_semaphore, #tpu.memory_space<semaphore_mem>>
      %dma_start3A_34 = arith.constant 0 : i32
      %dma_start3A_35 = tpu.memref_slice %arg11[%mul3A_4, %dma_start3A_34] : memref<10240x128xf32, #tpu.memory_space<vmem_shared>> -> memref<640x128xf32, #tpu.memory_space<vmem_shared>>
      %dma_start3A_36 = arith.constant 0 : i32
      %dma_start3A_37 = tpu.memref_slice %arg5[%mul3A_2, %dma_start3A_36] : memref<10240x128xf32, #tpu.memory_space<hbm>> -> memref<640x128xf32, #tpu.memory_space<hbm>>
      tpu.enqueue_dma source(%dma_start3A_37 : memref<640x128xf32, #tpu.memory_space<hbm>>) target(%dma_start3A_35 : memref<640x128xf32, #tpu.memory_space<vmem_shared>>) target_semaphore(%run_scoped3A : memref<!tpu.dma_semaphore, #tpu.memory_space<semaphore_mem>>)
      %dma_wait3A = arith.constant 0 : i32
      %dma_wait3A_38 = tpu.memref_slice %arg11[%mul3A_4, %dma_wait3A] : memref<10240x128xf32, #tpu.memory_space<vmem_shared>> -> memref<640x128xf32, #tpu.memory_space<vmem_shared>>
      %dma_wait3A_39 = arith.constant 0 : i32
      %dma_wait3A_40 = tpu.memref_slice %arg5[%mul3A_2, %dma_wait3A_39] : memref<10240x128xf32, #tpu.memory_space<hbm>> -> memref<640x128xf32, #tpu.memory_space<hbm>>
      tpu.wait_dma2 semaphore(%run_scoped3A : memref<!tpu.dma_semaphore, #tpu.memory_space<semaphore_mem>>) src(%dma_wait3A_40 : memref<640x128xf32, #tpu.memory_space<hbm>>) dst(%dma_wait3A_38 : memref<640x128xf32, #tpu.memory_space<vmem_shared>>)
      tpu.yield
    }) : () -> ()
    %barrier3A = arith.constant 0 : index
    tpu.barrier barrier_id(%barrier3A)
    "tpu.region"() ({
      %run_scoped3A = tpu.sem_alloc : memref<!tpu.dma_semaphore, #tpu.memory_space<semaphore_mem>>
      %dma_start3A_34 = arith.constant 0 : i32
      %dma_start3A_35 = arith.constant 0 : i32
      %dma_start3A_36 = tpu.memref_slice %arg3[%add3A, %dma_start3A_34, %dma_start3A_35] : memref<32x80x128xi32, #tpu.memory_space<hbm>> -> memref<1x40x128xi32, #tpu.memory_space<hbm>>
      %dma_start3A_37 = tpu.memref_squeeze %dma_start3A_36 : memref<1x40x128xi32, #tpu.memory_space<hbm>> -> memref<40x128xi32, #tpu.memory_space<hbm>>
      %dma_start3A_38 = arith.constant 0 : i32
      %dma_start3A_39 = arith.constant 0 : i32
      %dma_start3A_40 = tpu.memref_slice %arg3[%add3A, %dma_start3A_38, %dma_start3A_39] : memref<32x80x128xi32, #tpu.memory_space<hbm>> -> memref<1x40x128xi32, #tpu.memory_space<hbm>>
      %dma_start3A_41 = tpu.memref_squeeze %dma_start3A_40 : memref<1x40x128xi32, #tpu.memory_space<hbm>> -> memref<40x128xi32, #tpu.memory_space<hbm>>
      tpu.enqueue_dma source(%dma_start3A_41 : memref<40x128xi32, #tpu.memory_space<hbm>>) target(%arg9 : memref<40x128xi32, #tpu.memory_space<vmem>>) target_semaphore(%run_scoped3A : memref<!tpu.dma_semaphore, #tpu.memory_space<semaphore_mem>>)
      %dma_wait3A = arith.constant 0 : i32
      %dma_wait3A_42 = arith.constant 0 : i32
      %dma_wait3A_43 = tpu.memref_slice %arg3[%add3A, %dma_wait3A, %dma_wait3A_42] : memref<32x80x128xi32, #tpu.memory_space<hbm>> -> memref<1x40x128xi32, #tpu.memory_space<hbm>>
      %dma_wait3A_44 = tpu.memref_squeeze %dma_wait3A_43 : memref<1x40x128xi32, #tpu.memory_space<hbm>> -> memref<40x128xi32, #tpu.memory_space<hbm>>
      %dma_wait3A_45 = arith.constant 0 : i32
      %dma_wait3A_46 = arith.constant 0 : i32
      %dma_wait3A_47 = tpu.memref_slice %arg3[%add3A, %dma_wait3A_45, %dma_wait3A_46] : memref<32x80x128xi32, #tpu.memory_space<hbm>> -> memref<1x40x128xi32, #tpu.memory_space<hbm>>
      %dma_wait3A_48 = tpu.memref_squeeze %dma_wait3A_47 : memref<1x40x128xi32, #tpu.memory_space<hbm>> -> memref<40x128xi32, #tpu.memory_space<hbm>>
      tpu.wait_dma2 semaphore(%run_scoped3A : memref<!tpu.dma_semaphore, #tpu.memory_space<semaphore_mem>>) src(%dma_wait3A_48 : memref<40x128xi32, #tpu.memory_space<hbm>>) dst(%arg9 : memref<40x128xi32, #tpu.memory_space<vmem>>)
      tpu.yield
    }) : () -> ()
    "tpu.region"() ({
      %run_scoped3A = tpu.sem_alloc : memref<!tpu.dma_semaphore, #tpu.memory_space<semaphore_mem>>
      %dma_start3A_34 = arith.constant 0 : i32
      %dma_start3A_35 = arith.constant 0 : i32
      %dma_start3A_36 = tpu.memref_slice %arg4[%add3A, %dma_start3A_34, %dma_start3A_35] : memref<32x80x128xi32, #tpu.memory_space<hbm>> -> memref<1x40x128xi32, #tpu.memory_space<hbm>>
      %dma_start3A_37 = tpu.memref_squeeze %dma_start3A_36 : memref<1x40x128xi32, #tpu.memory_space<hbm>> -> memref<40x128xi32, #tpu.memory_space<hbm>>
      %dma_start3A_38 = arith.constant 0 : i32
      %dma_start3A_39 = arith.constant 0 : i32
      %dma_start3A_40 = tpu.memref_slice %arg4[%add3A, %dma_start3A_38, %dma_start3A_39] : memref<32x80x128xi32, #tpu.memory_space<hbm>> -> memref<1x40x128xi32, #tpu.memory_space<hbm>>
      %dma_start3A_41 = tpu.memref_squeeze %dma_start3A_40 : memref<1x40x128xi32, #tpu.memory_space<hbm>> -> memref<40x128xi32, #tpu.memory_space<hbm>>
      tpu.enqueue_dma source(%dma_start3A_41 : memref<40x128xi32, #tpu.memory_space<hbm>>) target(%arg10 : memref<40x128xi32, #tpu.memory_space<vmem>>) target_semaphore(%run_scoped3A : memref<!tpu.dma_semaphore, #tpu.memory_space<semaphore_mem>>)
      %dma_wait3A = arith.constant 0 : i32
      %dma_wait3A_42 = arith.constant 0 : i32
      %dma_wait3A_43 = tpu.memref_slice %arg4[%add3A, %dma_wait3A, %dma_wait3A_42] : memref<32x80x128xi32, #tpu.memory_space<hbm>> -> memref<1x40x128xi32, #tpu.memory_space<hbm>>
      %dma_wait3A_44 = tpu.memref_squeeze %dma_wait3A_43 : memref<1x40x128xi32, #tpu.memory_space<hbm>> -> memref<40x128xi32, #tpu.memory_space<hbm>>
      %dma_wait3A_45 = arith.constant 0 : i32
      %dma_wait3A_46 = arith.constant 0 : i32
      %dma_wait3A_47 = tpu.memref_slice %arg4[%add3A, %dma_wait3A_45, %dma_wait3A_46] : memref<32x80x128xi32, #tpu.memory_space<hbm>> -> memref<1x40x128xi32, #tpu.memory_space<hbm>>
      %dma_wait3A_48 = tpu.memref_squeeze %dma_wait3A_47 : memref<1x40x128xi32, #tpu.memory_space<hbm>> -> memref<40x128xi32, #tpu.memory_space<hbm>>
      tpu.wait_dma2 semaphore(%run_scoped3A : memref<!tpu.dma_semaphore, #tpu.memory_space<semaphore_mem>>) src(%dma_wait3A_48 : memref<40x128xi32, #tpu.memory_space<hbm>>) dst(%arg10 : memref<40x128xi32, #tpu.memory_space<vmem>>)
      tpu.yield
    }) : () -> ()
    %dma_start3A = arith.constant 0 : i32
    %dma_start3A_5 = arith.constant 0 : i32
    %dma_start3A_6 = tpu.memref_slice %arg9[%dma_start3A, %dma_start3A_5] : memref<40x128xi32, #tpu.memory_space<vmem>> -> memref<1x128xi32, #tpu.memory_space<vmem>>
    %dma_start3A_7 = tpu.memref_squeeze %dma_start3A_6 : memref<1x128xi32, #tpu.memory_space<vmem>> -> memref<128xi32, #tpu.memory_space<vmem>>
    %dma_start3A_8 = arith.constant 0 : i32
    %dma_start3A_9 = arith.constant 0 : i32
    %dma_start3A_10 = tpu.memref_slice %arg2[%dma_start3A_8, %dma_start3A_9] : memref<10000x128xf32, #tpu.memory_space<hbm>> -> memref<10000x128xf32, #tpu.memory_space<hbm>>
    tpu.enqueue_indirect_dma source(%dma_start3A_10 : memref<10000x128xf32, #tpu.memory_space<hbm>>) target(%arg7 : memref<128x128xf32, #tpu.memory_space<vmem>>) offsets(%dma_start3A_7 : memref<128xi32, #tpu.memory_space<vmem>>) semaphore(%arg12 : memref<!tpu.dma_semaphore, #tpu.memory_space<semaphore_mem>>)
    %scan3A = arith.constant 0 : i32
    %scan3A_11 = arith.constant 0 : i32
    %scan3A_12 = arith.constant 20 : i32
    %scan3A_13 = arith.addi %scan3A_11, %scan3A_12 : i32
    %scan3A_14 = arith.constant 1 : i32
    scf.for %scan3A_34 = %scan3A_11 to %scan3A_13 step %scan3A_14  : i32 {
      %mul3A_35 = arith.constant 2 : i32
      %mul3A_36 = arith.muli %mul3A_35, %scan3A_34 : i32
      %dma_wait3A = arith.constant 0 : i32
      %dma_wait3A_37 = tpu.memref_slice %arg9[%mul3A_36, %dma_wait3A] : memref<40x128xi32, #tpu.memory_space<vmem>> -> memref<1x128xi32, #tpu.memory_space<vmem>>
      %dma_wait3A_38 = tpu.memref_squeeze %dma_wait3A_37 : memref<1x128xi32, #tpu.memory_space<vmem>> -> memref<128xi32, #tpu.memory_space<vmem>>
      %dma_wait3A_39 = arith.constant 0 : i32
      %dma_wait3A_40 = arith.constant 0 : i32
      %dma_wait3A_41 = tpu.memref_slice %arg2[%dma_wait3A_39, %dma_wait3A_40] : memref<10000x128xf32, #tpu.memory_space<hbm>> -> memref<10000x128xf32, #tpu.memory_space<hbm>>
      tpu.wait_indirect_dma semaphore(%arg12 : memref<!tpu.dma_semaphore, #tpu.memory_space<semaphore_mem>>) src(%dma_wait3A_41 : memref<10000x128xf32, #tpu.memory_space<hbm>>) dst(%arg7 : memref<128x128xf32, #tpu.memory_space<vmem>>)
      %add3A_42 = arith.constant 1 : i32
      %add3A_43 = arith.addi %mul3A_36, %add3A_42 : i32
      %dma_start3A_44 = arith.constant 0 : i32
      %dma_start3A_45 = tpu.memref_slice %arg9[%add3A_43, %dma_start3A_44] : memref<40x128xi32, #tpu.memory_space<vmem>> -> memref<1x128xi32, #tpu.memory_space<vmem>>
      %dma_start3A_46 = tpu.memref_squeeze %dma_start3A_45 : memref<1x128xi32, #tpu.memory_space<vmem>> -> memref<128xi32, #tpu.memory_space<vmem>>
      %dma_start3A_47 = arith.constant 0 : i32
      %dma_start3A_48 = arith.constant 0 : i32
      %dma_start3A_49 = tpu.memref_slice %arg2[%dma_start3A_47, %dma_start3A_48] : memref<10000x128xf32, #tpu.memory_space<hbm>> -> memref<10000x128xf32, #tpu.memory_space<hbm>>
      tpu.enqueue_indirect_dma source(%dma_start3A_49 : memref<10000x128xf32, #tpu.memory_space<hbm>>) target(%arg8 : memref<128x128xf32, #tpu.memory_space<vmem>>) offsets(%dma_start3A_46 : memref<128xi32, #tpu.memory_space<vmem>>) semaphore(%arg13 : memref<!tpu.dma_semaphore, #tpu.memory_space<semaphore_mem>>)
      "tpu.region"() ({
        %run_scoped3A = tpu.sem_alloc : memref<!tpu.dma_semaphore, #tpu.memory_space<semaphore_mem>>
        %dma_start3A_64 = arith.constant 0 : i32
        %dma_start3A_65 = tpu.memref_slice %arg10[%mul3A_36, %dma_start3A_64] : memref<40x128xi32, #tpu.memory_space<vmem>> -> memref<1x128xi32, #tpu.memory_space<vmem>>
        %dma_start3A_66 = tpu.memref_squeeze %dma_start3A_65 : memref<1x128xi32, #tpu.memory_space<vmem>> -> memref<128xi32, #tpu.memory_space<vmem>>
        %dma_start3A_67 = arith.constant 0 : i32
        %dma_start3A_68 = arith.constant 0 : i32
        %dma_start3A_69 = tpu.memref_slice %arg11[%dma_start3A_67, %dma_start3A_68] : memref<10240x128xf32, #tpu.memory_space<vmem_shared>> -> memref<10240x128xf32, #tpu.memory_space<vmem_shared>>
        tpu.enqueue_indirect_dma source(%arg7 : memref<128x128xf32, #tpu.memory_space<vmem>>) target(%dma_start3A_69 : memref<10240x128xf32, #tpu.memory_space<vmem_shared>>) offsets(%dma_start3A_66 : memref<128xi32, #tpu.memory_space<vmem>>) semaphore(%run_scoped3A : memref<!tpu.dma_semaphore, #tpu.memory_space<semaphore_mem>>) {add = true}
        %dma_wait3A_70 = arith.constant 0 : i32
        %dma_wait3A_71 = tpu.memref_slice %arg10[%mul3A_36, %dma_wait3A_70] : memref<40x128xi32, #tpu.memory_space<vmem>> -> memref<1x128xi32, #tpu.memory_space<vmem>>
        %dma_wait3A_72 = tpu.memref_squeeze %dma_wait3A_71 : memref<1x128xi32, #tpu.memory_space<vmem>> -> memref<128xi32, #tpu.memory_space<vmem>>
        %dma_wait3A_73 = arith.constant 0 : i32
        %dma_wait3A_74 = arith.constant 0 : i32
        %dma_wait3A_75 = tpu.memref_slice %arg11[%dma_wait3A_73, %dma_wait3A_74] : memref<10240x128xf32, #tpu.memory_space<vmem_shared>> -> memref<10240x128xf32, #tpu.memory_space<vmem_shared>>
        tpu.wait_indirect_dma semaphore(%run_scoped3A : memref<!tpu.dma_semaphore, #tpu.memory_space<semaphore_mem>>) src(%arg7 : memref<128x128xf32, #tpu.memory_space<vmem>>) dst(%dma_wait3A_75 : memref<10240x128xf32, #tpu.memory_space<vmem_shared>>)
        tpu.yield
      }) : () -> ()
      %add3A_50 = arith.constant 1 : i32
      %add3A_51 = arith.addi %mul3A_36, %add3A_50 : i32
      %dma_wait3A_52 = arith.constant 0 : i32
      %dma_wait3A_53 = tpu.memref_slice %arg9[%add3A_51, %dma_wait3A_52] : memref<40x128xi32, #tpu.memory_space<vmem>> -> memref<1x128xi32, #tpu.memory_space<vmem>>
      %dma_wait3A_54 = tpu.memref_squeeze %dma_wait3A_53 : memref<1x128xi32, #tpu.memory_space<vmem>> -> memref<128xi32, #tpu.memory_space<vmem>>
      %dma_wait3A_55 = arith.constant 0 : i32
      %dma_wait3A_56 = arith.constant 0 : i32
      %dma_wait3A_57 = tpu.memref_slice %arg2[%dma_wait3A_55, %dma_wait3A_56] : memref<10000x128xf32, #tpu.memory_space<hbm>> -> memref<10000x128xf32, #tpu.memory_space<hbm>>
      tpu.wait_indirect_dma semaphore(%arg13 : memref<!tpu.dma_semaphore, #tpu.memory_space<semaphore_mem>>) src(%dma_wait3A_57 : memref<10000x128xf32, #tpu.memory_space<hbm>>) dst(%arg8 : memref<128x128xf32, #tpu.memory_space<vmem>>)
      %add3A_58 = arith.constant 2 : i32
      %add3A_59 = arith.addi %mul3A_36, %add3A_58 : i32
      %lt3A = arith.constant 40 : i32
      %lt3A_60 = arith.cmpi slt, %add3A_59, %lt3A : i32
      %convert_element_type3A = arith.extui %lt3A_60 : i1 to i32
      %cond3A = arith.constant 0 : i32
      %cond3A_61 = arith.cmpi ne, %convert_element_type3A, %cond3A : i32
      scf.if %cond3A_61 {
        %add3A_64 = arith.constant 2 : i32
        %add3A_65 = arith.addi %mul3A_36, %add3A_64 : i32
        %dma_start3A_66 = arith.constant 0 : i32
        %dma_start3A_67 = tpu.memref_slice %arg9[%add3A_65, %dma_start3A_66] : memref<40x128xi32, #tpu.memory_space<vmem>> -> memref<1x128xi32, #tpu.memory_space<vmem>>
        %dma_start3A_68 = tpu.memref_squeeze %dma_start3A_67 : memref<1x128xi32, #tpu.memory_space<vmem>> -> memref<128xi32, #tpu.memory_space<vmem>>
        %dma_start3A_69 = arith.constant 0 : i32
        %dma_start3A_70 = arith.constant 0 : i32
        %dma_start3A_71 = tpu.memref_slice %arg2[%dma_start3A_69, %dma_start3A_70] : memref<10000x128xf32, #tpu.memory_space<hbm>> -> memref<10000x128xf32, #tpu.memory_space<hbm>>
        tpu.enqueue_indirect_dma source(%dma_start3A_71 : memref<10000x128xf32, #tpu.memory_space<hbm>>) target(%arg7 : memref<128x128xf32, #tpu.memory_space<vmem>>) offsets(%dma_start3A_68 : memref<128xi32, #tpu.memory_space<vmem>>) semaphore(%arg12 : memref<!tpu.dma_semaphore, #tpu.memory_space<semaphore_mem>>)
      } else {
      }
      %add3A_62 = arith.constant 1 : i32
      %add3A_63 = arith.addi %mul3A_36, %add3A_62 : i32
      "tpu.region"() ({
        %run_scoped3A = tpu.sem_alloc : memref<!tpu.dma_semaphore, #tpu.memory_space<semaphore_mem>>
        %dma_start3A_64 = arith.constant 0 : i32
        %dma_start3A_65 = tpu.memref_slice %arg10[%add3A_63, %dma_start3A_64] : memref<40x128xi32, #tpu.memory_space<vmem>> -> memref<1x128xi32, #tpu.memory_space<vmem>>
        %dma_start3A_66 = tpu.memref_squeeze %dma_start3A_65 : memref<1x128xi32, #tpu.memory_space<vmem>> -> memref<128xi32, #tpu.memory_space<vmem>>
        %dma_start3A_67 = arith.constant 0 : i32
        %dma_start3A_68 = arith.constant 0 : i32
        %dma_start3A_69 = tpu.memref_slice %arg11[%dma_start3A_67, %dma_start3A_68] : memref<10240x128xf32, #tpu.memory_space<vmem_shared>> -> memref<10240x128xf32, #tpu.memory_space<vmem_shared>>
        tpu.enqueue_indirect_dma source(%arg8 : memref<128x128xf32, #tpu.memory_space<vmem>>) target(%dma_start3A_69 : memref<10240x128xf32, #tpu.memory_space<vmem_shared>>) offsets(%dma_start3A_66 : memref<128xi32, #tpu.memory_space<vmem>>) semaphore(%run_scoped3A : memref<!tpu.dma_semaphore, #tpu.memory_space<semaphore_mem>>) {add = true}
        %dma_wait3A_70 = arith.constant 0 : i32
        %dma_wait3A_71 = tpu.memref_slice %arg10[%add3A_63, %dma_wait3A_70] : memref<40x128xi32, #tpu.memory_space<vmem>> -> memref<1x128xi32, #tpu.memory_space<vmem>>
        %dma_wait3A_72 = tpu.memref_squeeze %dma_wait3A_71 : memref<1x128xi32, #tpu.memory_space<vmem>> -> memref<128xi32, #tpu.memory_space<vmem>>
        %dma_wait3A_73 = arith.constant 0 : i32
        %dma_wait3A_74 = arith.constant 0 : i32
        %dma_wait3A_75 = tpu.memref_slice %arg11[%dma_wait3A_73, %dma_wait3A_74] : memref<10240x128xf32, #tpu.memory_space<vmem_shared>> -> memref<10240x128xf32, #tpu.memory_space<vmem_shared>>
        tpu.wait_indirect_dma semaphore(%run_scoped3A : memref<!tpu.dma_semaphore, #tpu.memory_space<semaphore_mem>>) src(%arg8 : memref<128x128xf32, #tpu.memory_space<vmem>>) dst(%dma_wait3A_75 : memref<10240x128xf32, #tpu.memory_space<vmem_shared>>)
        tpu.yield
      }) : () -> ()
    }
    %scan3A_15 = arith.constant 20 : i32
    "tpu.region"() ({
      %run_scoped3A = tpu.sem_alloc : memref<!tpu.dma_semaphore, #tpu.memory_space<semaphore_mem>>
      %dma_start3A_34 = arith.constant 40 : i32
      %dma_start3A_35 = arith.constant 0 : i32
      %dma_start3A_36 = tpu.memref_slice %arg3[%add3A, %dma_start3A_34, %dma_start3A_35] : memref<32x80x128xi32, #tpu.memory_space<hbm>> -> memref<1x40x128xi32, #tpu.memory_space<hbm>>
      %dma_start3A_37 = tpu.memref_squeeze %dma_start3A_36 : memref<1x40x128xi32, #tpu.memory_space<hbm>> -> memref<40x128xi32, #tpu.memory_space<hbm>>
      %dma_start3A_38 = arith.constant 40 : i32
      %dma_start3A_39 = arith.constant 0 : i32
      %dma_start3A_40 = tpu.memref_slice %arg3[%add3A, %dma_start3A_38, %dma_start3A_39] : memref<32x80x128xi32, #tpu.memory_space<hbm>> -> memref<1x40x128xi32, #tpu.memory_space<hbm>>
      %dma_start3A_41 = tpu.memref_squeeze %dma_start3A_40 : memref<1x40x128xi32, #tpu.memory_space<hbm>> -> memref<40x128xi32, #tpu.memory_space<hbm>>
      tpu.enqueue_dma source(%dma_start3A_41 : memref<40x128xi32, #tpu.memory_space<hbm>>) target(%arg9 : memref<40x128xi32, #tpu.memory_space<vmem>>) target_semaphore(%run_scoped3A : memref<!tpu.dma_semaphore, #tpu.memory_space<semaphore_mem>>)
      %dma_wait3A = arith.constant 40 : i32
      %dma_wait3A_42 = arith.constant 0 : i32
      %dma_wait3A_43 = tpu.memref_slice %arg3[%add3A, %dma_wait3A, %dma_wait3A_42] : memref<32x80x128xi32, #tpu.memory_space<hbm>> -> memref<1x40x128xi32, #tpu.memory_space<hbm>>
      %dma_wait3A_44 = tpu.memref_squeeze %dma_wait3A_43 : memref<1x40x128xi32, #tpu.memory_space<hbm>> -> memref<40x128xi32, #tpu.memory_space<hbm>>
      %dma_wait3A_45 = arith.constant 40 : i32
      %dma_wait3A_46 = arith.constant 0 : i32
      %dma_wait3A_47 = tpu.memref_slice %arg3[%add3A, %dma_wait3A_45, %dma_wait3A_46] : memref<32x80x128xi32, #tpu.memory_space<hbm>> -> memref<1x40x128xi32, #tpu.memory_space<hbm>>
      %dma_wait3A_48 = tpu.memref_squeeze %dma_wait3A_47 : memref<1x40x128xi32, #tpu.memory_space<hbm>> -> memref<40x128xi32, #tpu.memory_space<hbm>>
      tpu.wait_dma2 semaphore(%run_scoped3A : memref<!tpu.dma_semaphore, #tpu.memory_space<semaphore_mem>>) src(%dma_wait3A_48 : memref<40x128xi32, #tpu.memory_space<hbm>>) dst(%arg9 : memref<40x128xi32, #tpu.memory_space<vmem>>)
      tpu.yield
    }) : () -> ()
    "tpu.region"() ({
      %run_scoped3A = tpu.sem_alloc : memref<!tpu.dma_semaphore, #tpu.memory_space<semaphore_mem>>
      %dma_start3A_34 = arith.constant 40 : i32
      %dma_start3A_35 = arith.constant 0 : i32
      %dma_start3A_36 = tpu.memref_slice %arg4[%add3A, %dma_start3A_34, %dma_start3A_35] : memref<32x80x128xi32, #tpu.memory_space<hbm>> -> memref<1x40x128xi32, #tpu.memory_space<hbm>>
      %dma_start3A_37 = tpu.memref_squeeze %dma_start3A_36 : memref<1x40x128xi32, #tpu.memory_space<hbm>> -> memref<40x128xi32, #tpu.memory_space<hbm>>
      %dma_start3A_38 = arith.constant 40 : i32
      %dma_start3A_39 = arith.constant 0 : i32
      %dma_start3A_40 = tpu.memref_slice %arg4[%add3A, %dma_start3A_38, %dma_start3A_39] : memref<32x80x128xi32, #tpu.memory_space<hbm>> -> memref<1x40x128xi32, #tpu.memory_space<hbm>>
      %dma_start3A_41 = tpu.memref_squeeze %dma_start3A_40 : memref<1x40x128xi32, #tpu.memory_space<hbm>> -> memref<40x128xi32, #tpu.memory_space<hbm>>
      tpu.enqueue_dma source(%dma_start3A_41 : memref<40x128xi32, #tpu.memory_space<hbm>>) target(%arg10 : memref<40x128xi32, #tpu.memory_space<vmem>>) target_semaphore(%run_scoped3A : memref<!tpu.dma_semaphore, #tpu.memory_space<semaphore_mem>>)
      %dma_wait3A = arith.constant 40 : i32
      %dma_wait3A_42 = arith.constant 0 : i32
      %dma_wait3A_43 = tpu.memref_slice %arg4[%add3A, %dma_wait3A, %dma_wait3A_42] : memref<32x80x128xi32, #tpu.memory_space<hbm>> -> memref<1x40x128xi32, #tpu.memory_space<hbm>>
      %dma_wait3A_44 = tpu.memref_squeeze %dma_wait3A_43 : memref<1x40x128xi32, #tpu.memory_space<hbm>> -> memref<40x128xi32, #tpu.memory_space<hbm>>
      %dma_wait3A_45 = arith.constant 40 : i32
      %dma_wait3A_46 = arith.constant 0 : i32
      %dma_wait3A_47 = tpu.memref_slice %arg4[%add3A, %dma_wait3A_45, %dma_wait3A_46] : memref<32x80x128xi32, #tpu.memory_space<hbm>> -> memref<1x40x128xi32, #tpu.memory_space<hbm>>
      %dma_wait3A_48 = tpu.memref_squeeze %dma_wait3A_47 : memref<1x40x128xi32, #tpu.memory_space<hbm>> -> memref<40x128xi32, #tpu.memory_space<hbm>>
      tpu.wait_dma2 semaphore(%run_scoped3A : memref<!tpu.dma_semaphore, #tpu.memory_space<semaphore_mem>>) src(%dma_wait3A_48 : memref<40x128xi32, #tpu.memory_space<hbm>>) dst(%arg10 : memref<40x128xi32, #tpu.memory_space<vmem>>)
      tpu.yield
    }) : () -> ()
    %dma_start3A_16 = arith.constant 0 : i32
    %dma_start3A_17 = arith.constant 0 : i32
    %dma_start3A_18 = tpu.memref_slice %arg9[%dma_start3A_16, %dma_start3A_17] : memref<40x128xi32, #tpu.memory_space<vmem>> -> memref<1x128xi32, #tpu.memory_space<vmem>>
    %dma_start3A_19 = tpu.memref_squeeze %dma_start3A_18 : memref<1x128xi32, #tpu.memory_space<vmem>> -> memref<128xi32, #tpu.memory_space<vmem>>
    %dma_start3A_20 = arith.constant 0 : i32
    %dma_start3A_21 = arith.constant 0 : i32
    %dma_start3A_22 = tpu.memref_slice %arg2[%dma_start3A_20, %dma_start3A_21] : memref<10000x128xf32, #tpu.memory_space<hbm>> -> memref<10000x128xf32, #tpu.memory_space<hbm>>
    tpu.enqueue_indirect_dma source(%dma_start3A_22 : memref<10000x128xf32, #tpu.memory_space<hbm>>) target(%arg7 : memref<128x128xf32, #tpu.memory_space<vmem>>) offsets(%dma_start3A_19 : memref<128xi32, #tpu.memory_space<vmem>>) semaphore(%arg12 : memref<!tpu.dma_semaphore, #tpu.memory_space<semaphore_mem>>)
    %scan3A_23 = arith.constant 0 : i32
    %scan3A_24 = arith.constant 0 : i32
    %scan3A_25 = arith.constant 20 : i32
    %scan3A_26 = arith.addi %scan3A_24, %scan3A_25 : i32
    %scan3A_27 = arith.constant 1 : i32
    scf.for %scan3A_34 = %scan3A_24 to %scan3A_26 step %scan3A_27  : i32 {
      %mul3A_35 = arith.constant 2 : i32
      %mul3A_36 = arith.muli %mul3A_35, %scan3A_34 : i32
      %dma_wait3A = arith.constant 0 : i32
      %dma_wait3A_37 = tpu.memref_slice %arg9[%mul3A_36, %dma_wait3A] : memref<40x128xi32, #tpu.memory_space<vmem>> -> memref<1x128xi32, #tpu.memory_space<vmem>>
      %dma_wait3A_38 = tpu.memref_squeeze %dma_wait3A_37 : memref<1x128xi32, #tpu.memory_space<vmem>> -> memref<128xi32, #tpu.memory_space<vmem>>
      %dma_wait3A_39 = arith.constant 0 : i32
      %dma_wait3A_40 = arith.constant 0 : i32
      %dma_wait3A_41 = tpu.memref_slice %arg2[%dma_wait3A_39, %dma_wait3A_40] : memref<10000x128xf32, #tpu.memory_space<hbm>> -> memref<10000x128xf32, #tpu.memory_space<hbm>>
      tpu.wait_indirect_dma semaphore(%arg12 : memref<!tpu.dma_semaphore, #tpu.memory_space<semaphore_mem>>) src(%dma_wait3A_41 : memref<10000x128xf32, #tpu.memory_space<hbm>>) dst(%arg7 : memref<128x128xf32, #tpu.memory_space<vmem>>)
      %add3A_42 = arith.constant 1 : i32
      %add3A_43 = arith.addi %mul3A_36, %add3A_42 : i32
      %dma_start3A_44 = arith.constant 0 : i32
      %dma_start3A_45 = tpu.memref_slice %arg9[%add3A_43, %dma_start3A_44] : memref<40x128xi32, #tpu.memory_space<vmem>> -> memref<1x128xi32, #tpu.memory_space<vmem>>
      %dma_start3A_46 = tpu.memref_squeeze %dma_start3A_45 : memref<1x128xi32, #tpu.memory_space<vmem>> -> memref<128xi32, #tpu.memory_space<vmem>>
      %dma_start3A_47 = arith.constant 0 : i32
      %dma_start3A_48 = arith.constant 0 : i32
      %dma_start3A_49 = tpu.memref_slice %arg2[%dma_start3A_47, %dma_start3A_48] : memref<10000x128xf32, #tpu.memory_space<hbm>> -> memref<10000x128xf32, #tpu.memory_space<hbm>>
      tpu.enqueue_indirect_dma source(%dma_start3A_49 : memref<10000x128xf32, #tpu.memory_space<hbm>>) target(%arg8 : memref<128x128xf32, #tpu.memory_space<vmem>>) offsets(%dma_start3A_46 : memref<128xi32, #tpu.memory_space<vmem>>) semaphore(%arg13 : memref<!tpu.dma_semaphore, #tpu.memory_space<semaphore_mem>>)
      "tpu.region"() ({
        %run_scoped3A = tpu.sem_alloc : memref<!tpu.dma_semaphore, #tpu.memory_space<semaphore_mem>>
        %dma_start3A_64 = arith.constant 0 : i32
        %dma_start3A_65 = tpu.memref_slice %arg10[%mul3A_36, %dma_start3A_64] : memref<40x128xi32, #tpu.memory_space<vmem>> -> memref<1x128xi32, #tpu.memory_space<vmem>>
        %dma_start3A_66 = tpu.memref_squeeze %dma_start3A_65 : memref<1x128xi32, #tpu.memory_space<vmem>> -> memref<128xi32, #tpu.memory_space<vmem>>
        %dma_start3A_67 = arith.constant 0 : i32
        %dma_start3A_68 = arith.constant 0 : i32
        %dma_start3A_69 = tpu.memref_slice %arg11[%dma_start3A_67, %dma_start3A_68] : memref<10240x128xf32, #tpu.memory_space<vmem_shared>> -> memref<10240x128xf32, #tpu.memory_space<vmem_shared>>
        tpu.enqueue_indirect_dma source(%arg7 : memref<128x128xf32, #tpu.memory_space<vmem>>) target(%dma_start3A_69 : memref<10240x128xf32, #tpu.memory_space<vmem_shared>>) offsets(%dma_start3A_66 : memref<128xi32, #tpu.memory_space<vmem>>) semaphore(%run_scoped3A : memref<!tpu.dma_semaphore, #tpu.memory_space<semaphore_mem>>) {add = true}
        %dma_wait3A_70 = arith.constant 0 : i32
        %dma_wait3A_71 = tpu.memref_slice %arg10[%mul3A_36, %dma_wait3A_70] : memref<40x128xi32, #tpu.memory_space<vmem>> -> memref<1x128xi32, #tpu.memory_space<vmem>>
        %dma_wait3A_72 = tpu.memref_squeeze %dma_wait3A_71 : memref<1x128xi32, #tpu.memory_space<vmem>> -> memref<128xi32, #tpu.memory_space<vmem>>
        %dma_wait3A_73 = arith.constant 0 : i32
        %dma_wait3A_74 = arith.constant 0 : i32
        %dma_wait3A_75 = tpu.memref_slice %arg11[%dma_wait3A_73, %dma_wait3A_74] : memref<10240x128xf32, #tpu.memory_space<vmem_shared>> -> memref<10240x128xf32, #tpu.memory_space<vmem_shared>>
        tpu.wait_indirect_dma semaphore(%run_scoped3A : memref<!tpu.dma_semaphore, #tpu.memory_space<semaphore_mem>>) src(%arg7 : memref<128x128xf32, #tpu.memory_space<vmem>>) dst(%dma_wait3A_75 : memref<10240x128xf32, #tpu.memory_space<vmem_shared>>)
        tpu.yield
      }) : () -> ()
      %add3A_50 = arith.constant 1 : i32
      %add3A_51 = arith.addi %mul3A_36, %add3A_50 : i32
      %dma_wait3A_52 = arith.constant 0 : i32
      %dma_wait3A_53 = tpu.memref_slice %arg9[%add3A_51, %dma_wait3A_52] : memref<40x128xi32, #tpu.memory_space<vmem>> -> memref<1x128xi32, #tpu.memory_space<vmem>>
      %dma_wait3A_54 = tpu.memref_squeeze %dma_wait3A_53 : memref<1x128xi32, #tpu.memory_space<vmem>> -> memref<128xi32, #tpu.memory_space<vmem>>
      %dma_wait3A_55 = arith.constant 0 : i32
      %dma_wait3A_56 = arith.constant 0 : i32
      %dma_wait3A_57 = tpu.memref_slice %arg2[%dma_wait3A_55, %dma_wait3A_56] : memref<10000x128xf32, #tpu.memory_space<hbm>> -> memref<10000x128xf32, #tpu.memory_space<hbm>>
      tpu.wait_indirect_dma semaphore(%arg13 : memref<!tpu.dma_semaphore, #tpu.memory_space<semaphore_mem>>) src(%dma_wait3A_57 : memref<10000x128xf32, #tpu.memory_space<hbm>>) dst(%arg8 : memref<128x128xf32, #tpu.memory_space<vmem>>)
      %add3A_58 = arith.constant 2 : i32
      %add3A_59 = arith.addi %mul3A_36, %add3A_58 : i32
      %lt3A = arith.constant 40 : i32
      %lt3A_60 = arith.cmpi slt, %add3A_59, %lt3A : i32
      %convert_element_type3A = arith.extui %lt3A_60 : i1 to i32
      %cond3A = arith.constant 0 : i32
      %cond3A_61 = arith.cmpi ne, %convert_element_type3A, %cond3A : i32
      scf.if %cond3A_61 {
        %add3A_64 = arith.constant 2 : i32
        %add3A_65 = arith.addi %mul3A_36, %add3A_64 : i32
        %dma_start3A_66 = arith.constant 0 : i32
        %dma_start3A_67 = tpu.memref_slice %arg9[%add3A_65, %dma_start3A_66] : memref<40x128xi32, #tpu.memory_space<vmem>> -> memref<1x128xi32, #tpu.memory_space<vmem>>
        %dma_start3A_68 = tpu.memref_squeeze %dma_start3A_67 : memref<1x128xi32, #tpu.memory_space<vmem>> -> memref<128xi32, #tpu.memory_space<vmem>>
        %dma_start3A_69 = arith.constant 0 : i32
        %dma_start3A_70 = arith.constant 0 : i32
        %dma_start3A_71 = tpu.memref_slice %arg2[%dma_start3A_69, %dma_start3A_70] : memref<10000x128xf32, #tpu.memory_space<hbm>> -> memref<10000x128xf32, #tpu.memory_space<hbm>>
        tpu.enqueue_indirect_dma source(%dma_start3A_71 : memref<10000x128xf32, #tpu.memory_space<hbm>>) target(%arg7 : memref<128x128xf32, #tpu.memory_space<vmem>>) offsets(%dma_start3A_68 : memref<128xi32, #tpu.memory_space<vmem>>) semaphore(%arg12 : memref<!tpu.dma_semaphore, #tpu.memory_space<semaphore_mem>>)
      } else {
      }
      %add3A_62 = arith.constant 1 : i32
      %add3A_63 = arith.addi %mul3A_36, %add3A_62 : i32
      "tpu.region"() ({
        %run_scoped3A = tpu.sem_alloc : memref<!tpu.dma_semaphore, #tpu.memory_space<semaphore_mem>>
        %dma_start3A_64 = arith.constant 0 : i32
        %dma_start3A_65 = tpu.memref_slice %arg10[%add3A_63, %dma_start3A_64] : memref<40x128xi32, #tpu.memory_space<vmem>> -> memref<1x128xi32, #tpu.memory_space<vmem>>
        %dma_start3A_66 = tpu.memref_squeeze %dma_start3A_65 : memref<1x128xi32, #tpu.memory_space<vmem>> -> memref<128xi32, #tpu.memory_space<vmem>>
        %dma_start3A_67 = arith.constant 0 : i32
        %dma_start3A_68 = arith.constant 0 : i32
        %dma_start3A_69 = tpu.memref_slice %arg11[%dma_start3A_67, %dma_start3A_68] : memref<10240x128xf32, #tpu.memory_space<vmem_shared>> -> memref<10240x128xf32, #tpu.memory_space<vmem_shared>>
        tpu.enqueue_indirect_dma source(%arg8 : memref<128x128xf32, #tpu.memory_space<vmem>>) target(%dma_start3A_69 : memref<10240x128xf32, #tpu.memory_space<vmem_shared>>) offsets(%dma_start3A_66 : memref<128xi32, #tpu.memory_space<vmem>>) semaphore(%run_scoped3A : memref<!tpu.dma_semaphore, #tpu.memory_space<semaphore_mem>>) {add = true}
        %dma_wait3A_70 = arith.constant 0 : i32
        %dma_wait3A_71 = tpu.memref_slice %arg10[%add3A_63, %dma_wait3A_70] : memref<40x128xi32, #tpu.memory_space<vmem>> -> memref<1x128xi32, #tpu.memory_space<vmem>>
        %dma_wait3A_72 = tpu.memref_squeeze %dma_wait3A_71 : memref<1x128xi32, #tpu.memory_space<vmem>> -> memref<128xi32, #tpu.memory_space<vmem>>
        %dma_wait3A_73 = arith.constant 0 : i32
        %dma_wait3A_74 = arith.constant 0 : i32
        %dma_wait3A_75 = tpu.memref_slice %arg11[%dma_wait3A_73, %dma_wait3A_74] : memref<10240x128xf32, #tpu.memory_space<vmem_shared>> -> memref<10240x128xf32, #tpu.memory_space<vmem_shared>>
        tpu.wait_indirect_dma semaphore(%run_scoped3A : memref<!tpu.dma_semaphore, #tpu.memory_space<semaphore_mem>>) src(%arg8 : memref<128x128xf32, #tpu.memory_space<vmem>>) dst(%dma_wait3A_75 : memref<10240x128xf32, #tpu.memory_space<vmem_shared>>)
        tpu.yield
      }) : () -> ()
    }
    %scan3A_28 = arith.constant 20 : i32
    %barrier3A_29 = arith.constant 0 : index
    tpu.barrier barrier_id(%barrier3A_29)
    %mul3A_30 = arith.constant 640 : i32
    %mul3A_31 = arith.muli %arg1, %mul3A_30 : i32
    %mul3A_32 = arith.constant 640 : i32
    %mul3A_33 = arith.muli %arg1, %mul3A_32 : i32
    "tpu.region"() ({
      %run_scoped3A = tpu.sem_alloc : memref<!tpu.dma_semaphore, #tpu.memory_space<semaphore_mem>>
      %dma_start3A_34 = arith.constant 0 : i32
      %dma_start3A_35 = tpu.memref_slice %arg6[%arg0, %mul3A_33, %dma_start3A_34] : memref<2x10240x128xf32, #tpu.memory_space<hbm>> -> memref<1x640x128xf32, #tpu.memory_space<hbm>>
      %dma_start3A_36 = tpu.memref_squeeze %dma_start3A_35 : memref<1x640x128xf32, #tpu.memory_space<hbm>> -> memref<640x128xf32, #tpu.memory_space<hbm>>
      %dma_start3A_37 = arith.constant 0 : i32
      %dma_start3A_38 = tpu.memref_slice %arg11[%mul3A_31, %dma_start3A_37] : memref<10240x128xf32, #tpu.memory_space<vmem_shared>> -> memref<640x128xf32, #tpu.memory_space<vmem_shared>>
      tpu.enqueue_dma source(%dma_start3A_38 : memref<640x128xf32, #tpu.memory_space<vmem_shared>>) target(%dma_start3A_36 : memref<640x128xf32, #tpu.memory_space<hbm>>) target_semaphore(%run_scoped3A : memref<!tpu.dma_semaphore, #tpu.memory_space<semaphore_mem>>)
      %dma_wait3A = arith.constant 0 : i32
      %dma_wait3A_39 = tpu.memref_slice %arg6[%arg0, %mul3A_33, %dma_wait3A] : memref<2x10240x128xf32, #tpu.memory_space<hbm>> -> memref<1x640x128xf32, #tpu.memory_space<hbm>>
      %dma_wait3A_40 = tpu.memref_squeeze %dma_wait3A_39 : memref<1x640x128xf32, #tpu.memory_space<hbm>> -> memref<640x128xf32, #tpu.memory_space<hbm>>
      %dma_wait3A_41 = arith.constant 0 : i32
      %dma_wait3A_42 = tpu.memref_slice %arg11[%mul3A_31, %dma_wait3A_41] : memref<10240x128xf32, #tpu.memory_space<vmem_shared>> -> memref<640x128xf32, #tpu.memory_space<vmem_shared>>
      tpu.wait_dma2 semaphore(%run_scoped3A : memref<!tpu.dma_semaphore, #tpu.memory_space<semaphore_mem>>) src(%dma_wait3A_42 : memref<640x128xf32, #tpu.memory_space<vmem_shared>>) dst(%dma_wait3A_40 : memref<640x128xf32, #tpu.memory_space<hbm>>)
      tpu.yield
    }) : () -> ()
    return
  }
}

module attributes {stable_mosaic.version = 14 : i64} {
  func.func @_tc_layer(%arg0: memref<2x10240x128xf32, #tpu.memory_space<vmem>>, %arg1: memref<2x10240x16xf32, #tpu.memory_space<vmem>>, %arg2: memref<16x128xf32, #tpu.memory_space<vmem>>, %arg3: memref<128x128xf32, #tpu.memory_space<vmem>>, %arg4: memref<1x128xf32, #tpu.memory_space<vmem>>, %arg5: memref<1x128xf32, #tpu.memory_space<vmem>>, %arg6: memref<1x128xf32, #tpu.memory_space<vmem>>, %arg7: memref<10000x128xf32, #tpu.memory_space<vmem>>) attributes {dimension_semantics = [], scalar_prefetch = 0 : i64, scratch_operands = 0 : i64, tpu.core_type = #tpu.core_type<tc>} {
    %get3A = arith.constant 0 : index
    %get3A_0 = arith.constant 0 : index
    %get3A_1 = arith.constant 0 : index
    %get3A_2 = vector.load %arg0[%get3A, %get3A_0, %get3A_1] : memref<2x10240x128xf32, #tpu.memory_space<vmem>>, vector<1x10000x128xf32>
    %get3A_3 = vector.shape_cast %get3A_2 : vector<1x10000x128xf32> to vector<10000x128xf32>
    %get3A_4 = arith.constant 1 : index
    %get3A_5 = arith.constant 0 : index
    %get3A_6 = arith.constant 0 : index
    %get3A_7 = vector.load %arg0[%get3A_4, %get3A_5, %get3A_6] : memref<2x10240x128xf32, #tpu.memory_space<vmem>>, vector<1x10000x128xf32>
    %get3A_8 = vector.shape_cast %get3A_7 : vector<1x10000x128xf32> to vector<10000x128xf32>
    %add3A = arith.addf %get3A_3, %get3A_8 : vector<10000x128xf32>
    %get3A_9 = arith.constant 0 : index
    %get3A_10 = arith.constant 0 : index
    %get3A_11 = arith.constant 0 : index
    %get3A_12 = vector.load %arg1[%get3A_9, %get3A_10, %get3A_11] : memref<2x10240x16xf32, #tpu.memory_space<vmem>>, vector<1x10000x16xf32>
    %get3A_13 = vector.shape_cast %get3A_12 : vector<1x10000x16xf32> to vector<10000x16xf32>
    %get3A_14 = arith.constant 1 : index
    %get3A_15 = arith.constant 0 : index
    %get3A_16 = arith.constant 0 : index
    %get3A_17 = vector.load %arg1[%get3A_14, %get3A_15, %get3A_16] : memref<2x10240x16xf32, #tpu.memory_space<vmem>>, vector<1x10000x16xf32>
    %get3A_18 = vector.shape_cast %get3A_17 : vector<1x10000x16xf32> to vector<10000x16xf32>
    %add3A_19 = arith.addf %get3A_13, %get3A_18 : vector<10000x16xf32>
    %get3A_20 = arith.constant 0 : index
    %get3A_21 = arith.constant 0 : index
    %get3A_22 = vector.load %arg2[%get3A_20, %get3A_21] : memref<16x128xf32, #tpu.memory_space<vmem>>, vector<16x128xf32>
    %dot_general3A = arith.constant dense<0.000000e+00> : vector<10000x128xf32>
    %dot_general3A_23 = tpu.matmul %add3A_19, %get3A_22, %dot_general3A {dimension_numbers = #tpu.dot_dimension_numbers<[1], [0], [0], [1], [0, 0, 1, 1], [], []>, transpose_lhs_hint = false} : vector<10000x16xf32>, vector<16x128xf32>, vector<10000x128xf32> -> vector<10000x128xf32>
    %add3A_24 = arith.addf %add3A, %dot_general3A_23 : vector<10000x128xf32>
    %get3A_25 = arith.constant 0 : index
    %get3A_26 = arith.constant 0 : index
    %get3A_27 = vector.load %arg3[%get3A_25, %get3A_26] : memref<128x128xf32, #tpu.memory_space<vmem>>, vector<128x128xf32>
    %dot_general3A_28 = arith.constant dense<0.000000e+00> : vector<10000x128xf32>
    %dot_general3A_29 = tpu.matmul %add3A_24, %get3A_27, %dot_general3A_28 {dimension_numbers = #tpu.dot_dimension_numbers<[1], [0], [0], [1], [0, 0, 1, 1], [], []>, transpose_lhs_hint = false} : vector<10000x128xf32>, vector<128x128xf32>, vector<10000x128xf32> -> vector<10000x128xf32>
    %get3A_30 = arith.constant 0 : index
    %get3A_31 = arith.constant 0 : index
    %get3A_32 = vector.load %arg4[%get3A_30, %get3A_31] : memref<1x128xf32, #tpu.memory_space<vmem>>, vector<1x128xf32>
    %add3A_33 = vector.broadcast %get3A_32 : vector<1x128xf32> to vector<10000x128xf32>
    %add3A_34 = arith.addf %dot_general3A_29, %add3A_33 : vector<10000x128xf32>
    %reduce_sum3A = arith.constant dense<0.000000e+00> : vector<128xf32>
    %reduce_sum3A_35 = vector.multi_reduction <add>, %add3A_34, %reduce_sum3A [0] : vector<10000x128xf32> to vector<128xf32>
    %broadcast_in_dim3A = vector.shape_cast %reduce_sum3A_35 : vector<128xf32> to vector<1x128xf32>
    %div3A = arith.constant 1.000000e+04 : f32
    %div3A_36 = vector.broadcast %div3A : f32 to vector<1x128xf32>
    %div3A_37 = arith.divf %broadcast_in_dim3A, %div3A_36 : vector<1x128xf32>
    %sub3A = vector.broadcast %div3A_37 : vector<1x128xf32> to vector<10000x128xf32>
    %sub3A_38 = arith.subf %add3A_34, %sub3A : vector<10000x128xf32>
    %integer_pow3A = arith.mulf %sub3A_38, %sub3A_38 : vector<10000x128xf32>
    %reduce_sum3A_39 = arith.constant dense<0.000000e+00> : vector<128xf32>
    %reduce_sum3A_40 = vector.multi_reduction <add>, %integer_pow3A, %reduce_sum3A_39 [0] : vector<10000x128xf32> to vector<128xf32>
    %broadcast_in_dim3A_41 = vector.shape_cast %reduce_sum3A_40 : vector<128xf32> to vector<1x128xf32>
    %div3A_42 = arith.constant 1.000000e+04 : f32
    %div3A_43 = vector.broadcast %div3A_42 : f32 to vector<1x128xf32>
    %div3A_44 = arith.divf %broadcast_in_dim3A_41, %div3A_43 : vector<1x128xf32>
    %sub3A_45 = vector.broadcast %div3A_37 : vector<1x128xf32> to vector<10000x128xf32>
    %sub3A_46 = arith.subf %add3A_34, %sub3A_45 : vector<10000x128xf32>
    %add3A_47 = arith.constant 9.99999974E-6 : f32
    %add3A_48 = vector.broadcast %add3A_47 : f32 to vector<1x128xf32>
    %add3A_49 = arith.addf %div3A_44, %add3A_48 : vector<1x128xf32>
    %rsqrt3A = math.rsqrt %add3A_49 : vector<1x128xf32>
    %mul3A = vector.broadcast %rsqrt3A : vector<1x128xf32> to vector<10000x128xf32>
    %mul3A_50 = arith.mulf %sub3A_46, %mul3A : vector<10000x128xf32>
    %get3A_51 = arith.constant 0 : index
    %get3A_52 = arith.constant 0 : index
    %get3A_53 = vector.load %arg5[%get3A_51, %get3A_52] : memref<1x128xf32, #tpu.memory_space<vmem>>, vector<1x128xf32>
    %mul3A_54 = vector.broadcast %get3A_53 : vector<1x128xf32> to vector<10000x128xf32>
    %mul3A_55 = arith.mulf %mul3A_50, %mul3A_54 : vector<10000x128xf32>
    %get3A_56 = arith.constant 0 : index
    %get3A_57 = arith.constant 0 : index
    %get3A_58 = vector.load %arg6[%get3A_56, %get3A_57] : memref<1x128xf32, #tpu.memory_space<vmem>>, vector<1x128xf32>
    %add3A_59 = vector.broadcast %get3A_58 : vector<1x128xf32> to vector<10000x128xf32>
    %add3A_60 = arith.addf %mul3A_55, %add3A_59 : vector<10000x128xf32>
    %max3A = arith.constant 0.000000e+00 : f32
    %max3A_61 = vector.broadcast %max3A : f32 to vector<10000x128xf32>
    %max3A_62 = arith.maximumf %add3A_60, %max3A_61 : vector<10000x128xf32>
    %swap3A = arith.constant 0 : index
    %swap3A_63 = arith.constant 0 : index
    %swap3A_64 = vector.load %arg7[%swap3A, %swap3A_63] : memref<10000x128xf32, #tpu.memory_space<vmem>>, vector<10000x128xf32>
    tpu.vector_store %arg7[%swap3A, %swap3A_63], %max3A_62 {strides = array<i32>} : memref<10000x128xf32, #tpu.memory_space<vmem>>, vector<10000x128xf32>,
    return
  }
}

module attributes {stable_mosaic.version = 14 : i64} {
  func.func @_tc_layer(%arg0: memref<2x10240x128xf32, #tpu.memory_space<vmem>>, %arg1: memref<2x10240x16xf32, #tpu.memory_space<vmem>>, %arg2: memref<16x128xf32, #tpu.memory_space<vmem>>, %arg3: memref<128x128xf32, #tpu.memory_space<vmem>>, %arg4: memref<1x128xf32, #tpu.memory_space<vmem>>, %arg5: memref<1x128xf32, #tpu.memory_space<vmem>>, %arg6: memref<1x128xf32, #tpu.memory_space<vmem>>, %arg7: memref<10000x128xf32, #tpu.memory_space<vmem>>) attributes {dimension_semantics = [], scalar_prefetch = 0 : i64, scratch_operands = 0 : i64, tpu.core_type = #tpu.core_type<tc>} {
    %get3A = arith.constant 0 : index
    %get3A_0 = arith.constant 0 : index
    %get3A_1 = arith.constant 0 : index
    %get3A_2 = vector.load %arg0[%get3A, %get3A_0, %get3A_1] : memref<2x10240x128xf32, #tpu.memory_space<vmem>>, vector<1x10000x128xf32>
    %get3A_3 = vector.shape_cast %get3A_2 : vector<1x10000x128xf32> to vector<10000x128xf32>
    %get3A_4 = arith.constant 1 : index
    %get3A_5 = arith.constant 0 : index
    %get3A_6 = arith.constant 0 : index
    %get3A_7 = vector.load %arg0[%get3A_4, %get3A_5, %get3A_6] : memref<2x10240x128xf32, #tpu.memory_space<vmem>>, vector<1x10000x128xf32>
    %get3A_8 = vector.shape_cast %get3A_7 : vector<1x10000x128xf32> to vector<10000x128xf32>
    %add3A = arith.addf %get3A_3, %get3A_8 : vector<10000x128xf32>
    %get3A_9 = arith.constant 0 : index
    %get3A_10 = arith.constant 0 : index
    %get3A_11 = arith.constant 0 : index
    %get3A_12 = vector.load %arg1[%get3A_9, %get3A_10, %get3A_11] : memref<2x10240x16xf32, #tpu.memory_space<vmem>>, vector<1x10000x16xf32>
    %get3A_13 = vector.shape_cast %get3A_12 : vector<1x10000x16xf32> to vector<10000x16xf32>
    %get3A_14 = arith.constant 1 : index
    %get3A_15 = arith.constant 0 : index
    %get3A_16 = arith.constant 0 : index
    %get3A_17 = vector.load %arg1[%get3A_14, %get3A_15, %get3A_16] : memref<2x10240x16xf32, #tpu.memory_space<vmem>>, vector<1x10000x16xf32>
    %get3A_18 = vector.shape_cast %get3A_17 : vector<1x10000x16xf32> to vector<10000x16xf32>
    %add3A_19 = arith.addf %get3A_13, %get3A_18 : vector<10000x16xf32>
    %get3A_20 = arith.constant 0 : index
    %get3A_21 = arith.constant 0 : index
    %get3A_22 = vector.load %arg2[%get3A_20, %get3A_21] : memref<16x128xf32, #tpu.memory_space<vmem>>, vector<16x128xf32>
    %dot_general3A = arith.constant dense<0.000000e+00> : vector<10000x128xf32>
    %dot_general3A_23 = tpu.matmul %add3A_19, %get3A_22, %dot_general3A {dimension_numbers = #tpu.dot_dimension_numbers<[1], [0], [0], [1], [0, 0, 1, 1], [], []>, transpose_lhs_hint = false} : vector<10000x16xf32>, vector<16x128xf32>, vector<10000x128xf32> -> vector<10000x128xf32>
    %add3A_24 = arith.addf %add3A, %dot_general3A_23 : vector<10000x128xf32>
    %get3A_25 = arith.constant 0 : index
    %get3A_26 = arith.constant 0 : index
    %get3A_27 = vector.load %arg3[%get3A_25, %get3A_26] : memref<128x128xf32, #tpu.memory_space<vmem>>, vector<128x128xf32>
    %dot_general3A_28 = arith.constant dense<0.000000e+00> : vector<10000x128xf32>
    %dot_general3A_29 = tpu.matmul %add3A_24, %get3A_27, %dot_general3A_28 {dimension_numbers = #tpu.dot_dimension_numbers<[1], [0], [0], [1], [0, 0, 1, 1], [], []>, transpose_lhs_hint = false} : vector<10000x128xf32>, vector<128x128xf32>, vector<10000x128xf32> -> vector<10000x128xf32>
    %get3A_30 = arith.constant 0 : index
    %get3A_31 = arith.constant 0 : index
    %get3A_32 = vector.load %arg4[%get3A_30, %get3A_31] : memref<1x128xf32, #tpu.memory_space<vmem>>, vector<1x128xf32>
    %add3A_33 = vector.broadcast %get3A_32 : vector<1x128xf32> to vector<10000x128xf32>
    %add3A_34 = arith.addf %dot_general3A_29, %add3A_33 : vector<10000x128xf32>
    %reduce_sum3A = arith.constant dense<0.000000e+00> : vector<128xf32>
    %reduce_sum3A_35 = vector.multi_reduction <add>, %add3A_34, %reduce_sum3A [0] : vector<10000x128xf32> to vector<128xf32>
    %broadcast_in_dim3A = vector.shape_cast %reduce_sum3A_35 : vector<128xf32> to vector<1x128xf32>
    %div3A = arith.constant 1.000000e+04 : f32
    %div3A_36 = vector.broadcast %div3A : f32 to vector<1x128xf32>
    %div3A_37 = arith.divf %broadcast_in_dim3A, %div3A_36 : vector<1x128xf32>
    %sub3A = vector.broadcast %div3A_37 : vector<1x128xf32> to vector<10000x128xf32>
    %sub3A_38 = arith.subf %add3A_34, %sub3A : vector<10000x128xf32>
    %integer_pow3A = arith.mulf %sub3A_38, %sub3A_38 : vector<10000x128xf32>
    %reduce_sum3A_39 = arith.constant dense<0.000000e+00> : vector<128xf32>
    %reduce_sum3A_40 = vector.multi_reduction <add>, %integer_pow3A, %reduce_sum3A_39 [0] : vector<10000x128xf32> to vector<128xf32>
    %broadcast_in_dim3A_41 = vector.shape_cast %reduce_sum3A_40 : vector<128xf32> to vector<1x128xf32>
    %div3A_42 = arith.constant 1.000000e+04 : f32
    %div3A_43 = vector.broadcast %div3A_42 : f32 to vector<1x128xf32>
    %div3A_44 = arith.divf %broadcast_in_dim3A_41, %div3A_43 : vector<1x128xf32>
    %sub3A_45 = vector.broadcast %div3A_37 : vector<1x128xf32> to vector<10000x128xf32>
    %sub3A_46 = arith.subf %add3A_34, %sub3A_45 : vector<10000x128xf32>
    %add3A_47 = arith.constant 9.99999974E-6 : f32
    %add3A_48 = vector.broadcast %add3A_47 : f32 to vector<1x128xf32>
    %add3A_49 = arith.addf %div3A_44, %add3A_48 : vector<1x128xf32>
    %rsqrt3A = math.rsqrt %add3A_49 : vector<1x128xf32>
    %mul3A = vector.broadcast %rsqrt3A : vector<1x128xf32> to vector<10000x128xf32>
    %mul3A_50 = arith.mulf %sub3A_46, %mul3A : vector<10000x128xf32>
    %get3A_51 = arith.constant 0 : index
    %get3A_52 = arith.constant 0 : index
    %get3A_53 = vector.load %arg5[%get3A_51, %get3A_52] : memref<1x128xf32, #tpu.memory_space<vmem>>, vector<1x128xf32>
    %mul3A_54 = vector.broadcast %get3A_53 : vector<1x128xf32> to vector<10000x128xf32>
    %mul3A_55 = arith.mulf %mul3A_50, %mul3A_54 : vector<10000x128xf32>
    %get3A_56 = arith.constant 0 : index
    %get3A_57 = arith.constant 0 : index
    %get3A_58 = vector.load %arg6[%get3A_56, %get3A_57] : memref<1x128xf32, #tpu.memory_space<vmem>>, vector<1x128xf32>
    %add3A_59 = vector.broadcast %get3A_58 : vector<1x128xf32> to vector<10000x128xf32>
    %add3A_60 = arith.addf %mul3A_55, %add3A_59 : vector<10000x128xf32>
    %max3A = arith.constant 0.000000e+00 : f32
    %max3A_61 = vector.broadcast %max3A : f32 to vector<10000x128xf32>
    %max3A_62 = arith.maximumf %add3A_60, %max3A_61 : vector<10000x128xf32>
    %swap3A = arith.constant 0 : index
    %swap3A_63 = arith.constant 0 : index
    %swap3A_64 = vector.load %arg7[%swap3A, %swap3A_63] : memref<10000x128xf32, #tpu.memory_space<vmem>>, vector<10000x128xf32>
    tpu.vector_store %arg7[%swap3A, %swap3A_63], %max3A_62 {strides = array<i32>} : memref<10000x128xf32, #tpu.memory_space<vmem>>, vector<10000x128xf32>,
    return
  }
}

</mosaic_0001>

<sc_bundles>
// kernel: kernel.12.cloned.1.call-start
scs
__scs_entry_jumppad:
0x0: {  	(pc) =	sbr.rel $0x88, $3  }
0x1: {  	(tag) =	ssettag $0x0;
	lr =	simm.s32 $0x1  }
0x2: {  	[smem:$0x3F99] =	sst lr;
	_ =	strace $0xD0000000  }
0x3: {  	_ = 	snop  }
0x4: {  	_ = 	snop  }
0x5: {  	_ = 	snop  }
0x6: {  	_ = 	snop  }
0x7: {  	_ = 	snop  }
__scs_overlays_trampoline_lowered:
0x8: {  	[smem:$0x3FA8] =	sst s0  }
0x9: {  	[smem:$0x3FA9] =	sst s1  }
0xa: {  	[smem:$0x3FAA] =	sst s2  }
0xb: {  	[smem:$0x3FAB] =	sst s3  }
0xc: {  	[smem:$0x3FAC] =	sst s4  }
0xd: {  	[smem:$0x3FAD] =	sst s5  }
0xe: {  	[smem:$0x3FAE] =	sst s6  }
0xf: {  	[smem:$0x3FAF] =	sst s7  }
0x10: {  	[smem:$0x3FB0] =	sst s8  }
0x11: {  	[smem:$0x3FB1] =	sst s9;
	s0 =	simm.s32 @!p0 $0x0  }
0x12: {  	s1 =	sld [smem:$0x3F97];
	s0 =	simm.s32 @p0 $0x1  }
0x13: {  	[smem:$0x3FB2] =	sst s0;
	s0 =	simm.s32 @!p1 $0x0  }
0x14: {  	s2 =	sld [smem:$0x3F96];
	s0 =	simm.s32 @p1 $0x1  }
0x15: {  	[smem:$0x3FB3] =	sst s0;
	s0 =	simm.s32 @!p2 $0x0  }
0x16: {  	s3 =	sld [smem:$0x3FDB];
	s0 =	simm.s32 @p2 $0x1  }
0x17: {  	s4 =	simm.s32 $0x1BF5;
	[smem:$0x3FB5] =	sst s0  }
0x18: {  	s0 =	sld [smem:$0x3F98];
	_ =	swait.ge [sflag:s4], $0x0  }
0x19: {  	s7 =	sld [smem:$0x3F99]  }
0x1a: {  	s8 =	sadd.s32 $0xFFFFE003, lr  }
0x1b: {  	s9 =	sadd.s32 $0xFFFFFEF7, lr;
	s5 =	simm.s32 $0xFFFFFFFF;
	p2 =	slt.u32 s8, $0xFFFFF086  }
0x1c: {  	p1 =	slt.u32 s9, $0xF7A;
	s5 =	simm.s32 @!p2 $0x0  }
0x1d: {  	s5 =	simm.s32 @p1 $0x1;
	p0 =	seq.s32 s7, s2  }
0x1e: {  	s7 =	smul.u32 @!p0 $0xF7A, s2;
	p2 =	seq.s32 @!p0 s5, $0x0  }
0x1f: {  	s9 =	smul.u32 $0xF7A, s1;
	s8 =	simm.s32 @!p0 $0x1BF5;
	p2 =	por !p2, p0  }
0x20: {  	[sflag:s8] =	ssyncset.s32 @!p0 $0xFFFFF086;
	s6 =	sadd.s32 @!p0 s3, s7;
	s7 =	simm.s32 @!p0 $0x108  }
0x21: {  	s3 =	sadd.s32 s3, s9;
	s6 =	sadd.s32 @!p0 $0x88, s6;
	s7 =	simm.s32 @p2 $0x1082  }
0x22: {  	[simem:s7], [sflag:s8] =	dma.local @!p0 [hbm:s6], $0xF7A  }
0x23: {  	s9 =	sor.u32 $0xD0000000, s2;
	s6 =	simm.s32 $0x108;
	_ =	swait.ge @!p0 [sflag:s8], $0x0  }
0x24: {  	s3 =	sadd.s32 $0x88, s3;
	s6 =	simm.s32 @!p1 $0x1082;
	[sflag:s4] =	ssyncset.s32 $0xFFFFF086  }
0x25: {  	[simem:s6], [sflag:s4] =	dma.local [hbm:s3], $0xF7A  }
0x26: {  	[smem:$0x3F99] =	sst s1;
	(tag) =	ssettag s2;
	_ =	strace s9  }
0x27: {  	s1 =	sld [smem:$0x3FA9]  }
0x28: {  	s2 =	sld [smem:$0x3FAA]  }
0x29: {  	s4 =	sld [smem:$0x3FAC]  }
0x2a: {  	p0 =	seq.s32 s5, $0x0;
	s5 =	sld [smem:$0x3FAD]  }
0x2b: {  	s6 =	sld [smem:$0x3FAE]  }
0x2c: {  	s7 =	sld [smem:$0x3FAF]  }
0x2d: {  	s3 =	simm.s32 $0x108;
	s8 =	sld [smem:$0x3FB0]  }
0x2e: {  	s3 =	simm.s32 @!p0 $0x1082;
	s9 =	sld [smem:$0x3FB1]  }
0x2f: {  	lr =	sadd.s32 s0, s3;
	s0 =	sld [smem:$0x3FA8]  }
0x30: {  	s3 =	sld [smem:$0x3FAB]  }
0x31: {  	[smem:$0x3FB4] =	sst s10  }
0x32: {  	s10 =	sld [smem:$0x3FB2];
	_ =	sdelay $0x3  }
0x33: {  	p0 =	seq.s32 s10, $0x1;
	s10 =	sld [smem:$0x3FB4];
	_ =	sdelay $0x3  }
0x34: {  	[smem:$0x3FB4] =	sst s10  }
0x35: {  	s10 =	sld [smem:$0x3FB3];
	_ =	sdelay $0x3  }
0x36: {  	p1 =	seq.s32 s10, $0x1;
	s10 =	sld [smem:$0x3FB4];
	_ =	sdelay $0x3  }
0x37: {  	[smem:$0x3FB4] =	sst s10  }
0x38: {  	s10 =	sld [smem:$0x3FB5]  }
0x39: {  	_ = 	snop;
	(pc) =	sbr.ind lr, $3  }
0x3a: {  	_ = 	snop  }
0x3b: {  	_ = 	snop  }
0x3c: {  	p2 =	seq.s32 s10, $0x1;
	s10 =	sld [smem:$0x3FB4]  }
0x3d: {  	_ =	shalt  }
0x3e: {  	_ =	shalt  }
0x3f: {  	_ =	shalt  }
0x40: {  	_ =	shalt  }
0x41: {  	_ =	shalt  }
0x42: {  	_ =	shalt  }
0x43: {  	_ =	shalt  }
0x44: {  	_ =	shalt  }
0x45: {  	_ =	shalt  }
0x46: {  	_ =	shalt  }
0x47: {  	_ =	shalt  }
0x48: {  	_ =	shalt  }
0x49: {  	_ =	shalt  }
0x4a: {  	_ =	shalt  }
0x4b: {  	_ =	shalt  }
0x4c: {  	_ =	shalt  }
0x4d: {  	_ =	shalt  }
0x4e: {  	_ =	shalt  }
0x4f: {  	_ =	shalt  }
0x50: {  	_ =	shalt  }
0x51: {  	_ =	shalt  }
0x52: {  	_ =	shalt  }
0x53: {  	_ =	shalt  }
0x54: {  	_ =	shalt  }
0x55: {  	_ =	shalt  }
0x56: {  	_ =	shalt  }
0x57: {  	_ =	shalt  }
0x58: {  	_ =	shalt  }
0x59: {  	_ =	shalt  }
0x5a: {  	_ =	shalt  }
0x5b: {  	_ =	shalt  }
0x5c: {  	_ =	shalt  }
0x5d: {  	_ =	shalt  }
0x5e: {  	_ =	shalt  }
0x5f: {  	_ =	shalt  }
0x60: {  	_ =	shalt  }
0x61: {  	_ =	shalt  }
0x62: {  	_ =	shalt  }
0x63: {  	_ =	shalt  }
0x64: {  	_ =	shalt  }
0x65: {  	_ =	shalt  }
0x66: {  	_ =	shalt  }
0x67: {  	_ =	shalt  }
0x68: {  	_ =	shalt  }
0x69: {  	_ =	shalt  }
0x6a: {  	_ =	shalt  }
0x6b: {  	_ =	shalt  }
0x6c: {  	_ =	shalt  }
0x6d: {  	_ =	shalt  }
0x6e: {  	_ =	shalt  }
0x6f: {  	_ =	shalt  }
0x70: {  	_ =	shalt  }
0x71: {  	_ =	shalt  }
0x72: {  	_ =	shalt  }
0x73: {  	_ =	shalt  }
0x74: {  	_ =	shalt  }
0x75: {  	_ =	shalt  }
0x76: {  	_ =	shalt  }
0x77: {  	_ =	shalt  }
0x78: {  	_ =	shalt  }
0x79: {  	_ =	shalt  }
0x7a: {  	_ =	shalt  }
0x7b: {  	_ =	shalt  }
0x7c: {  	_ =	shalt  }
0x7d: {  	_ =	shalt  }
0x7e: {  	_ =	shalt  }
0x7f: {  	_ =	shalt  }
0x80: {  	_ =	shalt  }
0x81: {  	_ =	shalt  }
0x82: {  	_ =	shalt  }
0x83: {  	_ =	shalt  }
0x84: {  	_ =	shalt  }
0x85: {  	_ =	shalt  }
0x86: {  	_ =	shalt  }
0x87: {  	_ =	shalt  }
.Lfunc_end0:
.L_simem_size_0:
called_computation.1_lowered:
.L_overlay_start_0:
0x88: {  	s2 =	sld [smem:$0x3FD9]  }
0x89: {  	s3 =	sld [smem:$0x3FFE];
	_ =	sdelay $0x1  }
0x8a: {  	s1 =	srdreg.scid  }
0x8b: {  	s0 =	sand.u32 $0x1, s1  }
0x8c: {  	s17 =	sshll.u32 s0, $0xA;
	s2 =	sadd.s32 s3, s2  }
0x8d: {  	s2 =	sadd.s32 s2, s17  }
0x8e: {  	[smem:$0x3FC0] =	sst s2  }
0x8f: {  	_ = 	snop  }
0x90: {  	s18 =	sld [smem:$0x3FC9];
	(tm) =	ssettm $0x1  }
0x91: {  	s19 =	sld [smem:$0x3FFB];
	_ =	sdelay $0x3  }
0x92: {  	_ =	strace s19  }
0x93: {  	s2 =	sld [smem:$0x3FFC];
	_ =	sdelay $0x3  }
0x94: {  	_ =	strace s2  }
0x95: {  	s2 =	sld [smem:$0x3FFD];
	_ =	sdelay $0x3  }
0x96: {  	_ =	strace s2  }
0x97: {  	_ =	strace $0x8FFFFFFF  }
0x98: {  	s20 =	sld [smem:$0x3FDB];
	_ =	sdelay $0x1  }
0x99: {  	s4 =	simm.s32 $_scs_section_size  }
0x9a: {  	s5 =	simm.s32 $_size__tile_overlayer_lowered;
	s6 =	simm.s32 $_tile_overlayer_lowered  }
0x9b: {  	s7 =	simm.s32 $0x1BFF;
	s21 =	sshll.u32 s6, $0x1;
	s4 =	sadd.s32 s4, s20  }
0x9c: {  	s22 =	simm.s32 $0x0;
	s5 =	sshll.u32 s5, $0x1;
	s6 =	sadd.s32 s21, s4  }
0x9d: {  	[timem:s22], [sflag:s7] =	dma.local [hbm:s6], s5  }
0x9e: {  	_ =	swait.ge [sflag:s7], s5  }
0x9f: {  	s5 =	ssub.s32 $0x0, s5;
	[sflag:s7] =	ssyncset.done $0x0  }
0xa0: {  	[sflag:s7] =	ssyncadd.s32 s5;
	_ =	sdelay $0x1  }
0xa1: {  	s23 =	simm.s32 $0x1B8B  }
0xa2: {  	_ =	swait.ge [sflag:s23], $0x1  }
0xa3: {  	[sflag:s23] =	ssyncset.done $0x0  }
0xa4: {  	[sflag:s23] =	ssyncadd.s32 $0xFFFFFFFF  }
0xa5: {  	s5 =	sld [smem:$0x0]  }
0xa6: {  	s6 =	sand.u32 $0xFFFFFFFE, s1  }
0xa7: {  	p0 =	sne.s32 s1, s6  }
0xa8: {  	s6 =	sshll.u32 @p0 s6, $0xE  }
0xa9: {  	s6 =	sadd.s32 @p0 $0x11B8D, s6;
	s7 =	sshll.u32 @p0 s5, $0x11  }
0xaa: {  	s6 =	sor.u32 @p0 s7, s6  }
0xab: {  	[sflag:s6] =	ssyncadd.remote.s32 @p0 $0x1;
	_ =	sdelay $0x1  }
0xac: {  	s6 =	simm.s32 @p0 $0x1B8D  }
0xad: {  	_ =	swait.eq @p0 [sflag:s6], $0x1  }
0xae: {  	[sflag:s6] =	ssyncadd.s32 @p0 $0xFFFFFFFF  }
0xaf: {  	s7 =	sshll.u32 @!p0 s1, $0xE  }
0xb0: {  	s7 =	sor.u32 @!p0 $0x4000, s7;
	s6 =	simm.s32 @!p0 $0x1B8D  }
0xb1: {  	s5 =	sshll.u32 @!p0 s5, $0x11;
	s7 =	sadd.s32 @!p0 $0x11B8D, s7;
	_ =	swait.eq @!p0 [sflag:s6], $0x1  }
0xb2: {  	s5 =	sor.u32 @!p0 s5, s7;
	[sflag:s6] =	ssyncadd.s32 @!p0 $0xFFFFFFFF  }
0xb3: {  	s25 =	simm.s32 $0x1B8E;
	s24 =	sld [smem:$0x3FFE];
	[sflag:s5] =	ssyncadd.remote.s32 @!p0 $0x1  }
0xb4: {  	s26 =	simm.s32 $execute0_lowered;
	[smem:$0x3FD2] =	sst s25  }
0xb5: {  	s6 =	sshll.u32 s26, $0x1;
	_ =	strace $0x80000049;
	[dreg:$0x1] =	wrdreg $0xFFFFFFFF  }
0xb6: {  	s28 =	simm.s32 $_size_execute0_lowered;
	s4 =	sadd.s32 s4, s6;
	[dreg:$0x0] =	wrdreg $0x0  }
0xb7: {  	s6 =	sshll.u32 s28, $0x1;
	[dreg:$0x2] =	wrdreg s4  }
0xb8: {  	[dreg:$0x3] =	wrdreg s6  }
0xb9: {  	[dreg:$0x4] =	wrdreg $0xC0  }
0xba: {  	_ =	task [dreg:s22], $0x5FFFF  }
0xbb: {  	[dreg:$0x1] =	wrdreg $0xFFFFFFFF  }
0xbc: {  	[dreg:$0x0] =	wrdreg $0x60  }
0xbd: {  	[dreg:$0x2] =	wrdreg s18  }
0xbe: {  	[dreg:$0x3] =	wrdreg s24  }
0xbf: {  	[dreg:$0x4] =	wrdreg $0xA8000  }
0xc0: {  	[dreg:$0x5] =	wrdreg $0xA  }
0xc1: {  	_ =	task.clear_ibuf [dreg:s22], $0x6FFFF;
	_ =	strace $0x90000049  }
0xc2: {  	s29 =	simm.s32 $0xA;
	_ =	strace $0x8000004B  }
0xc3: {  	_ =	swait.ge [sflag:s29], $0x1  }
0xc4: {  	[sflag:s29] =	ssyncadd.s32 $0xFFFFFFFF  }
0xc5: {  	_ =	strace $0x9000004B  }
0xc6: {  	_ =	sfence  }
0xc7: {  	s30 =	sld [smem:$0x0];
	_ =	sdelay $0x2  }
0xc8: {  	s31 =	sshll.u32 s1, $0xD;
	s1 =	sshrl.u32 s1, $0x2  }
0xc9: {  	s4 =	sand.u32 $0x4000, s31;
	s1 =	sadd.s32 s1, s30  }
0xca: {  	s0 =	sor.u32 s4, s0;
	s1 =	sshll.u32 s1, $0x11  }
0xcb: {  	s0 =	sor.u32 s1, s0  }
0xcc: {  	s0 =	sadd.s32 $0x8F2B, s0  }
0xcd: {  	[sflag:s0] =	ssyncadd.remote.s32 $0x1  }
0xce: {  	_ =	sfence.sel $0xFFFF  }
0xcf: {  	[dreg:$0x0] =	wrdreg $0xFFFFFFFF;
	(pc) =	sbr.abs _section_cstart, $3  }
0xd0: {  	[dreg:$0x1] =	wrdreg $0xFFFFFFFF  }
0xd1: {  	_ =	task.clear_ibuf [dreg:s22], $0x2FFFF;
	_ =	strace $0x9FFFFFFF  }
0xd2: {  	(tm) =	ssettm $0x7FFFFFFF  }
0xd3: {  	_ =	shalt  }
tec
execute0_lowered:
.L_overlay_start_1:
0x0: {  	(tag) =	ssettag $0x1  }
0x1: {  	s1 =	rddreg [dreg:$0x0]  }
0x2: {  	s5 =	rddreg [dreg:$0x1]  }
0x3: {  	s3 =	rddreg [dreg:$0x2]  }
0x4: {  	s0 =	rddreg [dreg:$0x3];
	s4 =	simm.s32 $0x0;
	s2 =	stileid.u32  }
0x5: {  	s6 =	srdreg.scid;
	s16 =	simm.s32 $0x9400;
	s17 =	simm.s32 $0x80  }
0x6: {  	s18 =	simm.s32 $0x1;
	s19 =	simm.s32 $0x4000;
	s20 =	simm.s32 $0x2  }
0x7: {  	s21 =	simm.s32 $0x9380;
	s22 =	simm.s32 $0xA700;
	s23 =	simm.s32 $0xA780  }
0x8: {  	s24 =	simm.s32 $0x0;
	[smem:$0x7FF] =	sst s4;
	s7 =	smul.u32 $0x14000, s2  }
0x9: {  	s6 =	sand.u32 $0x1, s6;
	s9 =	sadd.s32 $0x12200, s5;
	s10 =	sadd.s32 $0x1C200, s5  }
0xa: {  	s12 =	smul.u32 $0x50000, s2;
	s30 =	sshll.u32 s2, $0x6;
	_ =	strace $0x8000004A  }
0xb: {  	s8 =	smul.u32 $0x140000, s6;
	s28 =	sshll.u32 s6, $0x4;
	s6 =	ssub.s32 $0x2, s6  }
0xc: {  	s11 =	sshrl.u32 s7, $0x3;
	s13 =	sshrl.u32 s6, $0x1;
	s29 =	sshrl.u32 s12, $0x2  }
0xd: {  	s11 =	sadd.s32 s11, s5;
	s7 =	sadd.s32 s7, s8;
	s8 =	sor.u32 s2, s28  }
0xe: {  	s13 =	ssub.s32 s6, s13;
	s15 =	sadd.s32 s29, s3;
	s6 =	sor.u32 $0x1C03, s30  }
0xf: {  	s7 =	sshrl.u32 s7, $0x3;
	s8 =	smul.u32 $0x2800, s8;
	s12 =	smax.u32 s13, $0x1  }
0x10: {  	s13 =	sshrl.u32 s15, $0x3;
	s15 =	simm.s32 $0x8000;
	s14 =	sadd.s32 s7, s5  }
0x11: {  	s5 =	sadd.s32 $0x26200, s11;
	s8 =	sshrl.u32 s8, $0x3;
	s11 =	sadd.s32 $0x4E200, s14  }
0x12: {  	s14 =	simm.s32 $0x3;
	s31 =	sadd.s32 $0x280, s8;
	s7 =	sadd.s32 s9, s8  }
0x13: {  	s8 =	sadd.s32 s10, s8;
	s9 =	sadd.s32 s9, s31;
	s10 =	sadd.s32 s10, s31  }
.LBB2_1:
0x14: {  	[spmem:s13], [sflag:s6] =	dma.local [hbm:s5], $0x2800  }
0x15: {  	_ =	swait.ge [sflag:s14], $0x2800  }
0x16: {  	[sflag:s14] =	ssyncset.done $0x0  }
0x17: {  	[sflag:s14] =	ssyncadd.s32 $0xFFFFD800  }
0x18: {  	[bflag:$0x0] =	sbarrier.arrive $0xFFFF  }
0x19: {  	[tilespmem:s15], [sflag:$0x3] =	stream.linear.gather [hbm4b:s7+s4], $0x1400, $0x38;
	[tilespmem:$0x1E800] =	vst v63  }
0x1a: {  	_ =	swait.ge [sflag:s14], $0x1400  }
0x1b: {  	[sflag:s14] =	ssyncset.done $0x0  }
0x1c: {  	[sflag:s14] =	ssyncadd.s32 $0xFFFFEC00  }
0x1d: {  	[tilespmem:s16], [sflag:$0x3] =	stream.linear.gather [hbm4b:s8+s4], $0x1400, $0x38;
	[tilespmem:$0x1E800] =	vst v63  }
0x1e: {  	_ =	swait.ge [sflag:s14], $0x1400  }
0x1f: {  	[sflag:s14] =	ssyncset.done $0x0  }
0x20: {  	[sflag:s14] =	ssyncadd.s32 $0xFFFFEC00  }
0x21: {  	[tilespmem:s4], [sflag:$0x1] =	stream.indirect.gather [hbm4b:s1+s17], $0x80, s15, s17, $0xb8;
	[tilespmem:$0x1E800] =	vst v63  }
0x22: {  	_ =	swait.ge [sflag:s18], $0x4000  }
0x23: {  	[sflag:s18] =	ssyncset.done $0x0  }
0x24: {  	s25 =	simm.s32 $0x8080;
	[sflag:s18] =	ssyncadd.s32 $0xFFFFC000  }
0x25: {  	[tilespmem:s19], [sflag:$0x2] =	stream.indirect.gather [hbm4b:s1+s17], $0x80, s25, s17, $0xb8;
	[tilespmem:$0x1E800] =	vst v63  }
0x26: {  	s29 =	simm.s32 $0x9400  }
0x27: {  	[spmem:s3] =	stream.indirect.scatter.add.f32 [tilespmem:s4], [sflag:$0x3], $0x80, s29, s17, $0xb8;
	[tilespmem:$0x1E800] =	vst v63  }
0x28: {  	_ =	swait.ge [sflag:s14], $0x4000  }
0x29: {  	[sflag:s14] =	ssyncset.done $0x0  }
0x2a: {  	[sflag:s14] =	ssyncadd.s32 $0xFFFFC000  }
0x2b: {  	_ =	swait.ge [sflag:s20], $0x4000  }
0x2c: {  	[sflag:s20] =	ssyncset.done $0x0  }
0x2d: {  	s30 =	simm.s32 $0x8100;
	[sflag:s20] =	ssyncadd.s32 $0xFFFFC000  }
0x2e: {  	[tilespmem:s4], [sflag:$0x1] =	stream.indirect.gather [hbm4b:s1+s17], $0x80, s30, s17, $0xb8;
	[tilespmem:$0x1E800] =	vst v63  }
0x2f: {  	s31 =	simm.s32 $0x9480  }
0x30: {  	[spmem:s3] =	stream.indirect.scatter.add.f32 [tilespmem:s19], [sflag:$0x3], $0x80, s31, s17, $0xb8;
	[tilespmem:$0x1E800] =	vst v63  }
0x31: {  	_ =	swait.ge [sflag:s14], $0x4000  }
0x32: {  	s25 =	simm.s32 $0x400;
	[sflag:s14] =	ssyncset.done $0x0  }
.LBB2_2:
0x33: {  	p0 =	sne.s32 s25, $0x4800  }
0x34: {  	[sflag:s14] =	ssyncadd.s32 $0xFFFFC000;
	s26 =	smov.u32 s25;
	s25 =	sadd.s32 $0x400, s25  }
0x35: {  	_ = 	snop  }
0x36: {  	_ =	swait.ge [sflag:s18], $0x4000  }
0x37: {  	s26 =	sshra.s32 s26, $0x2;
	[sflag:s18] =	ssyncset.done $0x0  }
0x38: {  	s28 =	sadd.s32 $0x8080, s26;
	[sflag:s18] =	ssyncadd.s32 $0xFFFFC000  }
0x39: {  	[tilespmem:s19], [sflag:$0x2] =	stream.indirect.gather [hbm4b:s1+s17], $0x80, s28, s17, $0xb8;
	[tilespmem:$0x1E800] =	vst v63  }
0x3a: {  	s28 =	sadd.s32 $0x9400, s26  }
0x3b: {  	[spmem:s3] =	stream.indirect.scatter.add.f32 [tilespmem:s4], [sflag:$0x3], $0x80, s28, s17, $0xb8;
	[tilespmem:$0x1E800] =	vst v63  }
0x3c: {  	_ =	swait.ge [sflag:s14], $0x4000  }
0x3d: {  	[sflag:s14] =	ssyncset.done $0x0  }
0x3e: {  	[sflag:s14] =	ssyncadd.s32 $0xFFFFC000  }
0x3f: {  	_ =	swait.ge [sflag:s20], $0x4000  }
0x40: {  	[sflag:s20] =	ssyncset.done $0x0  }
0x41: {  	s28 =	sadd.s32 $0x8100, s26;
	[sflag:s20] =	ssyncadd.s32 $0xFFFFC000  }
0x42: {  	[tilespmem:s4], [sflag:$0x1] =	stream.indirect.gather [hbm4b:s1+s17], $0x80, s28, s17, $0xb8;
	[tilespmem:$0x1E800] =	vst v63  }
.Ltmp0:
0x43: {  	_ = 	snop;
	(pc) =	sbr.rel @p0 .LBB2_2-.Ltmp0, $4  }
0x44: {  	s26 =	sadd.s32 $0x9480, s26  }
0x45: {  	[spmem:s3] =	stream.indirect.scatter.add.f32 [tilespmem:s19], [sflag:$0x3], $0x80, s26, s17, $0xb8;
	[tilespmem:$0x1E800] =	vst v63  }
0x46: {  	_ =	swait.ge [sflag:s14], $0x4000  }
0x47: {  	[sflag:s14] =	ssyncset.done $0x0  }
0x48: {  	[sflag:s14] =	ssyncadd.s32 $0xFFFFC000  }
0x49: {  	_ =	swait.ge [sflag:s18], $0x4000  }
0x4a: {  	[sflag:s18] =	ssyncset.done $0x0  }
0x4b: {  	[sflag:s18] =	ssyncadd.s32 $0xFFFFC000  }
0x4c: {  	[tilespmem:s19], [sflag:$0x2] =	stream.indirect.gather [hbm4b:s1+s17], $0x80, s21, s17, $0xb8;
	[tilespmem:$0x1E800] =	vst v63  }
0x4d: {  	s25 =	simm.s32 $0x0  }
0x4e: {  	[spmem:s3] =	stream.indirect.scatter.add.f32 [tilespmem:s25], [sflag:$0x3], $0x80, s22, s17, $0xb8;
	[tilespmem:$0x1E800] =	vst v63  }
0x4f: {  	_ =	swait.ge [sflag:s14], $0x4000  }
0x50: {  	[sflag:s14] =	ssyncset.done $0x0  }
0x51: {  	[sflag:s14] =	ssyncadd.s32 $0xFFFFC000  }
0x52: {  	_ =	swait.ge [sflag:s20], $0x4000  }
0x53: {  	[sflag:s20] =	ssyncset.done $0x0  }
0x54: {  	[sflag:s20] =	ssyncadd.s32 $0xFFFFC000  }
0x55: {  	[spmem:s3] =	stream.indirect.scatter.add.f32 [tilespmem:s19], [sflag:$0x3], $0x80, s23, s17, $0xb8;
	[tilespmem:$0x1E800] =	vst v63  }
0x56: {  	_ =	swait.ge [sflag:s14], $0x4000  }
0x57: {  	[sflag:s14] =	ssyncset.done $0x0  }
0x58: {  	[sflag:s14] =	ssyncadd.s32 $0xFFFFC000  }
0x59: {  	[tilespmem:s15], [sflag:$0x3] =	stream.linear.gather [hbm4b:s9+s25], $0x1400, $0x38;
	[tilespmem:$0x1E800] =	vst v63  }
0x5a: {  	_ =	swait.ge [sflag:s14], $0x1400  }
0x5b: {  	[sflag:s14] =	ssyncset.done $0x0  }
0x5c: {  	[sflag:s14] =	ssyncadd.s32 $0xFFFFEC00  }
0x5d: {  	[tilespmem:s16], [sflag:$0x3] =	stream.linear.gather [hbm4b:s10+s25], $0x1400, $0x38;
	[tilespmem:$0x1E800] =	vst v63  }
0x5e: {  	_ =	swait.ge [sflag:s14], $0x1400  }
0x5f: {  	[sflag:s14] =	ssyncset.done $0x0  }
0x60: {  	[sflag:s14] =	ssyncadd.s32 $0xFFFFEC00  }
0x61: {  	[tilespmem:s25], [sflag:$0x1] =	stream.indirect.gather [hbm4b:s1+s17], $0x80, s15, s17, $0xb8;
	[tilespmem:$0x1E800] =	vst v63  }
0x62: {  	_ =	swait.ge [sflag:s18], $0x4000  }
0x63: {  	[sflag:s18] =	ssyncset.done $0x0  }
0x64: {  	s28 =	simm.s32 $0x8080;
	[sflag:s18] =	ssyncadd.s32 $0xFFFFC000  }
0x65: {  	[tilespmem:s19], [sflag:$0x2] =	stream.indirect.gather [hbm4b:s1+s17], $0x80, s28, s17, $0xb8;
	[tilespmem:$0x1E800] =	vst v63  }
0x66: {  	s29 =	simm.s32 $0x9400  }
0x67: {  	[spmem:s3] =	stream.indirect.scatter.add.f32 [tilespmem:s4], [sflag:$0x3], $0x80, s29, s17, $0xb8;
	[tilespmem:$0x1E800] =	vst v63  }
0x68: {  	_ =	swait.ge [sflag:s14], $0x4000  }
0x69: {  	[sflag:s14] =	ssyncset.done $0x0  }
0x6a: {  	[sflag:s14] =	ssyncadd.s32 $0xFFFFC000  }
0x6b: {  	_ =	swait.ge [sflag:s20], $0x4000  }
0x6c: {  	[sflag:s20] =	ssyncset.done $0x0  }
0x6d: {  	s30 =	simm.s32 $0x8100;
	[sflag:s20] =	ssyncadd.s32 $0xFFFFC000  }
0x6e: {  	[tilespmem:s4], [sflag:$0x1] =	stream.indirect.gather [hbm4b:s1+s17], $0x80, s30, s17, $0xb8;
	[tilespmem:$0x1E800] =	vst v63  }
0x6f: {  	s31 =	simm.s32 $0x9480  }
0x70: {  	[spmem:s3] =	stream.indirect.scatter.add.f32 [tilespmem:s19], [sflag:$0x3], $0x80, s31, s17, $0xb8;
	[tilespmem:$0x1E800] =	vst v63  }
0x71: {  	_ =	swait.ge [sflag:s14], $0x4000  }
0x72: {  	s25 =	simm.s32 $0x400;
	[sflag:s14] =	ssyncset.done $0x0  }
.LBB2_4:
0x73: {  	p0 =	sne.s32 s25, $0x4800  }
0x74: {  	[sflag:s14] =	ssyncadd.s32 $0xFFFFC000;
	s26 =	smov.u32 s25;
	s25 =	sadd.s32 $0x400, s25  }
0x75: {  	_ = 	snop  }
0x76: {  	_ =	swait.ge [sflag:s18], $0x4000  }
0x77: {  	s26 =	sshra.s32 s26, $0x2;
	[sflag:s18] =	ssyncset.done $0x0  }
0x78: {  	s28 =	sadd.s32 $0x8080, s26;
	[sflag:s18] =	ssyncadd.s32 $0xFFFFC000  }
0x79: {  	[tilespmem:s19], [sflag:$0x2] =	stream.indirect.gather [hbm4b:s1+s17], $0x80, s28, s17, $0xb8;
	[tilespmem:$0x1E800] =	vst v63  }
0x7a: {  	s28 =	sadd.s32 $0x9400, s26  }
0x7b: {  	[spmem:s3] =	stream.indirect.scatter.add.f32 [tilespmem:s4], [sflag:$0x3], $0x80, s28, s17, $0xb8;
	[tilespmem:$0x1E800] =	vst v63  }
0x7c: {  	_ =	swait.ge [sflag:s14], $0x4000  }
0x7d: {  	[sflag:s14] =	ssyncset.done $0x0  }
0x7e: {  	[sflag:s14] =	ssyncadd.s32 $0xFFFFC000  }
0x7f: {  	_ =	swait.ge [sflag:s20], $0x4000  }
0x80: {  	[sflag:s20] =	ssyncset.done $0x0  }
0x81: {  	s28 =	sadd.s32 $0x8100, s26;
	[sflag:s20] =	ssyncadd.s32 $0xFFFFC000  }
0x82: {  	[tilespmem:s4], [sflag:$0x1] =	stream.indirect.gather [hbm4b:s1+s17], $0x80, s28, s17, $0xb8;
	[tilespmem:$0x1E800] =	vst v63  }
.Ltmp1:
0x83: {  	_ = 	snop;
	(pc) =	sbr.rel @p0 .LBB2_4-.Ltmp1, $4  }
0x84: {  	s26 =	sadd.s32 $0x9480, s26  }
0x85: {  	[spmem:s3] =	stream.indirect.scatter.add.f32 [tilespmem:s19], [sflag:$0x3], $0x80, s26, s17, $0xb8;
	[tilespmem:$0x1E800] =	vst v63  }
0x86: {  	_ =	swait.ge [sflag:s14], $0x4000  }
0x87: {  	[sflag:s14] =	ssyncset.done $0x0  }
0x88: {  	[sflag:s14] =	ssyncadd.s32 $0xFFFFC000  }
0x89: {  	_ =	swait.ge [sflag:s18], $0x4000  }
0x8a: {  	[sflag:s18] =	ssyncset.done $0x0  }
0x8b: {  	[sflag:s18] =	ssyncadd.s32 $0xFFFFC000  }
0x8c: {  	[tilespmem:s19], [sflag:$0x2] =	stream.indirect.gather [hbm4b:s1+s17], $0x80, s21, s17, $0xb8;
	[tilespmem:$0x1E800] =	vst v63  }
0x8d: {  	_ = 	snop  }
0x8e: {  	[spmem:s3] =	stream.indirect.scatter.add.f32 [tilespmem:s4], [sflag:$0x3], $0x80, s22, s17, $0xb8;
	[tilespmem:$0x1E800] =	vst v63  }
0x8f: {  	_ =	swait.ge [sflag:s14], $0x4000  }
0x90: {  	[sflag:s14] =	ssyncset.done $0x0  }
0x91: {  	[sflag:s14] =	ssyncadd.s32 $0xFFFFC000  }
0x92: {  	_ =	swait.ge [sflag:s20], $0x4000  }
0x93: {  	[sflag:s20] =	ssyncset.done $0x0  }
0x94: {  	[sflag:s20] =	ssyncadd.s32 $0xFFFFC000  }
0x95: {  	[spmem:s3] =	stream.indirect.scatter.add.f32 [tilespmem:s19], [sflag:$0x3], $0x80, s23, s17, $0xb8;
	[tilespmem:$0x1E800] =	vst v63  }
0x96: {  	_ =	swait.ge [sflag:s14], $0x4000  }
0x97: {  	s24 =	sadd.s32 $0x1, s24;
	[sflag:s14] =	ssyncset.done $0x0  }
0x98: {  	p0 =	sne.s32 s24, s12;
	[sflag:s14] =	ssyncadd.s32 $0xFFFFC000  }
.Ltmp2:
0x99: {  	[bflag:$0x0] =	sbarrier.arrive $0xFFFF;
	(pc) =	sbr.rel @p0 .LBB2_1-.Ltmp2, $4  }
0x9a: {  	[hbm:s11], [sflag:s6] =	dma.local [spmem:s13], $0x2800  }
0x9b: {  	_ =	swait.ge [sflag:s14], $0x2800  }
0x9c: {  	[sflag:s14] =	ssyncset.done $0x0  }
0x9d: {  	[sflag:s14] =	ssyncadd.s32 $0xFFFFD800  }
0x9e: {  	_ =	sfence.sel $0x180000  }
0x9f: {  	[bflag:$0x0] =	sbarrier.arrive $0xFFFF  }
0xa0: {  	p0 =	sne.s32 s2, $0x0;
	_ =	strace $0x9000004A  }
0xa1: {  	s0 =	sadd.s32 @!p0 $0x100000, s0;
	[bflag:$0x2] =	sbarrier.arrive $0xFFFF  }
0xa2: {  	[sflag:s0] =	ssyncadd.tile.s32 @!p0 $0x1;
	_ =	shalt  }
.Lfunc_end2:
_tile_overlayer_lowered:
.L_overlay_start_2:
0xa3: {  	(tag) =	ssettag $0x2  }
0xa4: {  	s0 =	rddreg [dreg:$0x0];
	s2 =	stileid.u32  }
0xa5: {  	s1 =	rddreg [dreg:$0x1];
	p0 =	sne.s32 s2, $0x0  }
0xa6: {  	s3 =	rddreg [dreg:$0x2];
	[bflag:$0x3] =	sbarrier.arrive $0xFFFF;
	s2 =	simm.s32 @!p0 $0x1C03  }
0xa7: {  	[timem:s3], [sflag:s2] =	dma.local @!p0 [hbm:s0], s1  }
0xa8: {  	s0 =	simm.s32 @!p0 $0x3  }
0xa9: {  	_ =	swait.ge @!p0 [sflag:s0], s1  }
0xaa: {  	s1 =	ssub.s32 @!p0 $0x0, s1;
	[sflag:s0] =	ssyncset.done @!p0 $0x0  }
0xab: {  	[sflag:s0] =	ssyncadd.s32 @!p0 s1  }
0xac: {  	[bflag:$0x3] =	sbarrier.arrive $0xFFFF  }
0xad: {  	_ =	shalt  }

// kernel: kernel.15.cloned.1.call-start
scs
__scs_entry_jumppad:
0x0: {  	(pc) =	sbr.rel $0x88, $3  }
0x1: {  	(tag) =	ssettag $0x0;
	lr =	simm.s32 $0x1  }
0x2: {  	[smem:$0x3F99] =	sst lr;
	_ =	strace $0xD0000000  }
0x3: {  	_ = 	snop  }
0x4: {  	_ = 	snop  }
0x5: {  	_ = 	snop  }
0x6: {  	_ = 	snop  }
0x7: {  	_ = 	snop  }
__scs_overlays_trampoline_lowered:
0x8: {  	[smem:$0x3FA8] =	sst s0  }
0x9: {  	[smem:$0x3FA9] =	sst s1  }
0xa: {  	[smem:$0x3FAA] =	sst s2  }
0xb: {  	[smem:$0x3FAB] =	sst s3  }
0xc: {  	[smem:$0x3FAC] =	sst s4  }
0xd: {  	[smem:$0x3FAD] =	sst s5  }
0xe: {  	[smem:$0x3FAE] =	sst s6  }
0xf: {  	[smem:$0x3FAF] =	sst s7  }
0x10: {  	[smem:$0x3FB0] =	sst s8  }
0x11: {  	[smem:$0x3FB1] =	sst s9;
	s0 =	simm.s32 @!p0 $0x0  }
0x12: {  	s1 =	sld [smem:$0x3F97];
	s0 =	simm.s32 @p0 $0x1  }
0x13: {  	[smem:$0x3FB2] =	sst s0;
	s0 =	simm.s32 @!p1 $0x0  }
0x14: {  	s2 =	sld [smem:$0x3F96];
	s0 =	simm.s32 @p1 $0x1  }
0x15: {  	[smem:$0x3FB3] =	sst s0;
	s0 =	simm.s32 @!p2 $0x0  }
0x16: {  	s3 =	sld [smem:$0x3FDB];
	s0 =	simm.s32 @p2 $0x1  }
0x17: {  	s4 =	simm.s32 $0x1BF5;
	[smem:$0x3FB5] =	sst s0  }
0x18: {  	s0 =	sld [smem:$0x3F98];
	_ =	swait.ge [sflag:s4], $0x0  }
0x19: {  	s7 =	sld [smem:$0x3F99]  }
0x1a: {  	s8 =	sadd.s32 $0xFFFFE003, lr  }
0x1b: {  	s9 =	sadd.s32 $0xFFFFFEF7, lr;
	s5 =	simm.s32 $0xFFFFFFFF;
	p2 =	slt.u32 s8, $0xFFFFF086  }
0x1c: {  	p1 =	slt.u32 s9, $0xF7A;
	s5 =	simm.s32 @!p2 $0x0  }
0x1d: {  	s5 =	simm.s32 @p1 $0x1;
	p0 =	seq.s32 s7, s2  }
0x1e: {  	s7 =	smul.u32 @!p0 $0xF7A, s2;
	p2 =	seq.s32 @!p0 s5, $0x0  }
0x1f: {  	s9 =	smul.u32 $0xF7A, s1;
	s8 =	simm.s32 @!p0 $0x1BF5;
	p2 =	por !p2, p0  }
0x20: {  	[sflag:s8] =	ssyncset.s32 @!p0 $0xFFFFF086;
	s6 =	sadd.s32 @!p0 s3, s7;
	s7 =	simm.s32 @!p0 $0x108  }
0x21: {  	s3 =	sadd.s32 s3, s9;
	s6 =	sadd.s32 @!p0 $0x88, s6;
	s7 =	simm.s32 @p2 $0x1082  }
0x22: {  	[simem:s7], [sflag:s8] =	dma.local @!p0 [hbm:s6], $0xF7A  }
0x23: {  	s9 =	sor.u32 $0xD0000000, s2;
	s6 =	simm.s32 $0x108;
	_ =	swait.ge @!p0 [sflag:s8], $0x0  }
0x24: {  	s3 =	sadd.s32 $0x88, s3;
	s6 =	simm.s32 @!p1 $0x1082;
	[sflag:s4] =	ssyncset.s32 $0xFFFFF086  }
0x25: {  	[simem:s6], [sflag:s4] =	dma.local [hbm:s3], $0xF7A  }
0x26: {  	[smem:$0x3F99] =	sst s1;
	(tag) =	ssettag s2;
	_ =	strace s9  }
0x27: {  	s1 =	sld [smem:$0x3FA9]  }
0x28: {  	s2 =	sld [smem:$0x3FAA]  }
0x29: {  	s4 =	sld [smem:$0x3FAC]  }
0x2a: {  	p0 =	seq.s32 s5, $0x0;
	s5 =	sld [smem:$0x3FAD]  }
0x2b: {  	s6 =	sld [smem:$0x3FAE]  }
0x2c: {  	s7 =	sld [smem:$0x3FAF]  }
0x2d: {  	s3 =	simm.s32 $0x108;
	s8 =	sld [smem:$0x3FB0]  }
0x2e: {  	s3 =	simm.s32 @!p0 $0x1082;
	s9 =	sld [smem:$0x3FB1]  }
0x2f: {  	lr =	sadd.s32 s0, s3;
	s0 =	sld [smem:$0x3FA8]  }
0x30: {  	s3 =	sld [smem:$0x3FAB]  }
0x31: {  	[smem:$0x3FB4] =	sst s10  }
0x32: {  	s10 =	sld [smem:$0x3FB2];
	_ =	sdelay $0x3  }
0x33: {  	p0 =	seq.s32 s10, $0x1;
	s10 =	sld [smem:$0x3FB4];
	_ =	sdelay $0x3  }
0x34: {  	[smem:$0x3FB4] =	sst s10  }
0x35: {  	s10 =	sld [smem:$0x3FB3];
	_ =	sdelay $0x3  }
0x36: {  	p1 =	seq.s32 s10, $0x1;
	s10 =	sld [smem:$0x3FB4];
	_ =	sdelay $0x3  }
0x37: {  	[smem:$0x3FB4] =	sst s10  }
0x38: {  	s10 =	sld [smem:$0x3FB5]  }
0x39: {  	_ = 	snop;
	(pc) =	sbr.ind lr, $3  }
0x3a: {  	_ = 	snop  }
0x3b: {  	_ = 	snop  }
0x3c: {  	p2 =	seq.s32 s10, $0x1;
	s10 =	sld [smem:$0x3FB4]  }
0x3d: {  	_ =	shalt  }
0x3e: {  	_ =	shalt  }
0x3f: {  	_ =	shalt  }
0x40: {  	_ =	shalt  }
0x41: {  	_ =	shalt  }
0x42: {  	_ =	shalt  }
0x43: {  	_ =	shalt  }
0x44: {  	_ =	shalt  }
0x45: {  	_ =	shalt  }
0x46: {  	_ =	shalt  }
0x47: {  	_ =	shalt  }
0x48: {  	_ =	shalt  }
0x49: {  	_ =	shalt  }
0x4a: {  	_ =	shalt  }
0x4b: {  	_ =	shalt  }
0x4c: {  	_ =	shalt  }
0x4d: {  	_ =	shalt  }
0x4e: {  	_ =	shalt  }
0x4f: {  	_ =	shalt  }
0x50: {  	_ =	shalt  }
0x51: {  	_ =	shalt  }
0x52: {  	_ =	shalt  }
0x53: {  	_ =	shalt  }
0x54: {  	_ =	shalt  }
0x55: {  	_ =	shalt  }
0x56: {  	_ =	shalt  }
0x57: {  	_ =	shalt  }
0x58: {  	_ =	shalt  }
0x59: {  	_ =	shalt  }
0x5a: {  	_ =	shalt  }
0x5b: {  	_ =	shalt  }
0x5c: {  	_ =	shalt  }
0x5d: {  	_ =	shalt  }
0x5e: {  	_ =	shalt  }
0x5f: {  	_ =	shalt  }
0x60: {  	_ =	shalt  }
0x61: {  	_ =	shalt  }
0x62: {  	_ =	shalt  }
0x63: {  	_ =	shalt  }
0x64: {  	_ =	shalt  }
0x65: {  	_ =	shalt  }
0x66: {  	_ =	shalt  }
0x67: {  	_ =	shalt  }
0x68: {  	_ =	shalt  }
0x69: {  	_ =	shalt  }
0x6a: {  	_ =	shalt  }
0x6b: {  	_ =	shalt  }
0x6c: {  	_ =	shalt  }
0x6d: {  	_ =	shalt  }
0x6e: {  	_ =	shalt  }
0x6f: {  	_ =	shalt  }
0x70: {  	_ =	shalt  }
0x71: {  	_ =	shalt  }
0x72: {  	_ =	shalt  }
0x73: {  	_ =	shalt  }
0x74: {  	_ =	shalt  }
0x75: {  	_ =	shalt  }
0x76: {  	_ =	shalt  }
0x77: {  	_ =	shalt  }
0x78: {  	_ =	shalt  }
0x79: {  	_ =	shalt  }
0x7a: {  	_ =	shalt  }
0x7b: {  	_ =	shalt  }
0x7c: {  	_ =	shalt  }
0x7d: {  	_ =	shalt  }
0x7e: {  	_ =	shalt  }
0x7f: {  	_ =	shalt  }
0x80: {  	_ =	shalt  }
0x81: {  	_ =	shalt  }
0x82: {  	_ =	shalt  }
0x83: {  	_ =	shalt  }
0x84: {  	_ =	shalt  }
0x85: {  	_ =	shalt  }
0x86: {  	_ =	shalt  }
0x87: {  	_ =	shalt  }
.Lfunc_end0:
.L_simem_size_0:
called_computation.2_lowered:
.L_overlay_start_0:
0x88: {  	s2 =	sld [smem:$0x3FD9]  }
0x89: {  	s3 =	sld [smem:$0x3FFE];
	_ =	sdelay $0x1  }
0x8a: {  	s1 =	srdreg.scid  }
0x8b: {  	s0 =	sand.u32 $0x1, s1  }
0x8c: {  	s14 =	sshll.u32 s0, $0xA;
	s2 =	sadd.s32 s3, s2  }
0x8d: {  	s2 =	sadd.s32 s2, s14  }
0x8e: {  	[smem:$0x3FC0] =	sst s2  }
0x8f: {  	_ = 	snop  }
0x90: {  	s2 =	sld [smem:$0x3FD0];
	_ =	sdelay $0x2  }
0x91: {  	s15 =	simm.s32 $0xB;
	s4 =	simm.s32 $0x10  }
0x92: {  	[smem:s4], [sflag:s15] =	dma.local [hbm:s2], $0x1  }
0x93: {  	_ =	swait.eq [sflag:s15], $0x1  }
0x94: {  	[sflag:s15] =	ssyncset.done $0x0  }
0x95: {  	[sflag:s15] =	ssyncadd.s32 $0xFFFFFFFF  }
0x96: {  	s16 =	sld [smem:$0x10];
	(tm) =	ssettm $0x1  }
0x97: {  	s17 =	sld [smem:$0x3FFB];
	_ =	sdelay $0x3  }
0x98: {  	_ =	strace s17  }
0x99: {  	s3 =	sld [smem:$0x3FFC];
	_ =	sdelay $0x3  }
0x9a: {  	_ =	strace s3  }
0x9b: {  	s3 =	sld [smem:$0x3FFD];
	_ =	sdelay $0x3  }
0x9c: {  	_ =	strace s3  }
0x9d: {  	_ =	strace $0x8FFFFFFF  }
0x9e: {  	s18 =	sld [smem:$0x3FDB];
	_ =	sdelay $0x1  }
0x9f: {  	s19 =	simm.s32 $_scs_section_size  }
0xa0: {  	s5 =	simm.s32 $_size__tile_overlayer_lowered;
	s6 =	simm.s32 $_tile_overlayer_lowered  }
0xa1: {  	s22 =	simm.s32 $0x1BFF;
	s21 =	sshll.u32 s6, $0x1;
	s3 =	sadd.s32 s19, s18  }
0xa2: {  	s7 =	simm.s32 $0x0;
	s20 =	sshll.u32 s5, $0x1;
	s5 =	sadd.s32 s21, s3  }
0xa3: {  	[timem:s7], [sflag:s22] =	dma.local [hbm:s5], s20  }
0xa4: {  	_ =	swait.ge [sflag:s22], s20  }
0xa5: {  	s4 =	ssub.s32 $0x0, s20;
	[sflag:s22] =	ssyncset.done $0x0  }
0xa6: {  	[sflag:s22] =	ssyncadd.s32 s4;
	_ =	sdelay $0x1  }
0xa7: {  	s23 =	simm.s32 $0x1B8B  }
0xa8: {  	_ =	swait.ge [sflag:s23], $0x1  }
0xa9: {  	[sflag:s23] =	ssyncset.done $0x0  }
0xaa: {  	s25 =	simm.s32 $0x1B8E;
	s24 =	sld [smem:$0x3FFE];
	[sflag:s23] =	ssyncadd.s32 $0xFFFFFFFF  }
0xab: {  	s26 =	simm.s32 $execute0_lowered;
	[smem:$0x3FD2] =	sst s25  }
0xac: {  	s5 =	sshll.u32 s26, $0x1;
	_ =	strace $0x8000004C;
	[dreg:$0x1] =	wrdreg $0xFFFFFFFF  }
0xad: {  	s28 =	simm.s32 $_size_execute0_lowered;
	s3 =	sadd.s32 s3, s5;
	[dreg:$0x0] =	wrdreg $0x0  }
0xae: {  	s5 =	sshll.u32 s28, $0x1;
	[dreg:$0x2] =	wrdreg s3  }
0xaf: {  	[dreg:$0x3] =	wrdreg s5  }
0xb0: {  	[dreg:$0x4] =	wrdreg $0xC0  }
0xb1: {  	_ =	task [dreg:s7], $0x5FFFF  }
0xb2: {  	[dreg:$0x1] =	wrdreg $0xFFFFFFFF  }
0xb3: {  	[dreg:$0x0] =	wrdreg $0x60  }
0xb4: {  	[dreg:$0x2] =	wrdreg s16  }
0xb5: {  	[dreg:$0x3] =	wrdreg s24  }
0xb6: {  	[dreg:$0x4] =	wrdreg $0xA8000  }
0xb7: {  	[dreg:$0x5] =	wrdreg $0x9  }
0xb8: {  	_ =	task.clear_ibuf [dreg:s7], $0x6FFFF;
	_ =	strace $0x9000004C  }
0xb9: {  	s29 =	simm.s32 $0x9;
	_ =	strace $0x8000004E  }
0xba: {  	_ =	swait.ge [sflag:s29], $0x1  }
0xbb: {  	[sflag:s29] =	ssyncadd.s32 $0xFFFFFFFF  }
0xbc: {  	_ =	strace $0x9000004E  }
0xbd: {  	_ =	sfence  }
0xbe: {  	s30 =	sld [smem:$0x0];
	_ =	sdelay $0x2  }
0xbf: {  	s31 =	sshll.u32 s1, $0xD;
	s1 =	sshrl.u32 s1, $0x2  }
0xc0: {  	s3 =	sand.u32 $0x4000, s31;
	s1 =	sadd.s32 s1, s30  }
0xc1: {  	s0 =	sor.u32 s3, s0;
	s1 =	sshll.u32 s1, $0x11  }
0xc2: {  	s0 =	sor.u32 s1, s0  }
0xc3: {  	s0 =	sadd.s32 $0x8F2B, s0  }
0xc4: {  	[sflag:s0] =	ssyncadd.remote.s32 $0x1  }
0xc5: {  	_ =	sfence.sel $0xFFFF  }
0xc6: {  	[dreg:$0x0] =	wrdreg $0xFFFFFFFF;
	(pc) =	sbr.abs _section_cstart, $3  }
0xc7: {  	[dreg:$0x1] =	wrdreg $0xFFFFFFFF  }
0xc8: {  	_ =	task.clear_ibuf [dreg:s7], $0x2FFFF;
	_ =	strace $0x9FFFFFFF  }
0xc9: {  	(tm) =	ssettm $0x7FFFFFFF  }
tec
execute0_lowered:
.L_overlay_start_1:
0x0: {  	(tag) =	ssettag $0x1  }
0x1: {  	s1 =	rddreg [dreg:$0x0]  }
0x2: {  	s5 =	rddreg [dreg:$0x1]  }
0x3: {  	s3 =	rddreg [dreg:$0x2]  }
0x4: {  	s0 =	rddreg [dreg:$0x3];
	s4 =	simm.s32 $0x0;
	s2 =	stileid.u32  }
0x5: {  	s6 =	srdreg.scid;
	s16 =	simm.s32 $0x9400;
	s17 =	simm.s32 $0x80  }
0x6: {  	s18 =	simm.s32 $0x1;
	s19 =	simm.s32 $0x4000;
	s20 =	simm.s32 $0x2  }
0x7: {  	s21 =	simm.s32 $0x9380;
	s22 =	simm.s32 $0xA700;
	s23 =	simm.s32 $0xA780  }
0x8: {  	s24 =	simm.s32 $0x0;
	[smem:$0x7FF] =	sst s4;
	s7 =	smul.u32 $0x14000, s2  }
0x9: {  	s6 =	sand.u32 $0x1, s6;
	s9 =	sadd.s32 $0x12200, s5;
	s10 =	sadd.s32 $0x1C200, s5  }
0xa: {  	s12 =	smul.u32 $0x50000, s2;
	s30 =	sshll.u32 s2, $0x6;
	_ =	strace $0x8000004D  }
0xb: {  	s8 =	smul.u32 $0x140000, s6;
	s28 =	sshll.u32 s6, $0x4;
	s6 =	ssub.s32 $0x2, s6  }
0xc: {  	s11 =	sshrl.u32 s7, $0x3;
	s13 =	sshrl.u32 s6, $0x1;
	s29 =	sshrl.u32 s12, $0x2  }
0xd: {  	s11 =	sadd.s32 s11, s5;
	s7 =	sadd.s32 s7, s8;
	s8 =	sor.u32 s2, s28  }
0xe: {  	s13 =	ssub.s32 s6, s13;
	s15 =	sadd.s32 s29, s3;
	s6 =	sor.u32 $0x1C03, s30  }
0xf: {  	s7 =	sshrl.u32 s7, $0x3;
	s8 =	smul.u32 $0x2800, s8;
	s12 =	smax.u32 s13, $0x1  }
0x10: {  	s13 =	sshrl.u32 s15, $0x3;
	s15 =	simm.s32 $0x8000;
	s14 =	sadd.s32 s7, s5  }
0x11: {  	s5 =	sadd.s32 $0x26200, s11;
	s8 =	sshrl.u32 s8, $0x3;
	s11 =	sadd.s32 $0x4E200, s14  }
0x12: {  	s14 =	simm.s32 $0x3;
	s31 =	sadd.s32 $0x280, s8;
	s7 =	sadd.s32 s9, s8  }
0x13: {  	s8 =	sadd.s32 s10, s8;
	s9 =	sadd.s32 s9, s31;
	s10 =	sadd.s32 s10, s31  }
.LBB2_1:
0x14: {  	[spmem:s13], [sflag:s6] =	dma.local [hbm:s5], $0x2800  }
0x15: {  	_ =	swait.ge [sflag:s14], $0x2800  }
0x16: {  	[sflag:s14] =	ssyncset.done $0x0  }
0x17: {  	[sflag:s14] =	ssyncadd.s32 $0xFFFFD800  }
0x18: {  	[bflag:$0x0] =	sbarrier.arrive $0xFFFF  }
0x19: {  	[tilespmem:s15], [sflag:$0x3] =	stream.linear.gather [hbm4b:s7+s4], $0x1400, $0x38;
	[tilespmem:$0x1E800] =	vst v63  }
0x1a: {  	_ =	swait.ge [sflag:s14], $0x1400  }
0x1b: {  	[sflag:s14] =	ssyncset.done $0x0  }
0x1c: {  	[sflag:s14] =	ssyncadd.s32 $0xFFFFEC00  }
0x1d: {  	[tilespmem:s16], [sflag:$0x3] =	stream.linear.gather [hbm4b:s8+s4], $0x1400, $0x38;
	[tilespmem:$0x1E800] =	vst v63  }
0x1e: {  	_ =	swait.ge [sflag:s14], $0x1400  }
0x1f: {  	[sflag:s14] =	ssyncset.done $0x0  }
0x20: {  	[sflag:s14] =	ssyncadd.s32 $0xFFFFEC00  }
0x21: {  	[tilespmem:s4], [sflag:$0x1] =	stream.indirect.gather [hbm4b:s1+s17], $0x80, s15, s17, $0xb8;
	[tilespmem:$0x1E800] =	vst v63  }
0x22: {  	_ =	swait.ge [sflag:s18], $0x4000  }
0x23: {  	[sflag:s18] =	ssyncset.done $0x0  }
0x24: {  	s25 =	simm.s32 $0x8080;
	[sflag:s18] =	ssyncadd.s32 $0xFFFFC000  }
0x25: {  	[tilespmem:s19], [sflag:$0x2] =	stream.indirect.gather [hbm4b:s1+s17], $0x80, s25, s17, $0xb8;
	[tilespmem:$0x1E800] =	vst v63  }
0x26: {  	s29 =	simm.s32 $0x9400  }
0x27: {  	[spmem:s3] =	stream.indirect.scatter.add.f32 [tilespmem:s4], [sflag:$0x3], $0x80, s29, s17, $0xb8;
	[tilespmem:$0x1E800] =	vst v63  }
0x28: {  	_ =	swait.ge [sflag:s14], $0x4000  }
0x29: {  	[sflag:s14] =	ssyncset.done $0x0  }
0x2a: {  	[sflag:s14] =	ssyncadd.s32 $0xFFFFC000  }
0x2b: {  	_ =	swait.ge [sflag:s20], $0x4000  }
0x2c: {  	[sflag:s20] =	ssyncset.done $0x0  }
0x2d: {  	s30 =	simm.s32 $0x8100;
	[sflag:s20] =	ssyncadd.s32 $0xFFFFC000  }
0x2e: {  	[tilespmem:s4], [sflag:$0x1] =	stream.indirect.gather [hbm4b:s1+s17], $0x80, s30, s17, $0xb8;
	[tilespmem:$0x1E800] =	vst v63  }
0x2f: {  	s31 =	simm.s32 $0x9480  }
0x30: {  	[spmem:s3] =	stream.indirect.scatter.add.f32 [tilespmem:s19], [sflag:$0x3], $0x80, s31, s17, $0xb8;
	[tilespmem:$0x1E800] =	vst v63  }
0x31: {  	_ =	swait.ge [sflag:s14], $0x4000  }
0x32: {  	s25 =	simm.s32 $0x400;
	[sflag:s14] =	ssyncset.done $0x0  }
.LBB2_2:
0x33: {  	p0 =	sne.s32 s25, $0x4800  }
0x34: {  	[sflag:s14] =	ssyncadd.s32 $0xFFFFC000;
	s26 =	smov.u32 s25;
	s25 =	sadd.s32 $0x400, s25  }
0x35: {  	_ = 	snop  }
0x36: {  	_ =	swait.ge [sflag:s18], $0x4000  }
0x37: {  	s26 =	sshra.s32 s26, $0x2;
	[sflag:s18] =	ssyncset.done $0x0  }
0x38: {  	s28 =	sadd.s32 $0x8080, s26;
	[sflag:s18] =	ssyncadd.s32 $0xFFFFC000  }
0x39: {  	[tilespmem:s19], [sflag:$0x2] =	stream.indirect.gather [hbm4b:s1+s17], $0x80, s28, s17, $0xb8;
	[tilespmem:$0x1E800] =	vst v63  }
0x3a: {  	s28 =	sadd.s32 $0x9400, s26  }
0x3b: {  	[spmem:s3] =	stream.indirect.scatter.add.f32 [tilespmem:s4], [sflag:$0x3], $0x80, s28, s17, $0xb8;
	[tilespmem:$0x1E800] =	vst v63  }
0x3c: {  	_ =	swait.ge [sflag:s14], $0x4000  }
0x3d: {  	[sflag:s14] =	ssyncset.done $0x0  }
0x3e: {  	[sflag:s14] =	ssyncadd.s32 $0xFFFFC000  }
0x3f: {  	_ =	swait.ge [sflag:s20], $0x4000  }
0x40: {  	[sflag:s20] =	ssyncset.done $0x0  }
0x41: {  	s28 =	sadd.s32 $0x8100, s26;
	[sflag:s20] =	ssyncadd.s32 $0xFFFFC000  }
0x42: {  	[tilespmem:s4], [sflag:$0x1] =	stream.indirect.gather [hbm4b:s1+s17], $0x80, s28, s17, $0xb8;
	[tilespmem:$0x1E800] =	vst v63  }
.Ltmp0:
0x43: {  	_ = 	snop;
	(pc) =	sbr.rel @p0 .LBB2_2-.Ltmp0, $4  }
0x44: {  	s26 =	sadd.s32 $0x9480, s26  }
0x45: {  	[spmem:s3] =	stream.indirect.scatter.add.f32 [tilespmem:s19], [sflag:$0x3], $0x80, s26, s17, $0xb8;
	[tilespmem:$0x1E800] =	vst v63  }
0x46: {  	_ =	swait.ge [sflag:s14], $0x4000  }
0x47: {  	[sflag:s14] =	ssyncset.done $0x0  }
0x48: {  	[sflag:s14] =	ssyncadd.s32 $0xFFFFC000  }
0x49: {  	_ =	swait.ge [sflag:s18], $0x4000  }
0x4a: {  	[sflag:s18] =	ssyncset.done $0x0  }
0x4b: {  	[sflag:s18] =	ssyncadd.s32 $0xFFFFC000  }
0x4c: {  	[tilespmem:s19], [sflag:$0x2] =	stream.indirect.gather [hbm4b:s1+s17], $0x80, s21, s17, $0xb8;
	[tilespmem:$0x1E800] =	vst v63  }
0x4d: {  	s25 =	simm.s32 $0x0  }
0x4e: {  	[spmem:s3] =	stream.indirect.scatter.add.f32 [tilespmem:s25], [sflag:$0x3], $0x80, s22, s17, $0xb8;
	[tilespmem:$0x1E800] =	vst v63  }
0x4f: {  	_ =	swait.ge [sflag:s14], $0x4000  }
0x50: {  	[sflag:s14] =	ssyncset.done $0x0  }
0x51: {  	[sflag:s14] =	ssyncadd.s32 $0xFFFFC000  }
0x52: {  	_ =	swait.ge [sflag:s20], $0x4000  }
0x53: {  	[sflag:s20] =	ssyncset.done $0x0  }
0x54: {  	[sflag:s20] =	ssyncadd.s32 $0xFFFFC000  }
0x55: {  	[spmem:s3] =	stream.indirect.scatter.add.f32 [tilespmem:s19], [sflag:$0x3], $0x80, s23, s17, $0xb8;
	[tilespmem:$0x1E800] =	vst v63  }
0x56: {  	_ =	swait.ge [sflag:s14], $0x4000  }
0x57: {  	[sflag:s14] =	ssyncset.done $0x0  }
0x58: {  	[sflag:s14] =	ssyncadd.s32 $0xFFFFC000  }
0x59: {  	[tilespmem:s15], [sflag:$0x3] =	stream.linear.gather [hbm4b:s9+s25], $0x1400, $0x38;
	[tilespmem:$0x1E800] =	vst v63  }
0x5a: {  	_ =	swait.ge [sflag:s14], $0x1400  }
0x5b: {  	[sflag:s14] =	ssyncset.done $0x0  }
0x5c: {  	[sflag:s14] =	ssyncadd.s32 $0xFFFFEC00  }
0x5d: {  	[tilespmem:s16], [sflag:$0x3] =	stream.linear.gather [hbm4b:s10+s25], $0x1400, $0x38;
	[tilespmem:$0x1E800] =	vst v63  }
0x5e: {  	_ =	swait.ge [sflag:s14], $0x1400  }
0x5f: {  	[sflag:s14] =	ssyncset.done $0x0  }
0x60: {  	[sflag:s14] =	ssyncadd.s32 $0xFFFFEC00  }
0x61: {  	[tilespmem:s25], [sflag:$0x1] =	stream.indirect.gather [hbm4b:s1+s17], $0x80, s15, s17, $0xb8;
	[tilespmem:$0x1E800] =	vst v63  }
0x62: {  	_ =	swait.ge [sflag:s18], $0x4000  }
0x63: {  	[sflag:s18] =	ssyncset.done $0x0  }
0x64: {  	s28 =	simm.s32 $0x8080;
	[sflag:s18] =	ssyncadd.s32 $0xFFFFC000  }
0x65: {  	[tilespmem:s19], [sflag:$0x2] =	stream.indirect.gather [hbm4b:s1+s17], $0x80, s28, s17, $0xb8;
	[tilespmem:$0x1E800] =	vst v63  }
0x66: {  	s29 =	simm.s32 $0x9400  }
0x67: {  	[spmem:s3] =	stream.indirect.scatter.add.f32 [tilespmem:s4], [sflag:$0x3], $0x80, s29, s17, $0xb8;
	[tilespmem:$0x1E800] =	vst v63  }
0x68: {  	_ =	swait.ge [sflag:s14], $0x4000  }
0x69: {  	[sflag:s14] =	ssyncset.done $0x0  }
0x6a: {  	[sflag:s14] =	ssyncadd.s32 $0xFFFFC000  }
0x6b: {  	_ =	swait.ge [sflag:s20], $0x4000  }
0x6c: {  	[sflag:s20] =	ssyncset.done $0x0  }
0x6d: {  	s30 =	simm.s32 $0x8100;
	[sflag:s20] =	ssyncadd.s32 $0xFFFFC000  }
0x6e: {  	[tilespmem:s4], [sflag:$0x1] =	stream.indirect.gather [hbm4b:s1+s17], $0x80, s30, s17, $0xb8;
	[tilespmem:$0x1E800] =	vst v63  }
0x6f: {  	s31 =	simm.s32 $0x9480  }
0x70: {  	[spmem:s3] =	stream.indirect.scatter.add.f32 [tilespmem:s19], [sflag:$0x3], $0x80, s31, s17, $0xb8;
	[tilespmem:$0x1E800] =	vst v63  }
0x71: {  	_ =	swait.ge [sflag:s14], $0x4000  }
0x72: {  	s25 =	simm.s32 $0x400;
	[sflag:s14] =	ssyncset.done $0x0  }
.LBB2_4:
0x73: {  	p0 =	sne.s32 s25, $0x4800  }
0x74: {  	[sflag:s14] =	ssyncadd.s32 $0xFFFFC000;
	s26 =	smov.u32 s25;
	s25 =	sadd.s32 $0x400, s25  }
0x75: {  	_ = 	snop  }
0x76: {  	_ =	swait.ge [sflag:s18], $0x4000  }
0x77: {  	s26 =	sshra.s32 s26, $0x2;
	[sflag:s18] =	ssyncset.done $0x0  }
0x78: {  	s28 =	sadd.s32 $0x8080, s26;
	[sflag:s18] =	ssyncadd.s32 $0xFFFFC000  }
0x79: {  	[tilespmem:s19], [sflag:$0x2] =	stream.indirect.gather [hbm4b:s1+s17], $0x80, s28, s17, $0xb8;
	[tilespmem:$0x1E800] =	vst v63  }
0x7a: {  	s28 =	sadd.s32 $0x9400, s26  }
0x7b: {  	[spmem:s3] =	stream.indirect.scatter.add.f32 [tilespmem:s4], [sflag:$0x3], $0x80, s28, s17, $0xb8;
	[tilespmem:$0x1E800] =	vst v63  }
0x7c: {  	_ =	swait.ge [sflag:s14], $0x4000  }
0x7d: {  	[sflag:s14] =	ssyncset.done $0x0  }
0x7e: {  	[sflag:s14] =	ssyncadd.s32 $0xFFFFC000  }
0x7f: {  	_ =	swait.ge [sflag:s20], $0x4000  }
0x80: {  	[sflag:s20] =	ssyncset.done $0x0  }
0x81: {  	s28 =	sadd.s32 $0x8100, s26;
	[sflag:s20] =	ssyncadd.s32 $0xFFFFC000  }
0x82: {  	[tilespmem:s4], [sflag:$0x1] =	stream.indirect.gather [hbm4b:s1+s17], $0x80, s28, s17, $0xb8;
	[tilespmem:$0x1E800] =	vst v63  }
.Ltmp1:
0x83: {  	_ = 	snop;
	(pc) =	sbr.rel @p0 .LBB2_4-.Ltmp1, $4  }
0x84: {  	s26 =	sadd.s32 $0x9480, s26  }
0x85: {  	[spmem:s3] =	stream.indirect.scatter.add.f32 [tilespmem:s19], [sflag:$0x3], $0x80, s26, s17, $0xb8;
	[tilespmem:$0x1E800] =	vst v63  }
0x86: {  	_ =	swait.ge [sflag:s14], $0x4000  }
0x87: {  	[sflag:s14] =	ssyncset.done $0x0  }
0x88: {  	[sflag:s14] =	ssyncadd.s32 $0xFFFFC000  }
0x89: {  	_ =	swait.ge [sflag:s18], $0x4000  }
0x8a: {  	[sflag:s18] =	ssyncset.done $0x0  }
0x8b: {  	[sflag:s18] =	ssyncadd.s32 $0xFFFFC000  }
0x8c: {  	[tilespmem:s19], [sflag:$0x2] =	stream.indirect.gather [hbm4b:s1+s17], $0x80, s21, s17, $0xb8;
	[tilespmem:$0x1E800] =	vst v63  }
0x8d: {  	_ = 	snop  }
0x8e: {  	[spmem:s3] =	stream.indirect.scatter.add.f32 [tilespmem:s4], [sflag:$0x3], $0x80, s22, s17, $0xb8;
	[tilespmem:$0x1E800] =	vst v63  }
0x8f: {  	_ =	swait.ge [sflag:s14], $0x4000  }
0x90: {  	[sflag:s14] =	ssyncset.done $0x0  }
0x91: {  	[sflag:s14] =	ssyncadd.s32 $0xFFFFC000  }
0x92: {  	_ =	swait.ge [sflag:s20], $0x4000  }
0x93: {  	[sflag:s20] =	ssyncset.done $0x0  }
0x94: {  	[sflag:s20] =	ssyncadd.s32 $0xFFFFC000  }
0x95: {  	[spmem:s3] =	stream.indirect.scatter.add.f32 [tilespmem:s19], [sflag:$0x3], $0x80, s23, s17, $0xb8;
	[tilespmem:$0x1E800] =	vst v63  }
0x96: {  	_ =	swait.ge [sflag:s14], $0x4000  }
0x97: {  	s24 =	sadd.s32 $0x1, s24;
	[sflag:s14] =	ssyncset.done $0x0  }
0x98: {  	p0 =	sne.s32 s24, s12;
	[sflag:s14] =	ssyncadd.s32 $0xFFFFC000  }
.Ltmp2:
0x99: {  	[bflag:$0x0] =	sbarrier.arrive $0xFFFF;
	(pc) =	sbr.rel @p0 .LBB2_1-.Ltmp2, $4  }
0x9a: {  	[hbm:s11], [sflag:s6] =	dma.local [spmem:s13], $0x2800  }
0x9b: {  	_ =	swait.ge [sflag:s14], $0x2800  }
0x9c: {  	[sflag:s14] =	ssyncset.done $0x0  }
0x9d: {  	[sflag:s14] =	ssyncadd.s32 $0xFFFFD800  }
0x9e: {  	_ =	sfence.sel $0x180000  }
0x9f: {  	[bflag:$0x0] =	sbarrier.arrive $0xFFFF  }
0xa0: {  	p0 =	sne.s32 s2, $0x0;
	_ =	strace $0x9000004D  }
0xa1: {  	s0 =	sadd.s32 @!p0 $0x100000, s0;
	[bflag:$0x2] =	sbarrier.arrive $0xFFFF  }
0xa2: {  	[sflag:s0] =	ssyncadd.tile.s32 @!p0 $0x1;
	_ =	shalt  }
.Lfunc_end2:
_tile_overlayer_lowered:
.L_overlay_start_2:
0xa3: {  	(tag) =	ssettag $0x2  }
0xa4: {  	s0 =	rddreg [dreg:$0x0];
	s2 =	stileid.u32  }
0xa5: {  	s1 =	rddreg [dreg:$0x1];
	p0 =	sne.s32 s2, $0x0  }
0xa6: {  	s3 =	rddreg [dreg:$0x2];
	[bflag:$0x3] =	sbarrier.arrive $0xFFFF;
	s2 =	simm.s32 @!p0 $0x1C03  }
0xa7: {  	[timem:s3], [sflag:s2] =	dma.local @!p0 [hbm:s0], s1  }
0xa8: {  	s0 =	simm.s32 @!p0 $0x3  }
0xa9: {  	_ =	swait.ge @!p0 [sflag:s0], s1  }
0xaa: {  	s1 =	ssub.s32 @!p0 $0x0, s1;
	[sflag:s0] =	ssyncset.done @!p0 $0x0  }
0xab: {  	[sflag:s0] =	ssyncadd.s32 @!p0 s1  }
0xac: {  	[bflag:$0x3] =	sbarrier.arrive $0xFFFF  }
0xad: {  	_ =	shalt  }

// kernel: kernel.18.cloned.1.call-start
scs
__scs_entry_jumppad:
0x0: {  	(pc) =	sbr.rel $0x88, $3  }
0x1: {  	(tag) =	ssettag $0x0;
	lr =	simm.s32 $0x1  }
0x2: {  	[smem:$0x3F99] =	sst lr;
	_ =	strace $0xD0000000  }
0x3: {  	_ = 	snop  }
0x4: {  	_ = 	snop  }
0x5: {  	_ = 	snop  }
0x6: {  	_ = 	snop  }
0x7: {  	_ = 	snop  }
__scs_overlays_trampoline_lowered:
0x8: {  	[smem:$0x3FA8] =	sst s0  }
0x9: {  	[smem:$0x3FA9] =	sst s1  }
0xa: {  	[smem:$0x3FAA] =	sst s2  }
0xb: {  	[smem:$0x3FAB] =	sst s3  }
0xc: {  	[smem:$0x3FAC] =	sst s4  }
0xd: {  	[smem:$0x3FAD] =	sst s5  }
0xe: {  	[smem:$0x3FAE] =	sst s6  }
0xf: {  	[smem:$0x3FAF] =	sst s7  }
0x10: {  	[smem:$0x3FB0] =	sst s8  }
0x11: {  	[smem:$0x3FB1] =	sst s9;
	s0 =	simm.s32 @!p0 $0x0  }
0x12: {  	s1 =	sld [smem:$0x3F97];
	s0 =	simm.s32 @p0 $0x1  }
0x13: {  	[smem:$0x3FB2] =	sst s0;
	s0 =	simm.s32 @!p1 $0x0  }
0x14: {  	s2 =	sld [smem:$0x3F96];
	s0 =	simm.s32 @p1 $0x1  }
0x15: {  	[smem:$0x3FB3] =	sst s0;
	s0 =	simm.s32 @!p2 $0x0  }
0x16: {  	s3 =	sld [smem:$0x3FDB];
	s0 =	simm.s32 @p2 $0x1  }
0x17: {  	s4 =	simm.s32 $0x1BF5;
	[smem:$0x3FB5] =	sst s0  }
0x18: {  	s0 =	sld [smem:$0x3F98];
	_ =	swait.ge [sflag:s4], $0x0  }
0x19: {  	s7 =	sld [smem:$0x3F99]  }
0x1a: {  	s8 =	sadd.s32 $0xFFFFE003, lr  }
0x1b: {  	s9 =	sadd.s32 $0xFFFFFEF7, lr;
	s5 =	simm.s32 $0xFFFFFFFF;
	p2 =	slt.u32 s8, $0xFFFFF086  }
0x1c: {  	p1 =	slt.u32 s9, $0xF7A;
	s5 =	simm.s32 @!p2 $0x0  }
0x1d: {  	s5 =	simm.s32 @p1 $0x1;
	p0 =	seq.s32 s7, s2  }
0x1e: {  	s7 =	smul.u32 @!p0 $0xF7A, s2;
	p2 =	seq.s32 @!p0 s5, $0x0  }
0x1f: {  	s9 =	smul.u32 $0xF7A, s1;
	s8 =	simm.s32 @!p0 $0x1BF5;
	p2 =	por !p2, p0  }
0x20: {  	[sflag:s8] =	ssyncset.s32 @!p0 $0xFFFFF086;
	s6 =	sadd.s32 @!p0 s3, s7;
	s7 =	simm.s32 @!p0 $0x108  }
0x21: {  	s3 =	sadd.s32 s3, s9;
	s6 =	sadd.s32 @!p0 $0x88, s6;
	s7 =	simm.s32 @p2 $0x1082  }
0x22: {  	[simem:s7], [sflag:s8] =	dma.local @!p0 [hbm:s6], $0xF7A  }
0x23: {  	s9 =	sor.u32 $0xD0000000, s2;
	s6 =	simm.s32 $0x108;
	_ =	swait.ge @!p0 [sflag:s8], $0x0  }
0x24: {  	s3 =	sadd.s32 $0x88, s3;
	s6 =	simm.s32 @!p1 $0x1082;
	[sflag:s4] =	ssyncset.s32 $0xFFFFF086  }
0x25: {  	[simem:s6], [sflag:s4] =	dma.local [hbm:s3], $0xF7A  }
0x26: {  	[smem:$0x3F99] =	sst s1;
	(tag) =	ssettag s2;
	_ =	strace s9  }
0x27: {  	s1 =	sld [smem:$0x3FA9]  }
0x28: {  	s2 =	sld [smem:$0x3FAA]  }
0x29: {  	s4 =	sld [smem:$0x3FAC]  }
0x2a: {  	p0 =	seq.s32 s5, $0x0;
	s5 =	sld [smem:$0x3FAD]  }
0x2b: {  	s6 =	sld [smem:$0x3FAE]  }
0x2c: {  	s7 =	sld [smem:$0x3FAF]  }
0x2d: {  	s3 =	simm.s32 $0x108;
	s8 =	sld [smem:$0x3FB0]  }
0x2e: {  	s3 =	simm.s32 @!p0 $0x1082;
	s9 =	sld [smem:$0x3FB1]  }
0x2f: {  	lr =	sadd.s32 s0, s3;
	s0 =	sld [smem:$0x3FA8]  }
0x30: {  	s3 =	sld [smem:$0x3FAB]  }
0x31: {  	[smem:$0x3FB4] =	sst s10  }
0x32: {  	s10 =	sld [smem:$0x3FB2];
	_ =	sdelay $0x3  }
0x33: {  	p0 =	seq.s32 s10, $0x1;
	s10 =	sld [smem:$0x3FB4];
	_ =	sdelay $0x3  }
0x34: {  	[smem:$0x3FB4] =	sst s10  }
0x35: {  	s10 =	sld [smem:$0x3FB3];
	_ =	sdelay $0x3  }
0x36: {  	p1 =	seq.s32 s10, $0x1;
	s10 =	sld [smem:$0x3FB4];
	_ =	sdelay $0x3  }
0x37: {  	[smem:$0x3FB4] =	sst s10  }
0x38: {  	s10 =	sld [smem:$0x3FB5]  }
0x39: {  	_ = 	snop;
	(pc) =	sbr.ind lr, $3  }
0x3a: {  	_ = 	snop  }
0x3b: {  	_ = 	snop  }
0x3c: {  	p2 =	seq.s32 s10, $0x1;
	s10 =	sld [smem:$0x3FB4]  }
0x3d: {  	_ =	shalt  }
0x3e: {  	_ =	shalt  }
0x3f: {  	_ =	shalt  }
0x40: {  	_ =	shalt  }
0x41: {  	_ =	shalt  }
0x42: {  	_ =	shalt  }
0x43: {  	_ =	shalt  }
0x44: {  	_ =	shalt  }
0x45: {  	_ =	shalt  }
0x46: {  	_ =	shalt  }
0x47: {  	_ =	shalt  }
0x48: {  	_ =	shalt  }
0x49: {  	_ =	shalt  }
0x4a: {  	_ =	shalt  }
0x4b: {  	_ =	shalt  }
0x4c: {  	_ =	shalt  }
0x4d: {  	_ =	shalt  }
0x4e: {  	_ =	shalt  }
0x4f: {  	_ =	shalt  }
0x50: {  	_ =	shalt  }
0x51: {  	_ =	shalt  }
0x52: {  	_ =	shalt  }
0x53: {  	_ =	shalt  }
0x54: {  	_ =	shalt  }
0x55: {  	_ =	shalt  }
0x56: {  	_ =	shalt  }
0x57: {  	_ =	shalt  }
0x58: {  	_ =	shalt  }
0x59: {  	_ =	shalt  }
0x5a: {  	_ =	shalt  }
0x5b: {  	_ =	shalt  }
0x5c: {  	_ =	shalt  }
0x5d: {  	_ =	shalt  }
0x5e: {  	_ =	shalt  }
0x5f: {  	_ =	shalt  }
0x60: {  	_ =	shalt  }
0x61: {  	_ =	shalt  }
0x62: {  	_ =	shalt  }
0x63: {  	_ =	shalt  }
0x64: {  	_ =	shalt  }
0x65: {  	_ =	shalt  }
0x66: {  	_ =	shalt  }
0x67: {  	_ =	shalt  }
0x68: {  	_ =	shalt  }
0x69: {  	_ =	shalt  }
0x6a: {  	_ =	shalt  }
0x6b: {  	_ =	shalt  }
0x6c: {  	_ =	shalt  }
0x6d: {  	_ =	shalt  }
0x6e: {  	_ =	shalt  }
0x6f: {  	_ =	shalt  }
0x70: {  	_ =	shalt  }
0x71: {  	_ =	shalt  }
0x72: {  	_ =	shalt  }
0x73: {  	_ =	shalt  }
0x74: {  	_ =	shalt  }
0x75: {  	_ =	shalt  }
0x76: {  	_ =	shalt  }
0x77: {  	_ =	shalt  }
0x78: {  	_ =	shalt  }
0x79: {  	_ =	shalt  }
0x7a: {  	_ =	shalt  }
0x7b: {  	_ =	shalt  }
0x7c: {  	_ =	shalt  }
0x7d: {  	_ =	shalt  }
0x7e: {  	_ =	shalt  }
0x7f: {  	_ =	shalt  }
0x80: {  	_ =	shalt  }
0x81: {  	_ =	shalt  }
0x82: {  	_ =	shalt  }
0x83: {  	_ =	shalt  }
0x84: {  	_ =	shalt  }
0x85: {  	_ =	shalt  }
0x86: {  	_ =	shalt  }
0x87: {  	_ =	shalt  }
.Lfunc_end0:
.L_simem_size_0:
called_computation.3_lowered:
.L_overlay_start_0:
0x88: {  	s2 =	sld [smem:$0x3FD9]  }
0x89: {  	s3 =	sld [smem:$0x3FFE];
	_ =	sdelay $0x1  }
0x8a: {  	s1 =	srdreg.scid  }
0x8b: {  	s0 =	sand.u32 $0x1, s1  }
0x8c: {  	s14 =	sshll.u32 s0, $0xA;
	s2 =	sadd.s32 s3, s2  }
0x8d: {  	s2 =	sadd.s32 s2, s14  }
0x8e: {  	[smem:$0x3FC0] =	sst s2  }
0x8f: {  	_ = 	snop  }
0x90: {  	s2 =	sld [smem:$0x3FD0];
	_ =	sdelay $0x2  }
0x91: {  	s15 =	simm.s32 $0xB;
	s4 =	simm.s32 $0x10  }
0x92: {  	[smem:s4], [sflag:s15] =	dma.local [hbm:s2], $0x1  }
0x93: {  	_ =	swait.eq [sflag:s15], $0x1  }
0x94: {  	[sflag:s15] =	ssyncset.done $0x0  }
0x95: {  	[sflag:s15] =	ssyncadd.s32 $0xFFFFFFFF  }
0x96: {  	s16 =	sld [smem:$0x10];
	(tm) =	ssettm $0x1  }
0x97: {  	s17 =	sld [smem:$0x3FFB];
	_ =	sdelay $0x3  }
0x98: {  	_ =	strace s17  }
0x99: {  	s3 =	sld [smem:$0x3FFC];
	_ =	sdelay $0x3  }
0x9a: {  	_ =	strace s3  }
0x9b: {  	s3 =	sld [smem:$0x3FFD];
	_ =	sdelay $0x3  }
0x9c: {  	_ =	strace s3  }
0x9d: {  	_ =	strace $0x8FFFFFFF  }
0x9e: {  	s18 =	sld [smem:$0x3FDB];
	_ =	sdelay $0x1  }
0x9f: {  	s19 =	simm.s32 $_scs_section_size  }
0xa0: {  	s5 =	simm.s32 $_size__tile_overlayer_lowered;
	s6 =	simm.s32 $_tile_overlayer_lowered  }
0xa1: {  	s22 =	simm.s32 $0x1BFF;
	s21 =	sshll.u32 s6, $0x1;
	s3 =	sadd.s32 s19, s18  }
0xa2: {  	s7 =	simm.s32 $0x0;
	s20 =	sshll.u32 s5, $0x1;
	s5 =	sadd.s32 s21, s3  }
0xa3: {  	[timem:s7], [sflag:s22] =	dma.local [hbm:s5], s20  }
0xa4: {  	_ =	swait.ge [sflag:s22], s20  }
0xa5: {  	s4 =	ssub.s32 $0x0, s20;
	[sflag:s22] =	ssyncset.done $0x0  }
0xa6: {  	[sflag:s22] =	ssyncadd.s32 s4;
	_ =	sdelay $0x1  }
0xa7: {  	s23 =	simm.s32 $0x1B8B  }
0xa8: {  	_ =	swait.ge [sflag:s23], $0x1  }
0xa9: {  	[sflag:s23] =	ssyncset.done $0x0  }
0xaa: {  	s25 =	simm.s32 $0x1B8E;
	s24 =	sld [smem:$0x3FFE];
	[sflag:s23] =	ssyncadd.s32 $0xFFFFFFFF  }
0xab: {  	s26 =	simm.s32 $execute0_lowered;
	[smem:$0x3FD2] =	sst s25  }
0xac: {  	s5 =	sshll.u32 s26, $0x1;
	_ =	strace $0x8000004F;
	[dreg:$0x1] =	wrdreg $0xFFFFFFFF  }
0xad: {  	s28 =	simm.s32 $_size_execute0_lowered;
	s3 =	sadd.s32 s3, s5;
	[dreg:$0x0] =	wrdreg $0x0  }
0xae: {  	s5 =	sshll.u32 s28, $0x1;
	[dreg:$0x2] =	wrdreg s3  }
0xaf: {  	[dreg:$0x3] =	wrdreg s5  }
0xb0: {  	[dreg:$0x4] =	wrdreg $0xC0  }
0xb1: {  	_ =	task [dreg:s7], $0x5FFFF  }
0xb2: {  	[dreg:$0x1] =	wrdreg $0xFFFFFFFF  }
0xb3: {  	[dreg:$0x0] =	wrdreg $0x60  }
0xb4: {  	[dreg:$0x2] =	wrdreg s16  }
0xb5: {  	[dreg:$0x3] =	wrdreg s24  }
0xb6: {  	[dreg:$0x4] =	wrdreg $0xA8000  }
0xb7: {  	[dreg:$0x5] =	wrdreg $0x9  }
0xb8: {  	_ =	task.clear_ibuf [dreg:s7], $0x6FFFF;
	_ =	strace $0x9000004F  }
0xb9: {  	s29 =	simm.s32 $0x9;
	_ =	strace $0x80000051  }
0xba: {  	_ =	swait.ge [sflag:s29], $0x1  }
0xbb: {  	[sflag:s29] =	ssyncadd.s32 $0xFFFFFFFF  }
0xbc: {  	_ =	strace $0x90000051  }
0xbd: {  	_ =	sfence  }
0xbe: {  	s30 =	sld [smem:$0x0];
	_ =	sdelay $0x2  }
0xbf: {  	s31 =	sshll.u32 s1, $0xD;
	s1 =	sshrl.u32 s1, $0x2  }
0xc0: {  	s3 =	sand.u32 $0x4000, s31;
	s1 =	sadd.s32 s1, s30  }
0xc1: {  	s0 =	sor.u32 s3, s0;
	s1 =	sshll.u32 s1, $0x11  }
0xc2: {  	s0 =	sor.u32 s1, s0  }
0xc3: {  	s0 =	sadd.s32 $0x8F2B, s0  }
0xc4: {  	[sflag:s0] =	ssyncadd.remote.s32 $0x1  }
0xc5: {  	_ =	sfence.sel $0xFFFF  }
0xc6: {  	[dreg:$0x0] =	wrdreg $0xFFFFFFFF;
	(pc) =	sbr.abs _section_cstart, $3  }
0xc7: {  	[dreg:$0x1] =	wrdreg $0xFFFFFFFF  }
0xc8: {  	_ =	task.clear_ibuf [dreg:s7], $0x2FFFF;
	_ =	strace $0x9FFFFFFF  }
0xc9: {  	(tm) =	ssettm $0x7FFFFFFF  }
tec
execute0_lowered:
.L_overlay_start_1:
0x0: {  	(tag) =	ssettag $0x1  }
0x1: {  	s1 =	rddreg [dreg:$0x0]  }
0x2: {  	s5 =	rddreg [dreg:$0x1]  }
0x3: {  	s3 =	rddreg [dreg:$0x2]  }
0x4: {  	s0 =	rddreg [dreg:$0x3];
	s4 =	simm.s32 $0x0;
	s2 =	stileid.u32  }
0x5: {  	s6 =	srdreg.scid;
	s16 =	simm.s32 $0x9400;
	s17 =	simm.s32 $0x80  }
0x6: {  	s18 =	simm.s32 $0x1;
	s19 =	simm.s32 $0x4000;
	s20 =	simm.s32 $0x2  }
0x7: {  	s21 =	simm.s32 $0x9380;
	s22 =	simm.s32 $0xA700;
	s23 =	simm.s32 $0xA780  }
0x8: {  	s24 =	simm.s32 $0x0;
	[smem:$0x7FF] =	sst s4;
	s7 =	smul.u32 $0x14000, s2  }
0x9: {  	s6 =	sand.u32 $0x1, s6;
	s9 =	sadd.s32 $0x12200, s5;
	s10 =	sadd.s32 $0x1C200, s5  }
0xa: {  	s12 =	smul.u32 $0x50000, s2;
	s30 =	sshll.u32 s2, $0x6;
	_ =	strace $0x80000050  }
0xb: {  	s8 =	smul.u32 $0x140000, s6;
	s28 =	sshll.u32 s6, $0x4;
	s6 =	ssub.s32 $0x2, s6  }
0xc: {  	s11 =	sshrl.u32 s7, $0x3;
	s13 =	sshrl.u32 s6, $0x1;
	s29 =	sshrl.u32 s12, $0x2  }
0xd: {  	s11 =	sadd.s32 s11, s5;
	s7 =	sadd.s32 s7, s8;
	s8 =	sor.u32 s2, s28  }
0xe: {  	s13 =	ssub.s32 s6, s13;
	s15 =	sadd.s32 s29, s3;
	s6 =	sor.u32 $0x1C03, s30  }
0xf: {  	s7 =	sshrl.u32 s7, $0x3;
	s8 =	smul.u32 $0x2800, s8;
	s12 =	smax.u32 s13, $0x1  }
0x10: {  	s13 =	sshrl.u32 s15, $0x3;
	s15 =	simm.s32 $0x8000;
	s14 =	sadd.s32 s7, s5  }
0x11: {  	s5 =	sadd.s32 $0x26200, s11;
	s8 =	sshrl.u32 s8, $0x3;
	s11 =	sadd.s32 $0x4E200, s14  }
0x12: {  	s14 =	simm.s32 $0x3;
	s31 =	sadd.s32 $0x280, s8;
	s7 =	sadd.s32 s9, s8  }
0x13: {  	s8 =	sadd.s32 s10, s8;
	s9 =	sadd.s32 s9, s31;
	s10 =	sadd.s32 s10, s31  }
.LBB2_1:
0x14: {  	[spmem:s13], [sflag:s6] =	dma.local [hbm:s5], $0x2800  }
0x15: {  	_ =	swait.ge [sflag:s14], $0x2800  }
0x16: {  	[sflag:s14] =	ssyncset.done $0x0  }
0x17: {  	[sflag:s14] =	ssyncadd.s32 $0xFFFFD800  }
0x18: {  	[bflag:$0x0] =	sbarrier.arrive $0xFFFF  }
0x19: {  	[tilespmem:s15], [sflag:$0x3] =	stream.linear.gather [hbm4b:s7+s4], $0x1400, $0x38;
	[tilespmem:$0x1E800] =	vst v63  }
0x1a: {  	_ =	swait.ge [sflag:s14], $0x1400  }
0x1b: {  	[sflag:s14] =	ssyncset.done $0x0  }
0x1c: {  	[sflag:s14] =	ssyncadd.s32 $0xFFFFEC00  }
0x1d: {  	[tilespmem:s16], [sflag:$0x3] =	stream.linear.gather [hbm4b:s8+s4], $0x1400, $0x38;
	[tilespmem:$0x1E800] =	vst v63  }
0x1e: {  	_ =	swait.ge [sflag:s14], $0x1400  }
0x1f: {  	[sflag:s14] =	ssyncset.done $0x0  }
0x20: {  	[sflag:s14] =	ssyncadd.s32 $0xFFFFEC00  }
0x21: {  	[tilespmem:s4], [sflag:$0x1] =	stream.indirect.gather [hbm4b:s1+s17], $0x80, s15, s17, $0xb8;
	[tilespmem:$0x1E800] =	vst v63  }
0x22: {  	_ =	swait.ge [sflag:s18], $0x4000  }
0x23: {  	[sflag:s18] =	ssyncset.done $0x0  }
0x24: {  	s25 =	simm.s32 $0x8080;
	[sflag:s18] =	ssyncadd.s32 $0xFFFFC000  }
0x25: {  	[tilespmem:s19], [sflag:$0x2] =	stream.indirect.gather [hbm4b:s1+s17], $0x80, s25, s17, $0xb8;
	[tilespmem:$0x1E800] =	vst v63  }
0x26: {  	s29 =	simm.s32 $0x9400  }
0x27: {  	[spmem:s3] =	stream.indirect.scatter.add.f32 [tilespmem:s4], [sflag:$0x3], $0x80, s29, s17, $0xb8;
	[tilespmem:$0x1E800] =	vst v63  }
0x28: {  	_ =	swait.ge [sflag:s14], $0x4000  }
0x29: {  	[sflag:s14] =	ssyncset.done $0x0  }
0x2a: {  	[sflag:s14] =	ssyncadd.s32 $0xFFFFC000  }
0x2b: {  	_ =	swait.ge [sflag:s20], $0x4000  }
0x2c: {  	[sflag:s20] =	ssyncset.done $0x0  }
0x2d: {  	s30 =	simm.s32 $0x8100;
	[sflag:s20] =	ssyncadd.s32 $0xFFFFC000  }
0x2e: {  	[tilespmem:s4], [sflag:$0x1] =	stream.indirect.gather [hbm4b:s1+s17], $0x80, s30, s17, $0xb8;
	[tilespmem:$0x1E800] =	vst v63  }
0x2f: {  	s31 =	simm.s32 $0x9480  }
0x30: {  	[spmem:s3] =	stream.indirect.scatter.add.f32 [tilespmem:s19], [sflag:$0x3], $0x80, s31, s17, $0xb8;
	[tilespmem:$0x1E800] =	vst v63  }
0x31: {  	_ =	swait.ge [sflag:s14], $0x4000  }
0x32: {  	s25 =	simm.s32 $0x400;
	[sflag:s14] =	ssyncset.done $0x0  }
.LBB2_2:
0x33: {  	p0 =	sne.s32 s25, $0x4800  }
0x34: {  	[sflag:s14] =	ssyncadd.s32 $0xFFFFC000;
	s26 =	smov.u32 s25;
	s25 =	sadd.s32 $0x400, s25  }
0x35: {  	_ = 	snop  }
0x36: {  	_ =	swait.ge [sflag:s18], $0x4000  }
0x37: {  	s26 =	sshra.s32 s26, $0x2;
	[sflag:s18] =	ssyncset.done $0x0  }
0x38: {  	s28 =	sadd.s32 $0x8080, s26;
	[sflag:s18] =	ssyncadd.s32 $0xFFFFC000  }
0x39: {  	[tilespmem:s19], [sflag:$0x2] =	stream.indirect.gather [hbm4b:s1+s17], $0x80, s28, s17, $0xb8;
	[tilespmem:$0x1E800] =	vst v63  }
0x3a: {  	s28 =	sadd.s32 $0x9400, s26  }
0x3b: {  	[spmem:s3] =	stream.indirect.scatter.add.f32 [tilespmem:s4], [sflag:$0x3], $0x80, s28, s17, $0xb8;
	[tilespmem:$0x1E800] =	vst v63  }
0x3c: {  	_ =	swait.ge [sflag:s14], $0x4000  }
0x3d: {  	[sflag:s14] =	ssyncset.done $0x0  }
0x3e: {  	[sflag:s14] =	ssyncadd.s32 $0xFFFFC000  }
0x3f: {  	_ =	swait.ge [sflag:s20], $0x4000  }
0x40: {  	[sflag:s20] =	ssyncset.done $0x0  }
0x41: {  	s28 =	sadd.s32 $0x8100, s26;
	[sflag:s20] =	ssyncadd.s32 $0xFFFFC000  }
0x42: {  	[tilespmem:s4], [sflag:$0x1] =	stream.indirect.gather [hbm4b:s1+s17], $0x80, s28, s17, $0xb8;
	[tilespmem:$0x1E800] =	vst v63  }
.Ltmp0:
0x43: {  	_ = 	snop;
	(pc) =	sbr.rel @p0 .LBB2_2-.Ltmp0, $4  }
0x44: {  	s26 =	sadd.s32 $0x9480, s26  }
0x45: {  	[spmem:s3] =	stream.indirect.scatter.add.f32 [tilespmem:s19], [sflag:$0x3], $0x80, s26, s17, $0xb8;
	[tilespmem:$0x1E800] =	vst v63  }
0x46: {  	_ =	swait.ge [sflag:s14], $0x4000  }
0x47: {  	[sflag:s14] =	ssyncset.done $0x0  }
0x48: {  	[sflag:s14] =	ssyncadd.s32 $0xFFFFC000  }
0x49: {  	_ =	swait.ge [sflag:s18], $0x4000  }
0x4a: {  	[sflag:s18] =	ssyncset.done $0x0  }
0x4b: {  	[sflag:s18] =	ssyncadd.s32 $0xFFFFC000  }
0x4c: {  	[tilespmem:s19], [sflag:$0x2] =	stream.indirect.gather [hbm4b:s1+s17], $0x80, s21, s17, $0xb8;
	[tilespmem:$0x1E800] =	vst v63  }
0x4d: {  	s25 =	simm.s32 $0x0  }
0x4e: {  	[spmem:s3] =	stream.indirect.scatter.add.f32 [tilespmem:s25], [sflag:$0x3], $0x80, s22, s17, $0xb8;
	[tilespmem:$0x1E800] =	vst v63  }
0x4f: {  	_ =	swait.ge [sflag:s14], $0x4000  }
0x50: {  	[sflag:s14] =	ssyncset.done $0x0  }
0x51: {  	[sflag:s14] =	ssyncadd.s32 $0xFFFFC000  }
0x52: {  	_ =	swait.ge [sflag:s20], $0x4000  }
0x53: {  	[sflag:s20] =	ssyncset.done $0x0  }
0x54: {  	[sflag:s20] =	ssyncadd.s32 $0xFFFFC000  }
0x55: {  	[spmem:s3] =	stream.indirect.scatter.add.f32 [tilespmem:s19], [sflag:$0x3], $0x80, s23, s17, $0xb8;
	[tilespmem:$0x1E800] =	vst v63  }
0x56: {  	_ =	swait.ge [sflag:s14], $0x4000  }
0x57: {  	[sflag:s14] =	ssyncset.done $0x0  }
0x58: {  	[sflag:s14] =	ssyncadd.s32 $0xFFFFC000  }
0x59: {  	[tilespmem:s15], [sflag:$0x3] =	stream.linear.gather [hbm4b:s9+s25], $0x1400, $0x38;
	[tilespmem:$0x1E800] =	vst v63  }
0x5a: {  	_ =	swait.ge [sflag:s14], $0x1400  }
0x5b: {  	[sflag:s14] =	ssyncset.done $0x0  }
0x5c: {  	[sflag:s14] =	ssyncadd.s32 $0xFFFFEC00  }
0x5d: {  	[tilespmem:s16], [sflag:$0x3] =	stream.linear.gather [hbm4b:s10+s25], $0x1400, $0x38;
	[tilespmem:$0x1E800] =	vst v63  }
0x5e: {  	_ =	swait.ge [sflag:s14], $0x1400  }
0x5f: {  	[sflag:s14] =	ssyncset.done $0x0  }
0x60: {  	[sflag:s14] =	ssyncadd.s32 $0xFFFFEC00  }
0x61: {  	[tilespmem:s25], [sflag:$0x1] =	stream.indirect.gather [hbm4b:s1+s17], $0x80, s15, s17, $0xb8;
	[tilespmem:$0x1E800] =	vst v63  }
0x62: {  	_ =	swait.ge [sflag:s18], $0x4000  }
0x63: {  	[sflag:s18] =	ssyncset.done $0x0  }
0x64: {  	s28 =	simm.s32 $0x8080;
	[sflag:s18] =	ssyncadd.s32 $0xFFFFC000  }
0x65: {  	[tilespmem:s19], [sflag:$0x2] =	stream.indirect.gather [hbm4b:s1+s17], $0x80, s28, s17, $0xb8;
	[tilespmem:$0x1E800] =	vst v63  }
0x66: {  	s29 =	simm.s32 $0x9400  }
0x67: {  	[spmem:s3] =	stream.indirect.scatter.add.f32 [tilespmem:s4], [sflag:$0x3], $0x80, s29, s17, $0xb8;
	[tilespmem:$0x1E800] =	vst v63  }
0x68: {  	_ =	swait.ge [sflag:s14], $0x4000  }
0x69: {  	[sflag:s14] =	ssyncset.done $0x0  }
0x6a: {  	[sflag:s14] =	ssyncadd.s32 $0xFFFFC000  }
0x6b: {  	_ =	swait.ge [sflag:s20], $0x4000  }
0x6c: {  	[sflag:s20] =	ssyncset.done $0x0  }
0x6d: {  	s30 =	simm.s32 $0x8100;
	[sflag:s20] =	ssyncadd.s32 $0xFFFFC000  }
0x6e: {  	[tilespmem:s4], [sflag:$0x1] =	stream.indirect.gather [hbm4b:s1+s17], $0x80, s30, s17, $0xb8;
	[tilespmem:$0x1E800] =	vst v63  }
0x6f: {  	s31 =	simm.s32 $0x9480  }
0x70: {  	[spmem:s3] =	stream.indirect.scatter.add.f32 [tilespmem:s19], [sflag:$0x3], $0x80, s31, s17, $0xb8;
	[tilespmem:$0x1E800] =	vst v63  }
0x71: {  	_ =	swait.ge [sflag:s14], $0x4000  }
0x72: {  	s25 =	simm.s32 $0x400;
	[sflag:s14] =	ssyncset.done $0x0  }
.LBB2_4:
0x73: {  	p0 =	sne.s32 s25, $0x4800  }
0x74: {  	[sflag:s14] =	ssyncadd.s32 $0xFFFFC000;
	s26 =	smov.u32 s25;
	s25 =	sadd.s32 $0x400, s25  }
0x75: {  	_ = 	snop  }
0x76: {  	_ =	swait.ge [sflag:s18], $0x4000  }
0x77: {  	s26 =	sshra.s32 s26, $0x2;
	[sflag:s18] =	ssyncset.done $0x0  }
0x78: {  	s28 =	sadd.s32 $0x8080, s26;
	[sflag:s18] =	ssyncadd.s32 $0xFFFFC000  }
0x79: {  	[tilespmem:s19], [sflag:$0x2] =	stream.indirect.gather [hbm4b:s1+s17], $0x80, s28, s17, $0xb8;
	[tilespmem:$0x1E800] =	vst v63  }
0x7a: {  	s28 =	sadd.s32 $0x9400, s26  }
0x7b: {  	[spmem:s3] =	stream.indirect.scatter.add.f32 [tilespmem:s4], [sflag:$0x3], $0x80, s28, s17, $0xb8;
	[tilespmem:$0x1E800] =	vst v63  }
0x7c: {  	_ =	swait.ge [sflag:s14], $0x4000  }
0x7d: {  	[sflag:s14] =	ssyncset.done $0x0  }
0x7e: {  	[sflag:s14] =	ssyncadd.s32 $0xFFFFC000  }
0x7f: {  	_ =	swait.ge [sflag:s20], $0x4000  }
0x80: {  	[sflag:s20] =	ssyncset.done $0x0  }
0x81: {  	s28 =	sadd.s32 $0x8100, s26;
	[sflag:s20] =	ssyncadd.s32 $0xFFFFC000  }
0x82: {  	[tilespmem:s4], [sflag:$0x1] =	stream.indirect.gather [hbm4b:s1+s17], $0x80, s28, s17, $0xb8;
	[tilespmem:$0x1E800] =	vst v63  }
.Ltmp1:
0x83: {  	_ = 	snop;
	(pc) =	sbr.rel @p0 .LBB2_4-.Ltmp1, $4  }
0x84: {  	s26 =	sadd.s32 $0x9480, s26  }
0x85: {  	[spmem:s3] =	stream.indirect.scatter.add.f32 [tilespmem:s19], [sflag:$0x3], $0x80, s26, s17, $0xb8;
	[tilespmem:$0x1E800] =	vst v63  }
0x86: {  	_ =	swait.ge [sflag:s14], $0x4000  }
0x87: {  	[sflag:s14] =	ssyncset.done $0x0  }
0x88: {  	[sflag:s14] =	ssyncadd.s32 $0xFFFFC000  }
0x89: {  	_ =	swait.ge [sflag:s18], $0x4000  }
0x8a: {  	[sflag:s18] =	ssyncset.done $0x0  }
0x8b: {  	[sflag:s18] =	ssyncadd.s32 $0xFFFFC000  }
0x8c: {  	[tilespmem:s19], [sflag:$0x2] =	stream.indirect.gather [hbm4b:s1+s17], $0x80, s21, s17, $0xb8;
	[tilespmem:$0x1E800] =	vst v63  }
0x8d: {  	_ = 	snop  }
0x8e: {  	[spmem:s3] =	stream.indirect.scatter.add.f32 [tilespmem:s4], [sflag:$0x3], $0x80, s22, s17, $0xb8;
	[tilespmem:$0x1E800] =	vst v63  }
0x8f: {  	_ =	swait.ge [sflag:s14], $0x4000  }
0x90: {  	[sflag:s14] =	ssyncset.done $0x0  }
0x91: {  	[sflag:s14] =	ssyncadd.s32 $0xFFFFC000  }
0x92: {  	_ =	swait.ge [sflag:s20], $0x4000  }
0x93: {  	[sflag:s20] =	ssyncset.done $0x0  }
0x94: {  	[sflag:s20] =	ssyncadd.s32 $0xFFFFC000  }
0x95: {  	[spmem:s3] =	stream.indirect.scatter.add.f32 [tilespmem:s19], [sflag:$0x3], $0x80, s23, s17, $0xb8;
	[tilespmem:$0x1E800] =	vst v63  }
0x96: {  	_ =	swait.ge [sflag:s14], $0x4000  }
0x97: {  	s24 =	sadd.s32 $0x1, s24;
	[sflag:s14] =	ssyncset.done $0x0  }
0x98: {  	p0 =	sne.s32 s24, s12;
	[sflag:s14] =	ssyncadd.s32 $0xFFFFC000  }
.Ltmp2:
0x99: {  	[bflag:$0x0] =	sbarrier.arrive $0xFFFF;
	(pc) =	sbr.rel @p0 .LBB2_1-.Ltmp2, $4  }
0x9a: {  	[hbm:s11], [sflag:s6] =	dma.local [spmem:s13], $0x2800  }
0x9b: {  	_ =	swait.ge [sflag:s14], $0x2800  }
0x9c: {  	[sflag:s14] =	ssyncset.done $0x0  }
0x9d: {  	[sflag:s14] =	ssyncadd.s32 $0xFFFFD800  }
0x9e: {  	_ =	sfence.sel $0x180000  }
0x9f: {  	[bflag:$0x0] =	sbarrier.arrive $0xFFFF  }
0xa0: {  	p0 =	sne.s32 s2, $0x0;
	_ =	strace $0x90000050  }
0xa1: {  	s0 =	sadd.s32 @!p0 $0x100000, s0;
	[bflag:$0x2] =	sbarrier.arrive $0xFFFF  }
0xa2: {  	[sflag:s0] =	ssyncadd.tile.s32 @!p0 $0x1;
	_ =	shalt  }
.Lfunc_end2:
_tile_overlayer_lowered:
.L_overlay_start_2:
0xa3: {  	(tag) =	ssettag $0x2  }
0xa4: {  	s0 =	rddreg [dreg:$0x0];
	s2 =	stileid.u32  }
0xa5: {  	s1 =	rddreg [dreg:$0x1];
	p0 =	sne.s32 s2, $0x0  }
0xa6: {  	s3 =	rddreg [dreg:$0x2];
	[bflag:$0x3] =	sbarrier.arrive $0xFFFF;
	s2 =	simm.s32 @!p0 $0x1C03  }
0xa7: {  	[timem:s3], [sflag:s2] =	dma.local @!p0 [hbm:s0], s1  }
0xa8: {  	s0 =	simm.s32 @!p0 $0x3  }
0xa9: {  	_ =	swait.ge @!p0 [sflag:s0], s1  }
0xaa: {  	s1 =	ssub.s32 @!p0 $0x0, s1;
	[sflag:s0] =	ssyncset.done @!p0 $0x0  }
0xab: {  	[sflag:s0] =	ssyncadd.s32 @!p0 s1  }
0xac: {  	[bflag:$0x3] =	sbarrier.arrive $0xFFFF  }
0xad: {  	_ =	shalt  }

// kernel: kernel.9.cloned.1.call-start
scs
__scs_entry_jumppad:
0x0: {  	(pc) =	sbr.rel $0x88, $3  }
0x1: {  	(tag) =	ssettag $0x0;
	lr =	simm.s32 $0x1  }
0x2: {  	[smem:$0x3F99] =	sst lr;
	_ =	strace $0xD0000000  }
0x3: {  	_ = 	snop  }
0x4: {  	_ = 	snop  }
0x5: {  	_ = 	snop  }
0x6: {  	_ = 	snop  }
0x7: {  	_ = 	snop  }
__scs_overlays_trampoline_lowered:
0x8: {  	[smem:$0x3FA8] =	sst s0  }
0x9: {  	[smem:$0x3FA9] =	sst s1  }
0xa: {  	[smem:$0x3FAA] =	sst s2  }
0xb: {  	[smem:$0x3FAB] =	sst s3  }
0xc: {  	[smem:$0x3FAC] =	sst s4  }
0xd: {  	[smem:$0x3FAD] =	sst s5  }
0xe: {  	[smem:$0x3FAE] =	sst s6  }
0xf: {  	[smem:$0x3FAF] =	sst s7  }
0x10: {  	[smem:$0x3FB0] =	sst s8  }
0x11: {  	[smem:$0x3FB1] =	sst s9;
	s0 =	simm.s32 @!p0 $0x0  }
0x12: {  	s1 =	sld [smem:$0x3F97];
	s0 =	simm.s32 @p0 $0x1  }
0x13: {  	[smem:$0x3FB2] =	sst s0;
	s0 =	simm.s32 @!p1 $0x0  }
0x14: {  	s2 =	sld [smem:$0x3F96];
	s0 =	simm.s32 @p1 $0x1  }
0x15: {  	[smem:$0x3FB3] =	sst s0;
	s0 =	simm.s32 @!p2 $0x0  }
0x16: {  	s3 =	sld [smem:$0x3FDB];
	s0 =	simm.s32 @p2 $0x1  }
0x17: {  	s4 =	simm.s32 $0x1BF5;
	[smem:$0x3FB5] =	sst s0  }
0x18: {  	s0 =	sld [smem:$0x3F98];
	_ =	swait.ge [sflag:s4], $0x0  }
0x19: {  	s7 =	sld [smem:$0x3F99]  }
0x1a: {  	s8 =	sadd.s32 $0xFFFFE003, lr  }
0x1b: {  	s9 =	sadd.s32 $0xFFFFFEF7, lr;
	s5 =	simm.s32 $0xFFFFFFFF;
	p2 =	slt.u32 s8, $0xFFFFF086  }
0x1c: {  	p1 =	slt.u32 s9, $0xF7A;
	s5 =	simm.s32 @!p2 $0x0  }
0x1d: {  	s5 =	simm.s32 @p1 $0x1;
	p0 =	seq.s32 s7, s2  }
0x1e: {  	s7 =	smul.u32 @!p0 $0xF7A, s2;
	p2 =	seq.s32 @!p0 s5, $0x0  }
0x1f: {  	s9 =	smul.u32 $0xF7A, s1;
	s8 =	simm.s32 @!p0 $0x1BF5;
	p2 =	por !p2, p0  }
0x20: {  	[sflag:s8] =	ssyncset.s32 @!p0 $0xFFFFF086;
	s6 =	sadd.s32 @!p0 s3, s7;
	s7 =	simm.s32 @!p0 $0x108  }
0x21: {  	s3 =	sadd.s32 s3, s9;
	s6 =	sadd.s32 @!p0 $0x88, s6;
	s7 =	simm.s32 @p2 $0x1082  }
0x22: {  	[simem:s7], [sflag:s8] =	dma.local @!p0 [hbm:s6], $0xF7A  }
0x23: {  	s9 =	sor.u32 $0xD0000000, s2;
	s6 =	simm.s32 $0x108;
	_ =	swait.ge @!p0 [sflag:s8], $0x0  }
0x24: {  	s3 =	sadd.s32 $0x88, s3;
	s6 =	simm.s32 @!p1 $0x1082;
	[sflag:s4] =	ssyncset.s32 $0xFFFFF086  }
0x25: {  	[simem:s6], [sflag:s4] =	dma.local [hbm:s3], $0xF7A  }
0x26: {  	[smem:$0x3F99] =	sst s1;
	(tag) =	ssettag s2;
	_ =	strace s9  }
0x27: {  	s1 =	sld [smem:$0x3FA9]  }
0x28: {  	s2 =	sld [smem:$0x3FAA]  }
0x29: {  	s4 =	sld [smem:$0x3FAC]  }
0x2a: {  	p0 =	seq.s32 s5, $0x0;
	s5 =	sld [smem:$0x3FAD]  }
0x2b: {  	s6 =	sld [smem:$0x3FAE]  }
0x2c: {  	s7 =	sld [smem:$0x3FAF]  }
0x2d: {  	s3 =	simm.s32 $0x108;
	s8 =	sld [smem:$0x3FB0]  }
0x2e: {  	s3 =	simm.s32 @!p0 $0x1082;
	s9 =	sld [smem:$0x3FB1]  }
0x2f: {  	lr =	sadd.s32 s0, s3;
	s0 =	sld [smem:$0x3FA8]  }
0x30: {  	s3 =	sld [smem:$0x3FAB]  }
0x31: {  	[smem:$0x3FB4] =	sst s10  }
0x32: {  	s10 =	sld [smem:$0x3FB2];
	_ =	sdelay $0x3  }
0x33: {  	p0 =	seq.s32 s10, $0x1;
	s10 =	sld [smem:$0x3FB4];
	_ =	sdelay $0x3  }
0x34: {  	[smem:$0x3FB4] =	sst s10  }
0x35: {  	s10 =	sld [smem:$0x3FB3];
	_ =	sdelay $0x3  }
0x36: {  	p1 =	seq.s32 s10, $0x1;
	s10 =	sld [smem:$0x3FB4];
	_ =	sdelay $0x3  }
0x37: {  	[smem:$0x3FB4] =	sst s10  }
0x38: {  	s10 =	sld [smem:$0x3FB5]  }
0x39: {  	_ = 	snop;
	(pc) =	sbr.ind lr, $3  }
0x3a: {  	_ = 	snop  }
0x3b: {  	_ = 	snop  }
0x3c: {  	p2 =	seq.s32 s10, $0x1;
	s10 =	sld [smem:$0x3FB4]  }
0x3d: {  	_ =	shalt  }
0x3e: {  	_ =	shalt  }
0x3f: {  	_ =	shalt  }
0x40: {  	_ =	shalt  }
0x41: {  	_ =	shalt  }
0x42: {  	_ =	shalt  }
0x43: {  	_ =	shalt  }
0x44: {  	_ =	shalt  }
0x45: {  	_ =	shalt  }
0x46: {  	_ =	shalt  }
0x47: {  	_ =	shalt  }
0x48: {  	_ =	shalt  }
0x49: {  	_ =	shalt  }
0x4a: {  	_ =	shalt  }
0x4b: {  	_ =	shalt  }
0x4c: {  	_ =	shalt  }
0x4d: {  	_ =	shalt  }
0x4e: {  	_ =	shalt  }
0x4f: {  	_ =	shalt  }
0x50: {  	_ =	shalt  }
0x51: {  	_ =	shalt  }
0x52: {  	_ =	shalt  }
0x53: {  	_ =	shalt  }
0x54: {  	_ =	shalt  }
0x55: {  	_ =	shalt  }
0x56: {  	_ =	shalt  }
0x57: {  	_ =	shalt  }
0x58: {  	_ =	shalt  }
0x59: {  	_ =	shalt  }
0x5a: {  	_ =	shalt  }
0x5b: {  	_ =	shalt  }
0x5c: {  	_ =	shalt  }
0x5d: {  	_ =	shalt  }
0x5e: {  	_ =	shalt  }
0x5f: {  	_ =	shalt  }
0x60: {  	_ =	shalt  }
0x61: {  	_ =	shalt  }
0x62: {  	_ =	shalt  }
0x63: {  	_ =	shalt  }
0x64: {  	_ =	shalt  }
0x65: {  	_ =	shalt  }
0x66: {  	_ =	shalt  }
0x67: {  	_ =	shalt  }
0x68: {  	_ =	shalt  }
0x69: {  	_ =	shalt  }
0x6a: {  	_ =	shalt  }
0x6b: {  	_ =	shalt  }
0x6c: {  	_ =	shalt  }
0x6d: {  	_ =	shalt  }
0x6e: {  	_ =	shalt  }
0x6f: {  	_ =	shalt  }
0x70: {  	_ =	shalt  }
0x71: {  	_ =	shalt  }
0x72: {  	_ =	shalt  }
0x73: {  	_ =	shalt  }
0x74: {  	_ =	shalt  }
0x75: {  	_ =	shalt  }
0x76: {  	_ =	shalt  }
0x77: {  	_ =	shalt  }
0x78: {  	_ =	shalt  }
0x79: {  	_ =	shalt  }
0x7a: {  	_ =	shalt  }
0x7b: {  	_ =	shalt  }
0x7c: {  	_ =	shalt  }
0x7d: {  	_ =	shalt  }
0x7e: {  	_ =	shalt  }
0x7f: {  	_ =	shalt  }
0x80: {  	_ =	shalt  }
0x81: {  	_ =	shalt  }
0x82: {  	_ =	shalt  }
0x83: {  	_ =	shalt  }
0x84: {  	_ =	shalt  }
0x85: {  	_ =	shalt  }
0x86: {  	_ =	shalt  }
0x87: {  	_ =	shalt  }
.Lfunc_end0:
.L_simem_size_0:
called_computation_lowered:
.L_overlay_start_0:
0x88: {  	s2 =	sld [smem:$0x3FD9]  }
0x89: {  	s3 =	sld [smem:$0x3FFE];
	_ =	sdelay $0x1  }
0x8a: {  	s1 =	srdreg.scid  }
0x8b: {  	s0 =	sand.u32 $0x1, s1  }
0x8c: {  	s14 =	sshll.u32 s0, $0xA;
	s2 =	sadd.s32 s3, s2  }
0x8d: {  	s2 =	sadd.s32 s2, s14  }
0x8e: {  	[smem:$0x3FC0] =	sst s2  }
0x8f: {  	_ = 	snop  }
0x90: {  	s2 =	sld [smem:$0x3FD0];
	_ =	sdelay $0x2  }
0x91: {  	s15 =	simm.s32 $0xB;
	s4 =	simm.s32 $0x10  }
0x92: {  	[smem:s4], [sflag:s15] =	dma.local [hbm:s2], $0x1  }
0x93: {  	_ =	swait.eq [sflag:s15], $0x1  }
0x94: {  	[sflag:s15] =	ssyncset.done $0x0  }
0x95: {  	[sflag:s15] =	ssyncadd.s32 $0xFFFFFFFF  }
0x96: {  	s16 =	sld [smem:$0x10];
	(tm) =	ssettm $0x1  }
0x97: {  	s17 =	sld [smem:$0x3FFB];
	_ =	sdelay $0x3  }
0x98: {  	_ =	strace s17  }
0x99: {  	s3 =	sld [smem:$0x3FFC];
	_ =	sdelay $0x3  }
0x9a: {  	_ =	strace s3  }
0x9b: {  	s3 =	sld [smem:$0x3FFD];
	_ =	sdelay $0x3  }
0x9c: {  	_ =	strace s3  }
0x9d: {  	_ =	strace $0x8FFFFFFF  }
0x9e: {  	s18 =	sld [smem:$0x3FDB];
	_ =	sdelay $0x1  }
0x9f: {  	s19 =	simm.s32 $_scs_section_size  }
0xa0: {  	s5 =	simm.s32 $_size__tile_overlayer_lowered;
	s6 =	simm.s32 $_tile_overlayer_lowered  }
0xa1: {  	s22 =	simm.s32 $0x1BFF;
	s21 =	sshll.u32 s6, $0x1;
	s3 =	sadd.s32 s19, s18  }
0xa2: {  	s7 =	simm.s32 $0x0;
	s20 =	sshll.u32 s5, $0x1;
	s5 =	sadd.s32 s21, s3  }
0xa3: {  	[timem:s7], [sflag:s22] =	dma.local [hbm:s5], s20  }
0xa4: {  	_ =	swait.ge [sflag:s22], s20  }
0xa5: {  	s4 =	ssub.s32 $0x0, s20;
	[sflag:s22] =	ssyncset.done $0x0  }
0xa6: {  	[sflag:s22] =	ssyncadd.s32 s4;
	_ =	sdelay $0x1  }
0xa7: {  	s23 =	simm.s32 $0x1B8B  }
0xa8: {  	_ =	swait.ge [sflag:s23], $0x1  }
0xa9: {  	[sflag:s23] =	ssyncset.done $0x0  }
0xaa: {  	s25 =	simm.s32 $0x1B8E;
	s24 =	sld [smem:$0x3FFE];
	[sflag:s23] =	ssyncadd.s32 $0xFFFFFFFF  }
0xab: {  	s26 =	simm.s32 $execute0_lowered;
	[smem:$0x3FD2] =	sst s25  }
0xac: {  	s5 =	sshll.u32 s26, $0x1;
	_ =	strace $0x80000046;
	[dreg:$0x1] =	wrdreg $0xFFFFFFFF  }
0xad: {  	s28 =	simm.s32 $_size_execute0_lowered;
	s3 =	sadd.s32 s3, s5;
	[dreg:$0x0] =	wrdreg $0x0  }
0xae: {  	s5 =	sshll.u32 s28, $0x1;
	[dreg:$0x2] =	wrdreg s3  }
0xaf: {  	[dreg:$0x3] =	wrdreg s5  }
0xb0: {  	[dreg:$0x4] =	wrdreg $0xC0  }
0xb1: {  	_ =	task [dreg:s7], $0x5FFFF  }
0xb2: {  	[dreg:$0x1] =	wrdreg $0xFFFFFFFF  }
0xb3: {  	[dreg:$0x0] =	wrdreg $0x60  }
0xb4: {  	[dreg:$0x2] =	wrdreg s24  }
0xb5: {  	[dreg:$0x3] =	wrdreg s16  }
0xb6: {  	[dreg:$0x4] =	wrdreg $0x38000  }
0xb7: {  	[dreg:$0x5] =	wrdreg $0x9  }
0xb8: {  	_ =	task.clear_ibuf [dreg:s7], $0x6FFFF;
	_ =	strace $0x90000046  }
0xb9: {  	s29 =	simm.s32 $0x9;
	_ =	strace $0x80000048  }
0xba: {  	_ =	swait.ge [sflag:s29], $0x1  }
0xbb: {  	[sflag:s29] =	ssyncadd.s32 $0xFFFFFFFF  }
0xbc: {  	_ =	strace $0x90000048  }
0xbd: {  	_ =	sfence  }
0xbe: {  	s30 =	sld [smem:$0x0];
	_ =	sdelay $0x2  }
0xbf: {  	s31 =	sshll.u32 s1, $0xD;
	s1 =	sshrl.u32 s1, $0x2  }
0xc0: {  	s3 =	sand.u32 $0x4000, s31;
	s1 =	sadd.s32 s1, s30  }
0xc1: {  	s0 =	sor.u32 s3, s0;
	s1 =	sshll.u32 s1, $0x11  }
0xc2: {  	s0 =	sor.u32 s1, s0  }
0xc3: {  	s0 =	sadd.s32 $0x8F2B, s0  }
0xc4: {  	[sflag:s0] =	ssyncadd.remote.s32 $0x1  }
0xc5: {  	_ =	sfence.sel $0xFFFF  }
0xc6: {  	[dreg:$0x0] =	wrdreg $0xFFFFFFFF;
	(pc) =	sbr.abs _section_cstart, $3  }
0xc7: {  	[dreg:$0x1] =	wrdreg $0xFFFFFFFF  }
0xc8: {  	_ =	task.clear_ibuf [dreg:s7], $0x2FFFF;
	_ =	strace $0x9FFFFFFF  }
0xc9: {  	(tm) =	ssettm $0x7FFFFFFF  }
tec
execute0_lowered:
.L_overlay_start_1:
0x0: {  	(tag) =	ssettag $0x1  }
0x1: {  	s5 =	rddreg [dreg:$0x0]  }
0x2: {  	s7 =	rddreg [dreg:$0x1]  }
0x3: {  	s2 =	rddreg [dreg:$0x2]  }
0x4: {  	s0 =	rddreg [dreg:$0x3]  }
0x5: {  	s1 =	stileid.u32;
	s3 =	simm.s32 $0x0;
	s4 =	srdreg.scid  }
0x6: {  	s18 =	simm.s32 $0x800;
	s19 =	simm.s32 $0x80;
	s20 =	simm.s32 $0x2  }
0x7: {  	s21 =	simm.s32 $0x3600;
	s22 =	simm.s32 $0x3680;
	s6 =	smul.u32 $0x2800, s1  }
0x8: {  	s23 =	simm.s32 $0x3700;
	s24 =	simm.s32 $0x0;
	s30 =	smul.u32 $0x2710, s1  }
0x9: {  	[smem:$0x7FF] =	sst s3;
	s9 =	sand.u32 $0x1, s4;
	s17 =	smul.u32 $0x27100, s1  }
0xa: {  	s4 =	sadd.s32 $0x4E5200, s5;
	s29 =	sshll.u32 s1, $0x6;
	s10 =	smul.u32 $0x28000, s9  }
0xb: {  	_ =	strace $0x80000047;
	s11 =	sshll.u32 s9, $0x4;
	s16 =	smul.u32 $0x27100, s9  }
0xc: {  	s12 =	ssub.s32 $0x2, s9;
	s31 =	smul.u32 $0x271000, s9;
	s11 =	sor.u32 s1, s11  }
0xd: {  	s8 =	sshrl.u32 s6, $0x3;
	s13 =	sshrl.u32 s12, $0x1;
	s14 =	smul.u32 $0x500, s11  }
0xe: {  	s15 =	sadd.s32 s6, s2;
	s8 =	sadd.s32 s8, s5;
	s28 =	smul.u32 $0x4E20, s11  }
0xf: {  	s10 =	sadd.s32 s6, s10;
	s12 =	ssub.s32 s12, s13;
	s11 =	smul.u32 $0x27100, s11  }
0x10: {  	s6 =	sor.u32 $0x1C03, s29;
	s13 =	sadd.s32 s17, s31;
	s15 =	sshrl.u32 s15, $0x3  }
0x11: {  	s17 =	simm.s32 $0x1;
	s10 =	sshrl.u32 s10, $0x3;
	s13 =	sadd.s32 $0x1000, s13  }
0x12: {  	s10 =	sadd.s32 s10, s5;
	s5 =	sadd.s32 $0x3200, s8;
	s7 =	sadd.s32 s7, s14  }
0x13: {  	s11 =	sshrl.u32 s11, $0x3;
	s8 =	sadd.s32 s4, s28;
	s14 =	sadd.s32 s30, s16  }
0x14: {  	s16 =	simm.s32 $0x3;
	s11 =	sadd.s32 s4, s11;
	s14 =	sshll.u32 s14, $0x1  }
0x15: {  	s10 =	sadd.s32 $0x8200, s10;
	s9 =	sadd.s32 $0x4E00, s11;
	s14 =	sadd.s32 s4, s14  }
0x16: {  	s11 =	smax.u32 s12, $0x1;
	s12 =	sadd.s32 $0x4D00, s8;
	s14 =	sadd.s32 $0x100, s14  }
.LBB2_1:
0x17: {  	[spmem:s15], [sflag:s6] =	dma.local [hbm:s5], $0x500  }
0x18: {  	_ =	swait.ge [sflag:s16], $0x500  }
0x19: {  	[sflag:s16] =	ssyncset.done $0x0  }
0x1a: {  	s25 =	simm.s32 $0x1000;
	[sflag:s16] =	ssyncadd.s32 $0xFFFFFB00  }
0x1b: {  	[tilespmem:s25], [sflag:$0x3] =	stream.linear.gather [hbm4b:s7+s3], $0x2800, $0x38;
	[tilespmem:$0x6000] =	vst v63  }
0x1c: {  	_ =	swait.ge [sflag:s16], $0x2800  }
0x1d: {  	[sflag:s16] =	ssyncset.done $0x0  }
0x1e: {  	[sflag:s16] =	ssyncadd.s32 $0xFFFFD800  }
0x1f: {  	[bflag:$0x0] =	sbarrier.arrive $0xFFFF  }
0x20: {  	[tilespmem:s3], [sflag:$0x1] =	stream.linear.gather [hbm4b:s8+s3], $0x800, $0x38;
	[tilespmem:$0x6000] =	vst v63  }
0x21: {  	_ =	swait.ge [sflag:s17], $0x800  }
0x22: {  	[sflag:s17] =	ssyncset.done $0x0  }
0x23: {  	s26 =	sadd.s32 $0x0, s14;
	[sflag:s17] =	ssyncadd.s32 $0xFFFFF800  }
0x24: {  	[tilespmem:s18], [sflag:$0x2] =	stream.linear.gather [hbm4b:s26+s3], $0x800, $0x38;
	[tilespmem:$0x6000] =	vst v63  }
0x25: {  	_ = 	snop  }
0x26: {  	[spmem:s2] =	stream.indirect.scatter.add.f32 [tilespmem:s3], [sflag:$0x3], $0x10, s25, s19, $0xb8;
	[tilespmem:$0x6000] =	vst v63  }
0x27: {  	_ =	swait.ge [sflag:s16], $0x800  }
0x28: {  	[sflag:s16] =	ssyncset.done $0x0  }
0x29: {  	[sflag:s16] =	ssyncadd.s32 $0xFFFFF800  }
0x2a: {  	_ =	swait.ge [sflag:s20], $0x800  }
0x2b: {  	s30 =	sshrl.u32 s13, $0x3;
	[sflag:s20] =	ssyncset.done $0x0  }
0x2c: {  	s26 =	sadd.s32 s4, s30;
	[sflag:s20] =	ssyncadd.s32 $0xFFFFF800  }
0x2d: {  	[tilespmem:s3], [sflag:$0x1] =	stream.linear.gather [hbm4b:s26+s3], $0x800, $0x38;
	[tilespmem:$0x6000] =	vst v63  }
0x2e: {  	s31 =	simm.s32 $0x1080  }
0x2f: {  	[spmem:s2] =	stream.indirect.scatter.add.f32 [tilespmem:s18], [sflag:$0x3], $0x10, s31, s19, $0xb8;
	[tilespmem:$0x6000] =	vst v63  }
0x30: {  	_ =	swait.ge [sflag:s16], $0x800  }
0x31: {  	s28 =	smov.u32 s13;
	s26 =	simm.s32 $0x200;
	[sflag:s16] =	ssyncset.done $0x0  }
.LBB2_2:
0x32: {  	[sflag:s16] =	ssyncadd.s32 $0xFFFFF800;
	s28 =	sadd.s32 $0x1000, s28;
	s25 =	sadd.s32 $0x100, s25  }
0x33: {  	p0 =	sne.s32 s26, $0x4A00;
	s29 =	smov.u32 s26;
	s26 =	sadd.s32 $0x200, s26  }
0x34: {  	_ =	swait.ge [sflag:s17], $0x800  }
0x35: {  	[sflag:s17] =	ssyncset.done $0x0  }
0x36: {  	s29 =	sadd.s32 s29, s14;
	[sflag:s17] =	ssyncadd.s32 $0xFFFFF800  }
0x37: {  	[tilespmem:s18], [sflag:$0x2] =	stream.linear.gather [hbm4b:s29+s3], $0x800, $0x38;
	[tilespmem:$0x6000] =	vst v63  }
0x38: {  	_ = 	snop  }
0x39: {  	[spmem:s2] =	stream.indirect.scatter.add.f32 [tilespmem:s3], [sflag:$0x3], $0x10, s25, s19, $0xb8;
	[tilespmem:$0x6000] =	vst v63  }
0x3a: {  	_ =	swait.ge [sflag:s16], $0x800  }
0x3b: {  	[sflag:s16] =	ssyncset.done $0x0  }
0x3c: {  	[sflag:s16] =	ssyncadd.s32 $0xFFFFF800  }
0x3d: {  	_ =	swait.ge [sflag:s20], $0x800  }
0x3e: {  	s29 =	sshrl.u32 s28, $0x3;
	[sflag:s20] =	ssyncset.done $0x0  }
0x3f: {  	s29 =	sadd.s32 s4, s29;
	[sflag:s20] =	ssyncadd.s32 $0xFFFFF800  }
0x40: {  	[tilespmem:s3], [sflag:$0x1] =	stream.linear.gather [hbm4b:s29+s3], $0x800, $0x38;
	[tilespmem:$0x6000] =	vst v63  }
.Ltmp0:
0x41: {  	_ = 	snop;
	(pc) =	sbr.rel @p0 .LBB2_2-.Ltmp0, $4  }
0x42: {  	s29 =	sadd.s32 $0x80, s25  }
0x43: {  	[spmem:s2] =	stream.indirect.scatter.add.f32 [tilespmem:s18], [sflag:$0x3], $0x10, s29, s19, $0xb8;
	[tilespmem:$0x6000] =	vst v63  }
0x44: {  	_ =	swait.ge [sflag:s16], $0x800  }
0x45: {  	[sflag:s16] =	ssyncset.done $0x0  }
0x46: {  	[sflag:s16] =	ssyncadd.s32 $0xFFFFF800  }
0x47: {  	_ =	swait.ge [sflag:s17], $0x800  }
0x48: {  	[sflag:s17] =	ssyncset.done $0x0  }
0x49: {  	[sflag:s17] =	ssyncadd.s32 $0xFFFFF800  }
0x4a: {  	[tilespmem:s18], [sflag:$0x2] =	stream.linear.gather [hbm4b:s12+s3], $0x800, $0x38;
	[tilespmem:$0x6000] =	vst v63  }
0x4b: {  	_ = 	snop  }
0x4c: {  	[spmem:s2] =	stream.indirect.scatter.add.f32 [tilespmem:s3], [sflag:$0x3], $0x10, s21, s19, $0xb8;
	[tilespmem:$0x6000] =	vst v63  }
0x4d: {  	_ =	swait.ge [sflag:s16], $0x800  }
0x4e: {  	[sflag:s16] =	ssyncset.done $0x0  }
0x4f: {  	[sflag:s16] =	ssyncadd.s32 $0xFFFFF800  }
0x50: {  	_ =	swait.ge [sflag:s20], $0x800  }
0x51: {  	[sflag:s20] =	ssyncset.done $0x0  }
0x52: {  	[sflag:s20] =	ssyncadd.s32 $0xFFFFF800  }
0x53: {  	[spmem:s2] =	stream.indirect.scatter.add.f32 [tilespmem:s18], [sflag:$0x3], $0x10, s22, s19, $0xb8;
	[tilespmem:$0x6000] =	vst v63  }
0x54: {  	_ =	swait.ge [sflag:s16], $0x800  }
0x55: {  	[sflag:s16] =	ssyncset.done $0x0  }
0x56: {  	[sflag:s16] =	ssyncadd.s32 $0xFFFFF800  }
0x57: {  	[tilespmem:s3], [sflag:$0x3] =	stream.linear.gather [hbm4b:s9+s3], $0x100, $0x38;
	[tilespmem:$0x6000] =	vst v63  }
0x58: {  	_ =	swait.ge [sflag:s16], $0x100  }
0x59: {  	[sflag:s16] =	ssyncset.done $0x0  }
0x5a: {  	[sflag:s16] =	ssyncadd.s32 $0xFFFFFF00  }
0x5b: {  	[spmem:s2] =	stream.indirect.scatter.add.f32 [tilespmem:s3], [sflag:$0x3], $0x10, s23, s19, $0xb8;
	[tilespmem:$0x6000] =	vst v63  }
0x5c: {  	_ =	swait.ge [sflag:s16], $0x800  }
0x5d: {  	s24 =	sadd.s32 $0x1, s24;
	[sflag:s16] =	ssyncset.done $0x0  }
0x5e: {  	p0 =	sne.s32 s24, s11;
	[sflag:s16] =	ssyncadd.s32 $0xFFFFF800  }
.Ltmp1:
0x5f: {  	[bflag:$0x0] =	sbarrier.arrive $0xFFFF;
	(pc) =	sbr.rel @p0 .LBB2_1-.Ltmp1, $4  }
0x60: {  	[hbm:s10], [sflag:s6] =	dma.local [spmem:s15], $0x500  }
0x61: {  	_ =	swait.ge [sflag:s16], $0x500  }
0x62: {  	[sflag:s16] =	ssyncset.done $0x0  }
0x63: {  	[sflag:s16] =	ssyncadd.s32 $0xFFFFFB00  }
0x64: {  	_ =	sfence.sel $0x180000  }
0x65: {  	[bflag:$0x0] =	sbarrier.arrive $0xFFFF  }
0x66: {  	p0 =	sne.s32 s1, $0x0;
	_ =	strace $0x90000047  }
0x67: {  	s0 =	sadd.s32 @!p0 $0x100000, s0;
	[bflag:$0x2] =	sbarrier.arrive $0xFFFF  }
0x68: {  	[sflag:s0] =	ssyncadd.tile.s32 @!p0 $0x1;
	_ =	shalt  }
.Lfunc_end2:
_tile_overlayer_lowered:
.L_overlay_start_2:
0x69: {  	(tag) =	ssettag $0x2  }
0x6a: {  	s0 =	rddreg [dreg:$0x0];
	s2 =	stileid.u32  }
0x6b: {  	s1 =	rddreg [dreg:$0x1];
	p0 =	sne.s32 s2, $0x0  }
0x6c: {  	s3 =	rddreg [dreg:$0x2];
	[bflag:$0x3] =	sbarrier.arrive $0xFFFF;
	s2 =	simm.s32 @!p0 $0x1C03  }
0x6d: {  	[timem:s3], [sflag:s2] =	dma.local @!p0 [hbm:s0], s1  }
0x6e: {  	s0 =	simm.s32 @!p0 $0x3  }
0x6f: {  	_ =	swait.ge @!p0 [sflag:s0], s1  }
0x70: {  	s1 =	ssub.s32 @!p0 $0x0, s1;
	[sflag:s0] =	ssyncset.done @!p0 $0x0  }
0x71: {  	[sflag:s0] =	ssyncadd.s32 @!p0 s1  }
0x72: {  	[bflag:$0x3] =	sbarrier.arrive $0xFFFF  }
0x73: {  	_ =	shalt  }

</sc_bundles>
